<compile_context>
chip_gen: v7x
topology: tpu7x:2x2x1
jax: 0.10.2.dev20260603
libtpu: 0.0.44.dev20260713+nightly
codegen_flags: <defaults>
</compile_context>

<pallas_src>
import functools

import jax
import jax.numpy as jnp
from jax import lax
from jax.experimental import pallas as pl
from jax.experimental.pallas import tpu as pltpu
from jax.experimental.pallas import tpu_sc as plsc

_CHUNK = 128
_NBUF = 6


def _sc_geometry():
    try:
        info = plsc.get_sparse_core_info()
        return info.num_cores, info.num_subcores
    except Exception:
        return 2, 16


@functools.lru_cache(maxsize=None)
def _build_gather(V, D, B0, n_chunks, NC, NS):
    NW = NC * NS
    per_w = n_chunks // NW
    span = per_w * _CHUNK
    last_base = B0 - _CHUNK
    last_span = B0 - span
    mesh = plsc.VectorSubcoreMesh(core_axis_name="c", subcore_axis_name="s")

    @functools.partial(
        pl.kernel,
        mesh=mesh,
        out_type=jax.ShapeDtypeStruct((B0, D), jnp.float32),
        scratch_types=(
            [pltpu.VMEM((span,), jnp.int32)]
            + [pltpu.VMEM((_NBUF, _CHUNK, D), jnp.float32)]
            + [pltpu.SemaphoreType.DMA for _ in range(_NBUF)]
        ),
    )
    def gather_kernel(table_hbm, idx_hbm, out_hbm, idx_v, stage, *sems):
        gsems = sems
        ssems = sems
        cid = lax.axis_index("c")
        sid = lax.axis_index("s")
        wid = sid * NC + cid
        src0 = jnp.minimum(wid * span, last_span)
        pltpu.sync_copy(idx_hbm.at[pl.ds(src0, span)], idx_v)

        def chunk_dst(j):
            return jnp.minimum(wid * span + j * _CHUNK, last_base)

        gathers = [None] * _NBUF
        scatters = [None] * _NBUF

        def start_gather(j):
            b = j % _NBUF
            if scatters[b] is not None:
                scatters[b].wait()
                scatters[b] = None
            idx_chunk = idx_v.at[pl.ds(chunk_dst(j) - src0, _CHUNK)]
            gathers[b] = pltpu.async_copy(table_hbm.at[idx_chunk],
                                          stage.at[b], gsems[b])

        for j in range(min(_NBUF - 1, per_w)):
            start_gather(j)
        for j in range(per_w):
            b = j % _NBUF
            gathers[b].wait()
            scatters[b] = pltpu.async_copy(
                stage.at[b], out_hbm.at[pl.ds(chunk_dst(j), _CHUNK)],
                ssems[b])
            nxt = j + _NBUF - 1
            if nxt < per_w:
                start_gather(nxt)
        for s in scatters:
            if s is not None:
                s.wait()

    return gather_kernel


def kernel(x, cluster, depth):
    B0 = cluster.shape[0]
    V, D = x.shape
    NC, NS = _sc_geometry()
    NW = NC * NS
    n_real = -(-B0 // _CHUNK)
    n_chunks = -(-n_real // NW) * NW
    idx = cluster.astype(jnp.int32)
    fn = _build_gather(V, D, B0, n_chunks, NC, NS)
    out = lax.cond(
        depth != 0,
        lambda: fn(x, idx),
        lambda: jnp.zeros((B0, D), jnp.float32),
    )
    return out

# --- scband reference (transcript-rebuilt; emitter-appended) ---
"""Pipeline reference for scband-unpooling-graph-45655502356538 (READ-ONLY COPY).

The authoritative reference and input builder live on the scoring server;
editing this copy changes nothing except your own understanding.
"""

import jax, jax.numpy as jnp
import numpy as np


def setup_inputs(seed: int = 0) -> dict:
    key = jax.random.key(seed)
    k1, k2 = jax.random.split(key)
    x = jax.random.normal(k1, (25000, 128), dtype=jnp.float32)
    cluster = jax.random.randint(k2, (100000,), 0, 25000, dtype=jnp.int64)
    depth = 1
    return {"x": x, "cluster": cluster, "depth": depth}


def reference(x, cluster, depth):
    # torch: cluster[..., None].repeat(1, feature_dim); torch.gather(x, 0, cluster)
    # Since the index is the same along the feature dim, this is a row gather.
    out = jnp.take(x, cluster, axis=0)
    out = jnp.where(depth != 0, out, jnp.zeros_like(out))
    return out

if __name__ == "__main__":
    import jax
    _d = setup_inputs()
    print(jax.jit(kernel)(*tuple(_d.values())))

</pallas_src>

<mosaic_0001>
#map = affine_map<(d0, d1) -> (0, 0)>
#map1 = affine_map<(d0, d1) -> (0)>
module attributes {stable_mosaic.version = 14 : i64} {
  func.func @gather_kernel(%arg0: i32, %arg1: i32, %arg2: memref<25000x128xf32, #tpu.memory_space<hbm>>, %arg3: memref<100000xi32, #tpu.memory_space<hbm>>, %arg4: memref<100000x128xf32, #tpu.memory_space<hbm>>, %arg5: memref<3200xi32, #tpu.memory_space<vmem>>, %arg6: memref<6x128x128xf32, #tpu.memory_space<vmem>>, %arg7: memref<!tpu.dma_semaphore, #tpu.memory_space<semaphore_mem>>, %arg8: memref<!tpu.dma_semaphore, #tpu.memory_space<semaphore_mem>>, %arg9: memref<!tpu.dma_semaphore, #tpu.memory_space<semaphore_mem>>, %arg10: memref<!tpu.dma_semaphore, #tpu.memory_space<semaphore_mem>>, %arg11: memref<!tpu.dma_semaphore, #tpu.memory_space<semaphore_mem>>, %arg12: memref<!tpu.dma_semaphore, #tpu.memory_space<semaphore_mem>>) attributes {dimension_semantics = [#tpu.dimension_semantics<core_parallel>, #tpu.dimension_semantics<subcore_parallel>], iteration_bounds = array<i64: 2, 16>, scalar_prefetch = 0 : i64, scratch_operands = 8 : i64, tpu.core_type = #tpu.core_type<sc_vector_subcore>, window_params = [{transform_indices = #map}, {transform_indices = #map1}, {transform_indices = #map}]} {
    %mul3A = arith.constant 2 : i32
    %mul3A_0 = arith.muli %arg1, %mul3A : i32
    %add3A = arith.addi %mul3A_0, %arg0 : i32
    %mul3A_1 = arith.constant 3200 : i32
    %mul3A_2 = arith.muli %add3A, %mul3A_1 : i32
    %min3A = arith.constant 96800 : i32
    %min3A_3 = arith.minsi %mul3A_2, %min3A : i32
    "tpu.region"() ({
      %run_scoped3A = tpu.sem_alloc : memref<!tpu.dma_semaphore, #tpu.memory_space<semaphore_mem>>
      %dma_start3A_1426 = tpu.memref_slice %arg3[%min3A_3] : memref<100000xi32, #tpu.memory_space<hbm>> -> memref<3200xi32, #tpu.memory_space<hbm>>
      %dma_start3A_1427 = tpu.memref_slice %arg3[%min3A_3] : memref<100000xi32, #tpu.memory_space<hbm>> -> memref<3200xi32, #tpu.memory_space<hbm>>
      tpu.enqueue_dma source(%dma_start3A_1427 : memref<3200xi32, #tpu.memory_space<hbm>>) target(%arg5 : memref<3200xi32, #tpu.memory_space<vmem>>) target_semaphore(%run_scoped3A : memref<!tpu.dma_semaphore, #tpu.memory_space<semaphore_mem>>)
      %dma_wait3A_1428 = tpu.memref_slice %arg3[%min3A_3] : memref<100000xi32, #tpu.memory_space<hbm>> -> memref<3200xi32, #tpu.memory_space<hbm>>
      %dma_wait3A_1429 = tpu.memref_slice %arg3[%min3A_3] : memref<100000xi32, #tpu.memory_space<hbm>> -> memref<3200xi32, #tpu.memory_space<hbm>>
      tpu.wait_dma2 semaphore(%run_scoped3A : memref<!tpu.dma_semaphore, #tpu.memory_space<semaphore_mem>>) src(%dma_wait3A_1429 : memref<3200xi32, #tpu.memory_space<hbm>>) dst(%arg5 : memref<3200xi32, #tpu.memory_space<vmem>>)
      tpu.yield
    }) : () -> ()
    %mul3A_4 = arith.constant 3200 : i32
    %mul3A_5 = arith.muli %add3A, %mul3A_4 : i32
    %add3A_6 = arith.constant 0 : i32
    %add3A_7 = arith.addi %mul3A_5, %add3A_6 : i32
    %min3A_8 = arith.constant 99872 : i32
    %min3A_9 = arith.minsi %add3A_7, %min3A_8 : i32
    %sub3A = arith.subi %min3A_9, %min3A_3 : i32
    %dma_start3A = arith.constant 0 : i32
    %dma_start3A_10 = arith.constant 0 : i32
    %dma_start3A_11 = arith.constant 0 : i32
    %dma_start3A_12 = tpu.memref_slice %arg6[%dma_start3A, %dma_start3A_10, %dma_start3A_11] : memref<6x128x128xf32, #tpu.memory_space<vmem>> -> memref<1x128x128xf32, #tpu.memory_space<vmem>>
    %dma_start3A_13 = tpu.memref_squeeze %dma_start3A_12 : memref<1x128x128xf32, #tpu.memory_space<vmem>> -> memref<128x128xf32, #tpu.memory_space<vmem>>
    %dma_start3A_14 = tpu.memref_slice %arg5[%sub3A] : memref<3200xi32, #tpu.memory_space<vmem>> -> memref<128xi32, #tpu.memory_space<vmem>>
    %dma_start3A_15 = arith.constant 0 : i32
    %dma_start3A_16 = arith.constant 0 : i32
    %dma_start3A_17 = tpu.memref_slice %arg2[%dma_start3A_15, %dma_start3A_16] : memref<25000x128xf32, #tpu.memory_space<hbm>> -> memref<25000x128xf32, #tpu.memory_space<hbm>>
    tpu.enqueue_indirect_dma source(%dma_start3A_17 : memref<25000x128xf32, #tpu.memory_space<hbm>>) target(%dma_start3A_13 : memref<128x128xf32, #tpu.memory_space<vmem>>) offsets(%dma_start3A_14 : memref<128xi32, #tpu.memory_space<vmem>>) semaphore(%arg7 : memref<!tpu.dma_semaphore, #tpu.memory_space<semaphore_mem>>)
    %mul3A_18 = arith.constant 3200 : i32
    %mul3A_19 = arith.muli %add3A, %mul3A_18 : i32
    %add3A_20 = arith.constant 128 : i32
    %add3A_21 = arith.addi %mul3A_19, %add3A_20 : i32
    %min3A_22 = arith.constant 99872 : i32
    %min3A_23 = arith.minsi %add3A_21, %min3A_22 : i32
    %sub3A_24 = arith.subi %min3A_23, %min3A_3 : i32
    %dma_start3A_25 = arith.constant 1 : i32
    %dma_start3A_26 = arith.constant 0 : i32
    %dma_start3A_27 = arith.constant 0 : i32
    %dma_start3A_28 = tpu.memref_slice %arg6[%dma_start3A_25, %dma_start3A_26, %dma_start3A_27] : memref<6x128x128xf32, #tpu.memory_space<vmem>> -> memref<1x128x128xf32, #tpu.memory_space<vmem>>
    %dma_start3A_29 = tpu.memref_squeeze %dma_start3A_28 : memref<1x128x128xf32, #tpu.memory_space<vmem>> -> memref<128x128xf32, #tpu.memory_space<vmem>>
    %dma_start3A_30 = tpu.memref_slice %arg5[%sub3A_24] : memref<3200xi32, #tpu.memory_space<vmem>> -> memref<128xi32, #tpu.memory_space<vmem>>
    %dma_start3A_31 = arith.constant 0 : i32
    %dma_start3A_32 = arith.constant 0 : i32
    %dma_start3A_33 = tpu.memref_slice %arg2[%dma_start3A_31, %dma_start3A_32] : memref<25000x128xf32, #tpu.memory_space<hbm>> -> memref<25000x128xf32, #tpu.memory_space<hbm>>
    tpu.enqueue_indirect_dma source(%dma_start3A_33 : memref<25000x128xf32, #tpu.memory_space<hbm>>) target(%dma_start3A_29 : memref<128x128xf32, #tpu.memory_space<vmem>>) offsets(%dma_start3A_30 : memref<128xi32, #tpu.memory_space<vmem>>) semaphore(%arg8 : memref<!tpu.dma_semaphore, #tpu.memory_space<semaphore_mem>>)
    %mul3A_34 = arith.constant 3200 : i32
    %mul3A_35 = arith.muli %add3A, %mul3A_34 : i32
    %add3A_36 = arith.constant 256 : i32
    %add3A_37 = arith.addi %mul3A_35, %add3A_36 : i32
    %min3A_38 = arith.constant 99872 : i32
    %min3A_39 = arith.minsi %add3A_37, %min3A_38 : i32
    %sub3A_40 = arith.subi %min3A_39, %min3A_3 : i32
    %dma_start3A_41 = arith.constant 2 : i32
    %dma_start3A_42 = arith.constant 0 : i32
    %dma_start3A_43 = arith.constant 0 : i32
    %dma_start3A_44 = tpu.memref_slice %arg6[%dma_start3A_41, %dma_start3A_42, %dma_start3A_43] : memref<6x128x128xf32, #tpu.memory_space<vmem>> -> memref<1x128x128xf32, #tpu.memory_space<vmem>>
    %dma_start3A_45 = tpu.memref_squeeze %dma_start3A_44 : memref<1x128x128xf32, #tpu.memory_space<vmem>> -> memref<128x128xf32, #tpu.memory_space<vmem>>
    %dma_start3A_46 = tpu.memref_slice %arg5[%sub3A_40] : memref<3200xi32, #tpu.memory_space<vmem>> -> memref<128xi32, #tpu.memory_space<vmem>>
    %dma_start3A_47 = arith.constant 0 : i32
    %dma_start3A_48 = arith.constant 0 : i32
    %dma_start3A_49 = tpu.memref_slice %arg2[%dma_start3A_47, %dma_start3A_48] : memref<25000x128xf32, #tpu.memory_space<hbm>> -> memref<25000x128xf32, #tpu.memory_space<hbm>>
    tpu.enqueue_indirect_dma source(%dma_start3A_49 : memref<25000x128xf32, #tpu.memory_space<hbm>>) target(%dma_start3A_45 : memref<128x128xf32, #tpu.memory_space<vmem>>) offsets(%dma_start3A_46 : memref<128xi32, #tpu.memory_space<vmem>>) semaphore(%arg9 : memref<!tpu.dma_semaphore, #tpu.memory_space<semaphore_mem>>)
    %mul3A_50 = arith.constant 3200 : i32
    %mul3A_51 = arith.muli %add3A, %mul3A_50 : i32
    %add3A_52 = arith.constant 384 : i32
    %add3A_53 = arith.addi %mul3A_51, %add3A_52 : i32
    %min3A_54 = arith.constant 99872 : i32
    %min3A_55 = arith.minsi %add3A_53, %min3A_54 : i32
    %sub3A_56 = arith.subi %min3A_55, %min3A_3 : i32
    %dma_start3A_57 = arith.constant 3 : i32
    %dma_start3A_58 = arith.constant 0 : i32
    %dma_start3A_59 = arith.constant 0 : i32
    %dma_start3A_60 = tpu.memref_slice %arg6[%dma_start3A_57, %dma_start3A_58, %dma_start3A_59] : memref<6x128x128xf32, #tpu.memory_space<vmem>> -> memref<1x128x128xf32, #tpu.memory_space<vmem>>
    %dma_start3A_61 = tpu.memref_squeeze %dma_start3A_60 : memref<1x128x128xf32, #tpu.memory_space<vmem>> -> memref<128x128xf32, #tpu.memory_space<vmem>>
    %dma_start3A_62 = tpu.memref_slice %arg5[%sub3A_56] : memref<3200xi32, #tpu.memory_space<vmem>> -> memref<128xi32, #tpu.memory_space<vmem>>
    %dma_start3A_63 = arith.constant 0 : i32
    %dma_start3A_64 = arith.constant 0 : i32
    %dma_start3A_65 = tpu.memref_slice %arg2[%dma_start3A_63, %dma_start3A_64] : memref<25000x128xf32, #tpu.memory_space<hbm>> -> memref<25000x128xf32, #tpu.memory_space<hbm>>
    tpu.enqueue_indirect_dma source(%dma_start3A_65 : memref<25000x128xf32, #tpu.memory_space<hbm>>) target(%dma_start3A_61 : memref<128x128xf32, #tpu.memory_space<vmem>>) offsets(%dma_start3A_62 : memref<128xi32, #tpu.memory_space<vmem>>) semaphore(%arg10 : memref<!tpu.dma_semaphore, #tpu.memory_space<semaphore_mem>>)
    %mul3A_66 = arith.constant 3200 : i32
    %mul3A_67 = arith.muli %add3A, %mul3A_66 : i32
    %add3A_68 = arith.constant 512 : i32
    %add3A_69 = arith.addi %mul3A_67, %add3A_68 : i32
    %min3A_70 = arith.constant 99872 : i32
    %min3A_71 = arith.minsi %add3A_69, %min3A_70 : i32
    %sub3A_72 = arith.subi %min3A_71, %min3A_3 : i32
    %dma_start3A_73 = arith.constant 4 : i32
    %dma_start3A_74 = arith.constant 0 : i32
    %dma_start3A_75 = arith.constant 0 : i32
    %dma_start3A_76 = tpu.memref_slice %arg6[%dma_start3A_73, %dma_start3A_74, %dma_start3A_75] : memref<6x128x128xf32, #tpu.memory_space<vmem>> -> memref<1x128x128xf32, #tpu.memory_space<vmem>>
    %dma_start3A_77 = tpu.memref_squeeze %dma_start3A_76 : memref<1x128x128xf32, #tpu.memory_space<vmem>> -> memref<128x128xf32, #tpu.memory_space<vmem>>
    %dma_start3A_78 = tpu.memref_slice %arg5[%sub3A_72] : memref<3200xi32, #tpu.memory_space<vmem>> -> memref<128xi32, #tpu.memory_space<vmem>>
    %dma_start3A_79 = arith.constant 0 : i32
    %dma_start3A_80 = arith.constant 0 : i32
    %dma_start3A_81 = tpu.memref_slice %arg2[%dma_start3A_79, %dma_start3A_80] : memref<25000x128xf32, #tpu.memory_space<hbm>> -> memref<25000x128xf32, #tpu.memory_space<hbm>>
    tpu.enqueue_indirect_dma source(%dma_start3A_81 : memref<25000x128xf32, #tpu.memory_space<hbm>>) target(%dma_start3A_77 : memref<128x128xf32, #tpu.memory_space<vmem>>) offsets(%dma_start3A_78 : memref<128xi32, #tpu.memory_space<vmem>>) semaphore(%arg11 : memref<!tpu.dma_semaphore, #tpu.memory_space<semaphore_mem>>)
    %dma_wait3A = arith.constant 0 : i32
    %dma_wait3A_82 = arith.constant 0 : i32
    %dma_wait3A_83 = arith.constant 0 : i32
    %dma_wait3A_84 = tpu.memref_slice %arg6[%dma_wait3A, %dma_wait3A_82, %dma_wait3A_83] : memref<6x128x128xf32, #tpu.memory_space<vmem>> -> memref<1x128x128xf32, #tpu.memory_space<vmem>>
    %dma_wait3A_85 = tpu.memref_squeeze %dma_wait3A_84 : memref<1x128x128xf32, #tpu.memory_space<vmem>> -> memref<128x128xf32, #tpu.memory_space<vmem>>
    %dma_wait3A_86 = tpu.memref_slice %arg5[%sub3A] : memref<3200xi32, #tpu.memory_space<vmem>> -> memref<128xi32, #tpu.memory_space<vmem>>
    %dma_wait3A_87 = arith.constant 0 : i32
    %dma_wait3A_88 = arith.constant 0 : i32
    %dma_wait3A_89 = tpu.memref_slice %arg2[%dma_wait3A_87, %dma_wait3A_88] : memref<25000x128xf32, #tpu.memory_space<hbm>> -> memref<25000x128xf32, #tpu.memory_space<hbm>>
    tpu.wait_indirect_dma semaphore(%arg7 : memref<!tpu.dma_semaphore, #tpu.memory_space<semaphore_mem>>) src(%dma_wait3A_89 : memref<25000x128xf32, #tpu.memory_space<hbm>>) dst(%dma_wait3A_85 : memref<128x128xf32, #tpu.memory_space<vmem>>)
    %mul3A_90 = arith.constant 3200 : i32
    %mul3A_91 = arith.muli %add3A, %mul3A_90 : i32
    %add3A_92 = arith.constant 0 : i32
    %add3A_93 = arith.addi %mul3A_91, %add3A_92 : i32
    %min3A_94 = arith.constant 99872 : i32
    %min3A_95 = arith.minsi %add3A_93, %min3A_94 : i32
    %dma_start3A_96 = arith.constant 0 : i32
    %dma_start3A_97 = arith.constant 0 : i32
    %dma_start3A_98 = arith.constant 0 : i32
    %dma_start3A_99 = tpu.memref_slice %arg6[%dma_start3A_96, %dma_start3A_97, %dma_start3A_98] : memref<6x128x128xf32, #tpu.memory_space<vmem>> -> memref<1x128x128xf32, #tpu.memory_space<vmem>>
    %dma_start3A_100 = tpu.memref_squeeze %dma_start3A_99 : memref<1x128x128xf32, #tpu.memory_space<vmem>> -> memref<128x128xf32, #tpu.memory_space<vmem>>
    %dma_start3A_101 = arith.constant 0 : i32
    %dma_start3A_102 = tpu.memref_slice %arg4[%min3A_95, %dma_start3A_101] : memref<100000x128xf32, #tpu.memory_space<hbm>> -> memref<128x128xf32, #tpu.memory_space<hbm>>
    %dma_start3A_103 = arith.constant 0 : i32
    %dma_start3A_104 = tpu.memref_slice %arg4[%min3A_95, %dma_start3A_103] : memref<100000x128xf32, #tpu.memory_space<hbm>> -> memref<128x128xf32, #tpu.memory_space<hbm>>
    %dma_start3A_105 = arith.constant 0 : i32
    %dma_start3A_106 = arith.constant 0 : i32
    %dma_start3A_107 = tpu.memref_slice %arg6[%dma_start3A_96, %dma_start3A_105, %dma_start3A_106] : memref<6x128x128xf32, #tpu.memory_space<vmem>> -> memref<1x128x128xf32, #tpu.memory_space<vmem>>
    %dma_start3A_108 = tpu.memref_squeeze %dma_start3A_107 : memref<1x128x128xf32, #tpu.memory_space<vmem>> -> memref<128x128xf32, #tpu.memory_space<vmem>>
    tpu.enqueue_dma source(%dma_start3A_108 : memref<128x128xf32, #tpu.memory_space<vmem>>) target(%dma_start3A_104 : memref<128x128xf32, #tpu.memory_space<hbm>>) target_semaphore(%arg7 : memref<!tpu.dma_semaphore, #tpu.memory_space<semaphore_mem>>)
    %mul3A_109 = arith.constant 3200 : i32
    %mul3A_110 = arith.muli %add3A, %mul3A_109 : i32
    %add3A_111 = arith.constant 640 : i32
    %add3A_112 = arith.addi %mul3A_110, %add3A_111 : i32
    %min3A_113 = arith.constant 99872 : i32
    %min3A_114 = arith.minsi %add3A_112, %min3A_113 : i32
    %sub3A_115 = arith.subi %min3A_114, %min3A_3 : i32
    %dma_start3A_116 = arith.constant 5 : i32
    %dma_start3A_117 = arith.constant 0 : i32
    %dma_start3A_118 = arith.constant 0 : i32
    %dma_start3A_119 = tpu.memref_slice %arg6[%dma_start3A_116, %dma_start3A_117, %dma_start3A_118] : memref<6x128x128xf32, #tpu.memory_space<vmem>> -> memref<1x128x128xf32, #tpu.memory_space<vmem>>
    %dma_start3A_120 = tpu.memref_squeeze %dma_start3A_119 : memref<1x128x128xf32, #tpu.memory_space<vmem>> -> memref<128x128xf32, #tpu.memory_space<vmem>>
    %dma_start3A_121 = tpu.memref_slice %arg5[%sub3A_115] : memref<3200xi32, #tpu.memory_space<vmem>> -> memref<128xi32, #tpu.memory_space<vmem>>
    %dma_start3A_122 = arith.constant 0 : i32
    %dma_start3A_123 = arith.constant 0 : i32
    %dma_start3A_124 = tpu.memref_slice %arg2[%dma_start3A_122, %dma_start3A_123] : memref<25000x128xf32, #tpu.memory_space<hbm>> -> memref<25000x128xf32, #tpu.memory_space<hbm>>
    tpu.enqueue_indirect_dma source(%dma_start3A_124 : memref<25000x128xf32, #tpu.memory_space<hbm>>) target(%dma_start3A_120 : memref<128x128xf32, #tpu.memory_space<vmem>>) offsets(%dma_start3A_121 : memref<128xi32, #tpu.memory_space<vmem>>) semaphore(%arg12 : memref<!tpu.dma_semaphore, #tpu.memory_space<semaphore_mem>>)
    %dma_wait3A_125 = arith.constant 1 : i32
    %dma_wait3A_126 = arith.constant 0 : i32
    %dma_wait3A_127 = arith.constant 0 : i32
    %dma_wait3A_128 = tpu.memref_slice %arg6[%dma_wait3A_125, %dma_wait3A_126, %dma_wait3A_127] : memref<6x128x128xf32, #tpu.memory_space<vmem>> -> memref<1x128x128xf32, #tpu.memory_space<vmem>>
    %dma_wait3A_129 = tpu.memref_squeeze %dma_wait3A_128 : memref<1x128x128xf32, #tpu.memory_space<vmem>> -> memref<128x128xf32, #tpu.memory_space<vmem>>
    %dma_wait3A_130 = tpu.memref_slice %arg5[%sub3A_24] : memref<3200xi32, #tpu.memory_space<vmem>> -> memref<128xi32, #tpu.memory_space<vmem>>
    %dma_wait3A_131 = arith.constant 0 : i32
    %dma_wait3A_132 = arith.constant 0 : i32
    %dma_wait3A_133 = tpu.memref_slice %arg2[%dma_wait3A_131, %dma_wait3A_132] : memref<25000x128xf32, #tpu.memory_space<hbm>> -> memref<25000x128xf32, #tpu.memory_space<hbm>>
    tpu.wait_indirect_dma semaphore(%arg8 : memref<!tpu.dma_semaphore, #tpu.memory_space<semaphore_mem>>) src(%dma_wait3A_133 : memref<25000x128xf32, #tpu.memory_space<hbm>>) dst(%dma_wait3A_129 : memref<128x128xf32, #tpu.memory_space<vmem>>)
    %mul3A_134 = arith.constant 3200 : i32
    %mul3A_135 = arith.muli %add3A, %mul3A_134 : i32
    %add3A_136 = arith.constant 128 : i32
    %add3A_137 = arith.addi %mul3A_135, %add3A_136 : i32
    %min3A_138 = arith.constant 99872 : i32
    %min3A_139 = arith.minsi %add3A_137, %min3A_138 : i32
    %dma_start3A_140 = arith.constant 1 : i32
    %dma_start3A_141 = arith.constant 0 : i32
    %dma_start3A_142 = arith.constant 0 : i32
    %dma_start3A_143 = tpu.memref_slice %arg6[%dma_start3A_140, %dma_start3A_141, %dma_start3A_142] : memref<6x128x128xf32, #tpu.memory_space<vmem>> -> memref<1x128x128xf32, #tpu.memory_space<vmem>>
    %dma_start3A_144 = tpu.memref_squeeze %dma_start3A_143 : memref<1x128x128xf32, #tpu.memory_space<vmem>> -> memref<128x128xf32, #tpu.memory_space<vmem>>
    %dma_start3A_145 = arith.constant 0 : i32
    %dma_start3A_146 = tpu.memref_slice %arg4[%min3A_139, %dma_start3A_145] : memref<100000x128xf32, #tpu.memory_space<hbm>> -> memref<128x128xf32, #tpu.memory_space<hbm>>
    %dma_start3A_147 = arith.constant 0 : i32
    %dma_start3A_148 = tpu.memref_slice %arg4[%min3A_139, %dma_start3A_147] : memref<100000x128xf32, #tpu.memory_space<hbm>> -> memref<128x128xf32, #tpu.memory_space<hbm>>
    %dma_start3A_149 = arith.constant 0 : i32
    %dma_start3A_150 = arith.constant 0 : i32
    %dma_start3A_151 = tpu.memref_slice %arg6[%dma_start3A_140, %dma_start3A_149, %dma_start3A_150] : memref<6x128x128xf32, #tpu.memory_space<vmem>> -> memref<1x128x128xf32, #tpu.memory_space<vmem>>
    %dma_start3A_152 = tpu.memref_squeeze %dma_start3A_151 : memref<1x128x128xf32, #tpu.memory_space<vmem>> -> memref<128x128xf32, #tpu.memory_space<vmem>>
    tpu.enqueue_dma source(%dma_start3A_152 : memref<128x128xf32, #tpu.memory_space<vmem>>) target(%dma_start3A_148 : memref<128x128xf32, #tpu.memory_space<hbm>>) target_semaphore(%arg8 : memref<!tpu.dma_semaphore, #tpu.memory_space<semaphore_mem>>)
    %dma_wait3A_153 = arith.constant 0 : i32
    %dma_wait3A_154 = arith.constant 0 : i32
    %dma_wait3A_155 = arith.constant 0 : i32
    %dma_wait3A_156 = tpu.memref_slice %arg6[%dma_wait3A_153, %dma_wait3A_154, %dma_wait3A_155] : memref<6x128x128xf32, #tpu.memory_space<vmem>> -> memref<1x128x128xf32, #tpu.memory_space<vmem>>
    %dma_wait3A_157 = tpu.memref_squeeze %dma_wait3A_156 : memref<1x128x128xf32, #tpu.memory_space<vmem>> -> memref<128x128xf32, #tpu.memory_space<vmem>>
    %dma_wait3A_158 = arith.constant 0 : i32
    %dma_wait3A_159 = tpu.memref_slice %arg4[%min3A_95, %dma_wait3A_158] : memref<100000x128xf32, #tpu.memory_space<hbm>> -> memref<128x128xf32, #tpu.memory_space<hbm>>
    %dma_wait3A_160 = arith.constant 0 : i32
    %dma_wait3A_161 = tpu.memref_slice %arg4[%min3A_95, %dma_wait3A_160] : memref<100000x128xf32, #tpu.memory_space<hbm>> -> memref<128x128xf32, #tpu.memory_space<hbm>>
    %dma_wait3A_162 = arith.constant 0 : i32
    %dma_wait3A_163 = arith.constant 0 : i32
    %dma_wait3A_164 = tpu.memref_slice %arg6[%dma_wait3A_153, %dma_wait3A_162, %dma_wait3A_163] : memref<6x128x128xf32, #tpu.memory_space<vmem>> -> memref<1x128x128xf32, #tpu.memory_space<vmem>>
    %dma_wait3A_165 = tpu.memref_squeeze %dma_wait3A_164 : memref<1x128x128xf32, #tpu.memory_space<vmem>> -> memref<128x128xf32, #tpu.memory_space<vmem>>
    tpu.wait_dma2 semaphore(%arg7 : memref<!tpu.dma_semaphore, #tpu.memory_space<semaphore_mem>>) src(%dma_wait3A_165 : memref<128x128xf32, #tpu.memory_space<vmem>>) dst(%dma_wait3A_161 : memref<128x128xf32, #tpu.memory_space<hbm>>)
    %mul3A_166 = arith.constant 3200 : i32
    %mul3A_167 = arith.muli %add3A, %mul3A_166 : i32
    %add3A_168 = arith.constant 768 : i32
    %add3A_169 = arith.addi %mul3A_167, %add3A_168 : i32
    %min3A_170 = arith.constant 99872 : i32
    %min3A_171 = arith.minsi %add3A_169, %min3A_170 : i32
    %sub3A_172 = arith.subi %min3A_171, %min3A_3 : i32
    %dma_start3A_173 = arith.constant 0 : i32
    %dma_start3A_174 = arith.constant 0 : i32
    %dma_start3A_175 = arith.constant 0 : i32
    %dma_start3A_176 = tpu.memref_slice %arg6[%dma_start3A_173, %dma_start3A_174, %dma_start3A_175] : memref<6x128x128xf32, #tpu.memory_space<vmem>> -> memref<1x128x128xf32, #tpu.memory_space<vmem>>
    %dma_start3A_177 = tpu.memref_squeeze %dma_start3A_176 : memref<1x128x128xf32, #tpu.memory_space<vmem>> -> memref<128x128xf32, #tpu.memory_space<vmem>>
    %dma_start3A_178 = tpu.memref_slice %arg5[%sub3A_172] : memref<3200xi32, #tpu.memory_space<vmem>> -> memref<128xi32, #tpu.memory_space<vmem>>
    %dma_start3A_179 = arith.constant 0 : i32
    %dma_start3A_180 = arith.constant 0 : i32
    %dma_start3A_181 = tpu.memref_slice %arg2[%dma_start3A_179, %dma_start3A_180] : memref<25000x128xf32, #tpu.memory_space<hbm>> -> memref<25000x128xf32, #tpu.memory_space<hbm>>
    tpu.enqueue_indirect_dma source(%dma_start3A_181 : memref<25000x128xf32, #tpu.memory_space<hbm>>) target(%dma_start3A_177 : memref<128x128xf32, #tpu.memory_space<vmem>>) offsets(%dma_start3A_178 : memref<128xi32, #tpu.memory_space<vmem>>) semaphore(%arg7 : memref<!tpu.dma_semaphore, #tpu.memory_space<semaphore_mem>>)
    %dma_wait3A_182 = arith.constant 2 : i32
    %dma_wait3A_183 = arith.constant 0 : i32
    %dma_wait3A_184 = arith.constant 0 : i32
    %dma_wait3A_185 = tpu.memref_slice %arg6[%dma_wait3A_182, %dma_wait3A_183, %dma_wait3A_184] : memref<6x128x128xf32, #tpu.memory_space<vmem>> -> memref<1x128x128xf32, #tpu.memory_space<vmem>>
    %dma_wait3A_186 = tpu.memref_squeeze %dma_wait3A_185 : memref<1x128x128xf32, #tpu.memory_space<vmem>> -> memref<128x128xf32, #tpu.memory_space<vmem>>
    %dma_wait3A_187 = tpu.memref_slice %arg5[%sub3A_40] : memref<3200xi32, #tpu.memory_space<vmem>> -> memref<128xi32, #tpu.memory_space<vmem>>
    %dma_wait3A_188 = arith.constant 0 : i32
    %dma_wait3A_189 = arith.constant 0 : i32
    %dma_wait3A_190 = tpu.memref_slice %arg2[%dma_wait3A_188, %dma_wait3A_189] : memref<25000x128xf32, #tpu.memory_space<hbm>> -> memref<25000x128xf32, #tpu.memory_space<hbm>>
    tpu.wait_indirect_dma semaphore(%arg9 : memref<!tpu.dma_semaphore, #tpu.memory_space<semaphore_mem>>) src(%dma_wait3A_190 : memref<25000x128xf32, #tpu.memory_space<hbm>>) dst(%dma_wait3A_186 : memref<128x128xf32, #tpu.memory_space<vmem>>)
    %mul3A_191 = arith.constant 3200 : i32
    %mul3A_192 = arith.muli %add3A, %mul3A_191 : i32
    %add3A_193 = arith.constant 256 : i32
    %add3A_194 = arith.addi %mul3A_192, %add3A_193 : i32
    %min3A_195 = arith.constant 99872 : i32
    %min3A_196 = arith.minsi %add3A_194, %min3A_195 : i32
    %dma_start3A_197 = arith.constant 2 : i32
    %dma_start3A_198 = arith.constant 0 : i32
    %dma_start3A_199 = arith.constant 0 : i32
    %dma_start3A_200 = tpu.memref_slice %arg6[%dma_start3A_197, %dma_start3A_198, %dma_start3A_199] : memref<6x128x128xf32, #tpu.memory_space<vmem>> -> memref<1x128x128xf32, #tpu.memory_space<vmem>>
    %dma_start3A_201 = tpu.memref_squeeze %dma_start3A_200 : memref<1x128x128xf32, #tpu.memory_space<vmem>> -> memref<128x128xf32, #tpu.memory_space<vmem>>
    %dma_start3A_202 = arith.constant 0 : i32
    %dma_start3A_203 = tpu.memref_slice %arg4[%min3A_196, %dma_start3A_202] : memref<100000x128xf32, #tpu.memory_space<hbm>> -> memref<128x128xf32, #tpu.memory_space<hbm>>
    %dma_start3A_204 = arith.constant 0 : i32
    %dma_start3A_205 = tpu.memref_slice %arg4[%min3A_196, %dma_start3A_204] : memref<100000x128xf32, #tpu.memory_space<hbm>> -> memref<128x128xf32, #tpu.memory_space<hbm>>
    %dma_start3A_206 = arith.constant 0 : i32
    %dma_start3A_207 = arith.constant 0 : i32
    %dma_start3A_208 = tpu.memref_slice %arg6[%dma_start3A_197, %dma_start3A_206, %dma_start3A_207] : memref<6x128x128xf32, #tpu.memory_space<vmem>> -> memref<1x128x128xf32, #tpu.memory_space<vmem>>
    %dma_start3A_209 = tpu.memref_squeeze %dma_start3A_208 : memref<1x128x128xf32, #tpu.memory_space<vmem>> -> memref<128x128xf32, #tpu.memory_space<vmem>>
    tpu.enqueue_dma source(%dma_start3A_209 : memref<128x128xf32, #tpu.memory_space<vmem>>) target(%dma_start3A_205 : memref<128x128xf32, #tpu.memory_space<hbm>>) target_semaphore(%arg9 : memref<!tpu.dma_semaphore, #tpu.memory_space<semaphore_mem>>)
    %dma_wait3A_210 = arith.constant 1 : i32
    %dma_wait3A_211 = arith.constant 0 : i32
    %dma_wait3A_212 = arith.constant 0 : i32
    %dma_wait3A_213 = tpu.memref_slice %arg6[%dma_wait3A_210, %dma_wait3A_211, %dma_wait3A_212] : memref<6x128x128xf32, #tpu.memory_space<vmem>> -> memref<1x128x128xf32, #tpu.memory_space<vmem>>
    %dma_wait3A_214 = tpu.memref_squeeze %dma_wait3A_213 : memref<1x128x128xf32, #tpu.memory_space<vmem>> -> memref<128x128xf32, #tpu.memory_space<vmem>>
    %dma_wait3A_215 = arith.constant 0 : i32
    %dma_wait3A_216 = tpu.memref_slice %arg4[%min3A_139, %dma_wait3A_215] : memref<100000x128xf32, #tpu.memory_space<hbm>> -> memref<128x128xf32, #tpu.memory_space<hbm>>
    %dma_wait3A_217 = arith.constant 0 : i32
    %dma_wait3A_218 = tpu.memref_slice %arg4[%min3A_139, %dma_wait3A_217] : memref<100000x128xf32, #tpu.memory_space<hbm>> -> memref<128x128xf32, #tpu.memory_space<hbm>>
    %dma_wait3A_219 = arith.constant 0 : i32
    %dma_wait3A_220 = arith.constant 0 : i32
    %dma_wait3A_221 = tpu.memref_slice %arg6[%dma_wait3A_210, %dma_wait3A_219, %dma_wait3A_220] : memref<6x128x128xf32, #tpu.memory_space<vmem>> -> memref<1x128x128xf32, #tpu.memory_space<vmem>>
    %dma_wait3A_222 = tpu.memref_squeeze %dma_wait3A_221 : memref<1x128x128xf32, #tpu.memory_space<vmem>> -> memref<128x128xf32, #tpu.memory_space<vmem>>
    tpu.wait_dma2 semaphore(%arg8 : memref<!tpu.dma_semaphore, #tpu.memory_space<semaphore_mem>>) src(%dma_wait3A_222 : memref<128x128xf32, #tpu.memory_space<vmem>>) dst(%dma_wait3A_218 : memref<128x128xf32, #tpu.memory_space<hbm>>)
    %mul3A_223 = arith.constant 3200 : i32
    %mul3A_224 = arith.muli %add3A, %mul3A_223 : i32
    %add3A_225 = arith.constant 896 : i32
    %add3A_226 = arith.addi %mul3A_224, %add3A_225 : i32
    %min3A_227 = arith.constant 99872 : i32
    %min3A_228 = arith.minsi %add3A_226, %min3A_227 : i32
    %sub3A_229 = arith.subi %min3A_228, %min3A_3 : i32
    %dma_start3A_230 = arith.constant 1 : i32
    %dma_start3A_231 = arith.constant 0 : i32
    %dma_start3A_232 = arith.constant 0 : i32
    %dma_start3A_233 = tpu.memref_slice %arg6[%dma_start3A_230, %dma_start3A_231, %dma_start3A_232] : memref<6x128x128xf32, #tpu.memory_space<vmem>> -> memref<1x128x128xf32, #tpu.memory_space<vmem>>
    %dma_start3A_234 = tpu.memref_squeeze %dma_start3A_233 : memref<1x128x128xf32, #tpu.memory_space<vmem>> -> memref<128x128xf32, #tpu.memory_space<vmem>>
    %dma_start3A_235 = tpu.memref_slice %arg5[%sub3A_229] : memref<3200xi32, #tpu.memory_space<vmem>> -> memref<128xi32, #tpu.memory_space<vmem>>
    %dma_start3A_236 = arith.constant 0 : i32
    %dma_start3A_237 = arith.constant 0 : i32
    %dma_start3A_238 = tpu.memref_slice %arg2[%dma_start3A_236, %dma_start3A_237] : memref<25000x128xf32, #tpu.memory_space<hbm>> -> memref<25000x128xf32, #tpu.memory_space<hbm>>
    tpu.enqueue_indirect_dma source(%dma_start3A_238 : memref<25000x128xf32, #tpu.memory_space<hbm>>) target(%dma_start3A_234 : memref<128x128xf32, #tpu.memory_space<vmem>>) offsets(%dma_start3A_235 : memref<128xi32, #tpu.memory_space<vmem>>) semaphore(%arg8 : memref<!tpu.dma_semaphore, #tpu.memory_space<semaphore_mem>>)
    %dma_wait3A_239 = arith.constant 3 : i32
    %dma_wait3A_240 = arith.constant 0 : i32
    %dma_wait3A_241 = arith.constant 0 : i32
    %dma_wait3A_242 = tpu.memref_slice %arg6[%dma_wait3A_239, %dma_wait3A_240, %dma_wait3A_241] : memref<6x128x128xf32, #tpu.memory_space<vmem>> -> memref<1x128x128xf32, #tpu.memory_space<vmem>>
    %dma_wait3A_243 = tpu.memref_squeeze %dma_wait3A_242 : memref<1x128x128xf32, #tpu.memory_space<vmem>> -> memref<128x128xf32, #tpu.memory_space<vmem>>
    %dma_wait3A_244 = tpu.memref_slice %arg5[%sub3A_56] : memref<3200xi32, #tpu.memory_space<vmem>> -> memref<128xi32, #tpu.memory_space<vmem>>
    %dma_wait3A_245 = arith.constant 0 : i32
    %dma_wait3A_246 = arith.constant 0 : i32
    %dma_wait3A_247 = tpu.memref_slice %arg2[%dma_wait3A_245, %dma_wait3A_246] : memref<25000x128xf32, #tpu.memory_space<hbm>> -> memref<25000x128xf32, #tpu.memory_space<hbm>>
    tpu.wait_indirect_dma semaphore(%arg10 : memref<!tpu.dma_semaphore, #tpu.memory_space<semaphore_mem>>) src(%dma_wait3A_247 : memref<25000x128xf32, #tpu.memory_space<hbm>>) dst(%dma_wait3A_243 : memref<128x128xf32, #tpu.memory_space<vmem>>)
    %mul3A_248 = arith.constant 3200 : i32
    %mul3A_249 = arith.muli %add3A, %mul3A_248 : i32
    %add3A_250 = arith.constant 384 : i32
    %add3A_251 = arith.addi %mul3A_249, %add3A_250 : i32
    %min3A_252 = arith.constant 99872 : i32
    %min3A_253 = arith.minsi %add3A_251, %min3A_252 : i32
    %dma_start3A_254 = arith.constant 3 : i32
    %dma_start3A_255 = arith.constant 0 : i32
    %dma_start3A_256 = arith.constant 0 : i32
    %dma_start3A_257 = tpu.memref_slice %arg6[%dma_start3A_254, %dma_start3A_255, %dma_start3A_256] : memref<6x128x128xf32, #tpu.memory_space<vmem>> -> memref<1x128x128xf32, #tpu.memory_space<vmem>>
    %dma_start3A_258 = tpu.memref_squeeze %dma_start3A_257 : memref<1x128x128xf32, #tpu.memory_space<vmem>> -> memref<128x128xf32, #tpu.memory_space<vmem>>
    %dma_start3A_259 = arith.constant 0 : i32
    %dma_start3A_260 = tpu.memref_slice %arg4[%min3A_253, %dma_start3A_259] : memref<100000x128xf32, #tpu.memory_space<hbm>> -> memref<128x128xf32, #tpu.memory_space<hbm>>
    %dma_start3A_261 = arith.constant 0 : i32
    %dma_start3A_262 = tpu.memref_slice %arg4[%min3A_253, %dma_start3A_261] : memref<100000x128xf32, #tpu.memory_space<hbm>> -> memref<128x128xf32, #tpu.memory_space<hbm>>
    %dma_start3A_263 = arith.constant 0 : i32
    %dma_start3A_264 = arith.constant 0 : i32
    %dma_start3A_265 = tpu.memref_slice %arg6[%dma_start3A_254, %dma_start3A_263, %dma_start3A_264] : memref<6x128x128xf32, #tpu.memory_space<vmem>> -> memref<1x128x128xf32, #tpu.memory_space<vmem>>
    %dma_start3A_266 = tpu.memref_squeeze %dma_start3A_265 : memref<1x128x128xf32, #tpu.memory_space<vmem>> -> memref<128x128xf32, #tpu.memory_space<vmem>>
    tpu.enqueue_dma source(%dma_start3A_266 : memref<128x128xf32, #tpu.memory_space<vmem>>) target(%dma_start3A_262 : memref<128x128xf32, #tpu.memory_space<hbm>>) target_semaphore(%arg10 : memref<!tpu.dma_semaphore, #tpu.memory_space<semaphore_mem>>)
    %dma_wait3A_267 = arith.constant 2 : i32
    %dma_wait3A_268 = arith.constant 0 : i32
    %dma_wait3A_269 = arith.constant 0 : i32
    %dma_wait3A_270 = tpu.memref_slice %arg6[%dma_wait3A_267, %dma_wait3A_268, %dma_wait3A_269] : memref<6x128x128xf32, #tpu.memory_space<vmem>> -> memref<1x128x128xf32, #tpu.memory_space<vmem>>
    %dma_wait3A_271 = tpu.memref_squeeze %dma_wait3A_270 : memref<1x128x128xf32, #tpu.memory_space<vmem>> -> memref<128x128xf32, #tpu.memory_space<vmem>>
    %dma_wait3A_272 = arith.constant 0 : i32
    %dma_wait3A_273 = tpu.memref_slice %arg4[%min3A_196, %dma_wait3A_272] : memref<100000x128xf32, #tpu.memory_space<hbm>> -> memref<128x128xf32, #tpu.memory_space<hbm>>
    %dma_wait3A_274 = arith.constant 0 : i32
    %dma_wait3A_275 = tpu.memref_slice %arg4[%min3A_196, %dma_wait3A_274] : memref<100000x128xf32, #tpu.memory_space<hbm>> -> memref<128x128xf32, #tpu.memory_space<hbm>>
    %dma_wait3A_276 = arith.constant 0 : i32
    %dma_wait3A_277 = arith.constant 0 : i32
    %dma_wait3A_278 = tpu.memref_slice %arg6[%dma_wait3A_267, %dma_wait3A_276, %dma_wait3A_277] : memref<6x128x128xf32, #tpu.memory_space<vmem>> -> memref<1x128x128xf32, #tpu.memory_space<vmem>>
    %dma_wait3A_279 = tpu.memref_squeeze %dma_wait3A_278 : memref<1x128x128xf32, #tpu.memory_space<vmem>> -> memref<128x128xf32, #tpu.memory_space<vmem>>
    tpu.wait_dma2 semaphore(%arg9 : memref<!tpu.dma_semaphore, #tpu.memory_space<semaphore_mem>>) src(%dma_wait3A_279 : memref<128x128xf32, #tpu.memory_space<vmem>>) dst(%dma_wait3A_275 : memref<128x128xf32, #tpu.memory_space<hbm>>)
    %mul3A_280 = arith.constant 3200 : i32
    %mul3A_281 = arith.muli %add3A, %mul3A_280 : i32
    %add3A_282 = arith.constant 1024 : i32
    %add3A_283 = arith.addi %mul3A_281, %add3A_282 : i32
    %min3A_284 = arith.constant 99872 : i32
    %min3A_285 = arith.minsi %add3A_283, %min3A_284 : i32
    %sub3A_286 = arith.subi %min3A_285, %min3A_3 : i32
    %dma_start3A_287 = arith.constant 2 : i32
    %dma_start3A_288 = arith.constant 0 : i32
    %dma_start3A_289 = arith.constant 0 : i32
    %dma_start3A_290 = tpu.memref_slice %arg6[%dma_start3A_287, %dma_start3A_288, %dma_start3A_289] : memref<6x128x128xf32, #tpu.memory_space<vmem>> -> memref<1x128x128xf32, #tpu.memory_space<vmem>>
    %dma_start3A_291 = tpu.memref_squeeze %dma_start3A_290 : memref<1x128x128xf32, #tpu.memory_space<vmem>> -> memref<128x128xf32, #tpu.memory_space<vmem>>
    %dma_start3A_292 = tpu.memref_slice %arg5[%sub3A_286] : memref<3200xi32, #tpu.memory_space<vmem>> -> memref<128xi32, #tpu.memory_space<vmem>>
    %dma_start3A_293 = arith.constant 0 : i32
    %dma_start3A_294 = arith.constant 0 : i32
    %dma_start3A_295 = tpu.memref_slice %arg2[%dma_start3A_293, %dma_start3A_294] : memref<25000x128xf32, #tpu.memory_space<hbm>> -> memref<25000x128xf32, #tpu.memory_space<hbm>>
    tpu.enqueue_indirect_dma source(%dma_start3A_295 : memref<25000x128xf32, #tpu.memory_space<hbm>>) target(%dma_start3A_291 : memref<128x128xf32, #tpu.memory_space<vmem>>) offsets(%dma_start3A_292 : memref<128xi32, #tpu.memory_space<vmem>>) semaphore(%arg9 : memref<!tpu.dma_semaphore, #tpu.memory_space<semaphore_mem>>)
    %dma_wait3A_296 = arith.constant 4 : i32
    %dma_wait3A_297 = arith.constant 0 : i32
    %dma_wait3A_298 = arith.constant 0 : i32
    %dma_wait3A_299 = tpu.memref_slice %arg6[%dma_wait3A_296, %dma_wait3A_297, %dma_wait3A_298] : memref<6x128x128xf32, #tpu.memory_space<vmem>> -> memref<1x128x128xf32, #tpu.memory_space<vmem>>
    %dma_wait3A_300 = tpu.memref_squeeze %dma_wait3A_299 : memref<1x128x128xf32, #tpu.memory_space<vmem>> -> memref<128x128xf32, #tpu.memory_space<vmem>>
    %dma_wait3A_301 = tpu.memref_slice %arg5[%sub3A_72] : memref<3200xi32, #tpu.memory_space<vmem>> -> memref<128xi32, #tpu.memory_space<vmem>>
    %dma_wait3A_302 = arith.constant 0 : i32
    %dma_wait3A_303 = arith.constant 0 : i32
    %dma_wait3A_304 = tpu.memref_slice %arg2[%dma_wait3A_302, %dma_wait3A_303] : memref<25000x128xf32, #tpu.memory_space<hbm>> -> memref<25000x128xf32, #tpu.memory_space<hbm>>
    tpu.wait_indirect_dma semaphore(%arg11 : memref<!tpu.dma_semaphore, #tpu.memory_space<semaphore_mem>>) src(%dma_wait3A_304 : memref<25000x128xf32, #tpu.memory_space<hbm>>) dst(%dma_wait3A_300 : memref<128x128xf32, #tpu.memory_space<vmem>>)
    %mul3A_305 = arith.constant 3200 : i32
    %mul3A_306 = arith.muli %add3A, %mul3A_305 : i32
    %add3A_307 = arith.constant 512 : i32
    %add3A_308 = arith.addi %mul3A_306, %add3A_307 : i32
    %min3A_309 = arith.constant 99872 : i32
    %min3A_310 = arith.minsi %add3A_308, %min3A_309 : i32
    %dma_start3A_311 = arith.constant 4 : i32
    %dma_start3A_312 = arith.constant 0 : i32
    %dma_start3A_313 = arith.constant 0 : i32
    %dma_start3A_314 = tpu.memref_slice %arg6[%dma_start3A_311, %dma_start3A_312, %dma_start3A_313] : memref<6x128x128xf32, #tpu.memory_space<vmem>> -> memref<1x128x128xf32, #tpu.memory_space<vmem>>
    %dma_start3A_315 = tpu.memref_squeeze %dma_start3A_314 : memref<1x128x128xf32, #tpu.memory_space<vmem>> -> memref<128x128xf32, #tpu.memory_space<vmem>>
    %dma_start3A_316 = arith.constant 0 : i32
    %dma_start3A_317 = tpu.memref_slice %arg4[%min3A_310, %dma_start3A_316] : memref<100000x128xf32, #tpu.memory_space<hbm>> -> memref<128x128xf32, #tpu.memory_space<hbm>>
    %dma_start3A_318 = arith.constant 0 : i32
    %dma_start3A_319 = tpu.memref_slice %arg4[%min3A_310, %dma_start3A_318] : memref<100000x128xf32, #tpu.memory_space<hbm>> -> memref<128x128xf32, #tpu.memory_space<hbm>>
    %dma_start3A_320 = arith.constant 0 : i32
    %dma_start3A_321 = arith.constant 0 : i32
    %dma_start3A_322 = tpu.memref_slice %arg6[%dma_start3A_311, %dma_start3A_320, %dma_start3A_321] : memref<6x128x128xf32, #tpu.memory_space<vmem>> -> memref<1x128x128xf32, #tpu.memory_space<vmem>>
    %dma_start3A_323 = tpu.memref_squeeze %dma_start3A_322 : memref<1x128x128xf32, #tpu.memory_space<vmem>> -> memref<128x128xf32, #tpu.memory_space<vmem>>
    tpu.enqueue_dma source(%dma_start3A_323 : memref<128x128xf32, #tpu.memory_space<vmem>>) target(%dma_start3A_319 : memref<128x128xf32, #tpu.memory_space<hbm>>) target_semaphore(%arg11 : memref<!tpu.dma_semaphore, #tpu.memory_space<semaphore_mem>>)
    %dma_wait3A_324 = arith.constant 3 : i32
    %dma_wait3A_325 = arith.constant 0 : i32
    %dma_wait3A_326 = arith.constant 0 : i32
    %dma_wait3A_327 = tpu.memref_slice %arg6[%dma_wait3A_324, %dma_wait3A_325, %dma_wait3A_326] : memref<6x128x128xf32, #tpu.memory_space<vmem>> -> memref<1x128x128xf32, #tpu.memory_space<vmem>>
    %dma_wait3A_328 = tpu.memref_squeeze %dma_wait3A_327 : memref<1x128x128xf32, #tpu.memory_space<vmem>> -> memref<128x128xf32, #tpu.memory_space<vmem>>
    %dma_wait3A_329 = arith.constant 0 : i32
    %dma_wait3A_330 = tpu.memref_slice %arg4[%min3A_253, %dma_wait3A_329] : memref<100000x128xf32, #tpu.memory_space<hbm>> -> memref<128x128xf32, #tpu.memory_space<hbm>>
    %dma_wait3A_331 = arith.constant 0 : i32
    %dma_wait3A_332 = tpu.memref_slice %arg4[%min3A_253, %dma_wait3A_331] : memref<100000x128xf32, #tpu.memory_space<hbm>> -> memref<128x128xf32, #tpu.memory_space<hbm>>
    %dma_wait3A_333 = arith.constant 0 : i32
    %dma_wait3A_334 = arith.constant 0 : i32
    %dma_wait3A_335 = tpu.memref_slice %arg6[%dma_wait3A_324, %dma_wait3A_333, %dma_wait3A_334] : memref<6x128x128xf32, #tpu.memory_space<vmem>> -> memref<1x128x128xf32, #tpu.memory_space<vmem>>
    %dma_wait3A_336 = tpu.memref_squeeze %dma_wait3A_335 : memref<1x128x128xf32, #tpu.memory_space<vmem>> -> memref<128x128xf32, #tpu.memory_space<vmem>>
    tpu.wait_dma2 semaphore(%arg10 : memref<!tpu.dma_semaphore, #tpu.memory_space<semaphore_mem>>) src(%dma_wait3A_336 : memref<128x128xf32, #tpu.memory_space<vmem>>) dst(%dma_wait3A_332 : memref<128x128xf32, #tpu.memory_space<hbm>>)
    %mul3A_337 = arith.constant 3200 : i32
    %mul3A_338 = arith.muli %add3A, %mul3A_337 : i32
    %add3A_339 = arith.constant 1152 : i32
    %add3A_340 = arith.addi %mul3A_338, %add3A_339 : i32
    %min3A_341 = arith.constant 99872 : i32
    %min3A_342 = arith.minsi %add3A_340, %min3A_341 : i32
    %sub3A_343 = arith.subi %min3A_342, %min3A_3 : i32
    %dma_start3A_344 = arith.constant 3 : i32
    %dma_start3A_345 = arith.constant 0 : i32
    %dma_start3A_346 = arith.constant 0 : i32
    %dma_start3A_347 = tpu.memref_slice %arg6[%dma_start3A_344, %dma_start3A_345, %dma_start3A_346] : memref<6x128x128xf32, #tpu.memory_space<vmem>> -> memref<1x128x128xf32, #tpu.memory_space<vmem>>
    %dma_start3A_348 = tpu.memref_squeeze %dma_start3A_347 : memref<1x128x128xf32, #tpu.memory_space<vmem>> -> memref<128x128xf32, #tpu.memory_space<vmem>>
    %dma_start3A_349 = tpu.memref_slice %arg5[%sub3A_343] : memref<3200xi32, #tpu.memory_space<vmem>> -> memref<128xi32, #tpu.memory_space<vmem>>
    %dma_start3A_350 = arith.constant 0 : i32
    %dma_start3A_351 = arith.constant 0 : i32
    %dma_start3A_352 = tpu.memref_slice %arg2[%dma_start3A_350, %dma_start3A_351] : memref<25000x128xf32, #tpu.memory_space<hbm>> -> memref<25000x128xf32, #tpu.memory_space<hbm>>
    tpu.enqueue_indirect_dma source(%dma_start3A_352 : memref<25000x128xf32, #tpu.memory_space<hbm>>) target(%dma_start3A_348 : memref<128x128xf32, #tpu.memory_space<vmem>>) offsets(%dma_start3A_349 : memref<128xi32, #tpu.memory_space<vmem>>) semaphore(%arg10 : memref<!tpu.dma_semaphore, #tpu.memory_space<semaphore_mem>>)
    %dma_wait3A_353 = arith.constant 5 : i32
    %dma_wait3A_354 = arith.constant 0 : i32
    %dma_wait3A_355 = arith.constant 0 : i32
    %dma_wait3A_356 = tpu.memref_slice %arg6[%dma_wait3A_353, %dma_wait3A_354, %dma_wait3A_355] : memref<6x128x128xf32, #tpu.memory_space<vmem>> -> memref<1x128x128xf32, #tpu.memory_space<vmem>>
    %dma_wait3A_357 = tpu.memref_squeeze %dma_wait3A_356 : memref<1x128x128xf32, #tpu.memory_space<vmem>> -> memref<128x128xf32, #tpu.memory_space<vmem>>
    %dma_wait3A_358 = tpu.memref_slice %arg5[%sub3A_115] : memref<3200xi32, #tpu.memory_space<vmem>> -> memref<128xi32, #tpu.memory_space<vmem>>
    %dma_wait3A_359 = arith.constant 0 : i32
    %dma_wait3A_360 = arith.constant 0 : i32
    %dma_wait3A_361 = tpu.memref_slice %arg2[%dma_wait3A_359, %dma_wait3A_360] : memref<25000x128xf32, #tpu.memory_space<hbm>> -> memref<25000x128xf32, #tpu.memory_space<hbm>>
    tpu.wait_indirect_dma semaphore(%arg12 : memref<!tpu.dma_semaphore, #tpu.memory_space<semaphore_mem>>) src(%dma_wait3A_361 : memref<25000x128xf32, #tpu.memory_space<hbm>>) dst(%dma_wait3A_357 : memref<128x128xf32, #tpu.memory_space<vmem>>)
    %mul3A_362 = arith.constant 3200 : i32
    %mul3A_363 = arith.muli %add3A, %mul3A_362 : i32
    %add3A_364 = arith.constant 640 : i32
    %add3A_365 = arith.addi %mul3A_363, %add3A_364 : i32
    %min3A_366 = arith.constant 99872 : i32
    %min3A_367 = arith.minsi %add3A_365, %min3A_366 : i32
    %dma_start3A_368 = arith.constant 5 : i32
    %dma_start3A_369 = arith.constant 0 : i32
    %dma_start3A_370 = arith.constant 0 : i32
    %dma_start3A_371 = tpu.memref_slice %arg6[%dma_start3A_368, %dma_start3A_369, %dma_start3A_370] : memref<6x128x128xf32, #tpu.memory_space<vmem>> -> memref<1x128x128xf32, #tpu.memory_space<vmem>>
    %dma_start3A_372 = tpu.memref_squeeze %dma_start3A_371 : memref<1x128x128xf32, #tpu.memory_space<vmem>> -> memref<128x128xf32, #tpu.memory_space<vmem>>
    %dma_start3A_373 = arith.constant 0 : i32
    %dma_start3A_374 = tpu.memref_slice %arg4[%min3A_367, %dma_start3A_373] : memref<100000x128xf32, #tpu.memory_space<hbm>> -> memref<128x128xf32, #tpu.memory_space<hbm>>
    %dma_start3A_375 = arith.constant 0 : i32
    %dma_start3A_376 = tpu.memref_slice %arg4[%min3A_367, %dma_start3A_375] : memref<100000x128xf32, #tpu.memory_space<hbm>> -> memref<128x128xf32, #tpu.memory_space<hbm>>
    %dma_start3A_377 = arith.constant 0 : i32
    %dma_start3A_378 = arith.constant 0 : i32
    %dma_start3A_379 = tpu.memref_slice %arg6[%dma_start3A_368, %dma_start3A_377, %dma_start3A_378] : memref<6x128x128xf32, #tpu.memory_space<vmem>> -> memref<1x128x128xf32, #tpu.memory_space<vmem>>
    %dma_start3A_380 = tpu.memref_squeeze %dma_start3A_379 : memref<1x128x128xf32, #tpu.memory_space<vmem>> -> memref<128x128xf32, #tpu.memory_space<vmem>>
    tpu.enqueue_dma source(%dma_start3A_380 : memref<128x128xf32, #tpu.memory_space<vmem>>) target(%dma_start3A_376 : memref<128x128xf32, #tpu.memory_space<hbm>>) target_semaphore(%arg12 : memref<!tpu.dma_semaphore, #tpu.memory_space<semaphore_mem>>)
    %dma_wait3A_381 = arith.constant 4 : i32
    %dma_wait3A_382 = arith.constant 0 : i32
    %dma_wait3A_383 = arith.constant 0 : i32
    %dma_wait3A_384 = tpu.memref_slice %arg6[%dma_wait3A_381, %dma_wait3A_382, %dma_wait3A_383] : memref<6x128x128xf32, #tpu.memory_space<vmem>> -> memref<1x128x128xf32, #tpu.memory_space<vmem>>
    %dma_wait3A_385 = tpu.memref_squeeze %dma_wait3A_384 : memref<1x128x128xf32, #tpu.memory_space<vmem>> -> memref<128x128xf32, #tpu.memory_space<vmem>>
    %dma_wait3A_386 = arith.constant 0 : i32
    %dma_wait3A_387 = tpu.memref_slice %arg4[%min3A_310, %dma_wait3A_386] : memref<100000x128xf32, #tpu.memory_space<hbm>> -> memref<128x128xf32, #tpu.memory_space<hbm>>
    %dma_wait3A_388 = arith.constant 0 : i32
    %dma_wait3A_389 = tpu.memref_slice %arg4[%min3A_310, %dma_wait3A_388] : memref<100000x128xf32, #tpu.memory_space<hbm>> -> memref<128x128xf32, #tpu.memory_space<hbm>>
    %dma_wait3A_390 = arith.constant 0 : i32
    %dma_wait3A_391 = arith.constant 0 : i32
    %dma_wait3A_392 = tpu.memref_slice %arg6[%dma_wait3A_381, %dma_wait3A_390, %dma_wait3A_391] : memref<6x128x128xf32, #tpu.memory_space<vmem>> -> memref<1x128x128xf32, #tpu.memory_space<vmem>>
    %dma_wait3A_393 = tpu.memref_squeeze %dma_wait3A_392 : memref<1x128x128xf32, #tpu.memory_space<vmem>> -> memref<128x128xf32, #tpu.memory_space<vmem>>
    tpu.wait_dma2 semaphore(%arg11 : memref<!tpu.dma_semaphore, #tpu.memory_space<semaphore_mem>>) src(%dma_wait3A_393 : memref<128x128xf32, #tpu.memory_space<vmem>>) dst(%dma_wait3A_389 : memref<128x128xf32, #tpu.memory_space<hbm>>)
    %mul3A_394 = arith.constant 3200 : i32
    %mul3A_395 = arith.muli %add3A, %mul3A_394 : i32
    %add3A_396 = arith.constant 1280 : i32
    %add3A_397 = arith.addi %mul3A_395, %add3A_396 : i32
    %min3A_398 = arith.constant 99872 : i32
    %min3A_399 = arith.minsi %add3A_397, %min3A_398 : i32
    %sub3A_400 = arith.subi %min3A_399, %min3A_3 : i32
    %dma_start3A_401 = arith.constant 4 : i32
    %dma_start3A_402 = arith.constant 0 : i32
    %dma_start3A_403 = arith.constant 0 : i32
    %dma_start3A_404 = tpu.memref_slice %arg6[%dma_start3A_401, %dma_start3A_402, %dma_start3A_403] : memref<6x128x128xf32, #tpu.memory_space<vmem>> -> memref<1x128x128xf32, #tpu.memory_space<vmem>>
    %dma_start3A_405 = tpu.memref_squeeze %dma_start3A_404 : memref<1x128x128xf32, #tpu.memory_space<vmem>> -> memref<128x128xf32, #tpu.memory_space<vmem>>
    %dma_start3A_406 = tpu.memref_slice %arg5[%sub3A_400] : memref<3200xi32, #tpu.memory_space<vmem>> -> memref<128xi32, #tpu.memory_space<vmem>>
    %dma_start3A_407 = arith.constant 0 : i32
    %dma_start3A_408 = arith.constant 0 : i32
    %dma_start3A_409 = tpu.memref_slice %arg2[%dma_start3A_407, %dma_start3A_408] : memref<25000x128xf32, #tpu.memory_space<hbm>> -> memref<25000x128xf32, #tpu.memory_space<hbm>>
    tpu.enqueue_indirect_dma source(%dma_start3A_409 : memref<25000x128xf32, #tpu.memory_space<hbm>>) target(%dma_start3A_405 : memref<128x128xf32, #tpu.memory_space<vmem>>) offsets(%dma_start3A_406 : memref<128xi32, #tpu.memory_space<vmem>>) semaphore(%arg11 : memref<!tpu.dma_semaphore, #tpu.memory_space<semaphore_mem>>)
    %dma_wait3A_410 = arith.constant 0 : i32
    %dma_wait3A_411 = arith.constant 0 : i32
    %dma_wait3A_412 = arith.constant 0 : i32
    %dma_wait3A_413 = tpu.memref_slice %arg6[%dma_wait3A_410, %dma_wait3A_411, %dma_wait3A_412] : memref<6x128x128xf32, #tpu.memory_space<vmem>> -> memref<1x128x128xf32, #tpu.memory_space<vmem>>
    %dma_wait3A_414 = tpu.memref_squeeze %dma_wait3A_413 : memref<1x128x128xf32, #tpu.memory_space<vmem>> -> memref<128x128xf32, #tpu.memory_space<vmem>>
    %dma_wait3A_415 = tpu.memref_slice %arg5[%sub3A_172] : memref<3200xi32, #tpu.memory_space<vmem>> -> memref<128xi32, #tpu.memory_space<vmem>>
    %dma_wait3A_416 = arith.constant 0 : i32
    %dma_wait3A_417 = arith.constant 0 : i32
    %dma_wait3A_418 = tpu.memref_slice %arg2[%dma_wait3A_416, %dma_wait3A_417] : memref<25000x128xf32, #tpu.memory_space<hbm>> -> memref<25000x128xf32, #tpu.memory_space<hbm>>
    tpu.wait_indirect_dma semaphore(%arg7 : memref<!tpu.dma_semaphore, #tpu.memory_space<semaphore_mem>>) src(%dma_wait3A_418 : memref<25000x128xf32, #tpu.memory_space<hbm>>) dst(%dma_wait3A_414 : memref<128x128xf32, #tpu.memory_space<vmem>>)
    %mul3A_419 = arith.constant 3200 : i32
    %mul3A_420 = arith.muli %add3A, %mul3A_419 : i32
    %add3A_421 = arith.constant 768 : i32
    %add3A_422 = arith.addi %mul3A_420, %add3A_421 : i32
    %min3A_423 = arith.constant 99872 : i32
    %min3A_424 = arith.minsi %add3A_422, %min3A_423 : i32
    %dma_start3A_425 = arith.constant 0 : i32
    %dma_start3A_426 = arith.constant 0 : i32
    %dma_start3A_427 = arith.constant 0 : i32
    %dma_start3A_428 = tpu.memref_slice %arg6[%dma_start3A_425, %dma_start3A_426, %dma_start3A_427] : memref<6x128x128xf32, #tpu.memory_space<vmem>> -> memref<1x128x128xf32, #tpu.memory_space<vmem>>
    %dma_start3A_429 = tpu.memref_squeeze %dma_start3A_428 : memref<1x128x128xf32, #tpu.memory_space<vmem>> -> memref<128x128xf32, #tpu.memory_space<vmem>>
    %dma_start3A_430 = arith.constant 0 : i32
    %dma_start3A_431 = tpu.memref_slice %arg4[%min3A_424, %dma_start3A_430] : memref<100000x128xf32, #tpu.memory_space<hbm>> -> memref<128x128xf32, #tpu.memory_space<hbm>>
    %dma_start3A_432 = arith.constant 0 : i32
    %dma_start3A_433 = tpu.memref_slice %arg4[%min3A_424, %dma_start3A_432] : memref<100000x128xf32, #tpu.memory_space<hbm>> -> memref<128x128xf32, #tpu.memory_space<hbm>>
    %dma_start3A_434 = arith.constant 0 : i32
    %dma_start3A_435 = arith.constant 0 : i32
    %dma_start3A_436 = tpu.memref_slice %arg6[%dma_start3A_425, %dma_start3A_434, %dma_start3A_435] : memref<6x128x128xf32, #tpu.memory_space<vmem>> -> memref<1x128x128xf32, #tpu.memory_space<vmem>>
    %dma_start3A_437 = tpu.memref_squeeze %dma_start3A_436 : memref<1x128x128xf32, #tpu.memory_space<vmem>> -> memref<128x128xf32, #tpu.memory_space<vmem>>
    tpu.enqueue_dma source(%dma_start3A_437 : memref<128x128xf32, #tpu.memory_space<vmem>>) target(%dma_start3A_433 : memref<128x128xf32, #tpu.memory_space<hbm>>) target_semaphore(%arg7 : memref<!tpu.dma_semaphore, #tpu.memory_space<semaphore_mem>>)
    %dma_wait3A_438 = arith.constant 5 : i32
    %dma_wait3A_439 = arith.constant 0 : i32
    %dma_wait3A_440 = arith.constant 0 : i32
    %dma_wait3A_441 = tpu.memref_slice %arg6[%dma_wait3A_438, %dma_wait3A_439, %dma_wait3A_440] : memref<6x128x128xf32, #tpu.memory_space<vmem>> -> memref<1x128x128xf32, #tpu.memory_space<vmem>>
    %dma_wait3A_442 = tpu.memref_squeeze %dma_wait3A_441 : memref<1x128x128xf32, #tpu.memory_space<vmem>> -> memref<128x128xf32, #tpu.memory_space<vmem>>
    %dma_wait3A_443 = arith.constant 0 : i32
    %dma_wait3A_444 = tpu.memref_slice %arg4[%min3A_367, %dma_wait3A_443] : memref<100000x128xf32, #tpu.memory_space<hbm>> -> memref<128x128xf32, #tpu.memory_space<hbm>>
    %dma_wait3A_445 = arith.constant 0 : i32
    %dma_wait3A_446 = tpu.memref_slice %arg4[%min3A_367, %dma_wait3A_445] : memref<100000x128xf32, #tpu.memory_space<hbm>> -> memref<128x128xf32, #tpu.memory_space<hbm>>
    %dma_wait3A_447 = arith.constant 0 : i32
    %dma_wait3A_448 = arith.constant 0 : i32
    %dma_wait3A_449 = tpu.memref_slice %arg6[%dma_wait3A_438, %dma_wait3A_447, %dma_wait3A_448] : memref<6x128x128xf32, #tpu.memory_space<vmem>> -> memref<1x128x128xf32, #tpu.memory_space<vmem>>
    %dma_wait3A_450 = tpu.memref_squeeze %dma_wait3A_449 : memref<1x128x128xf32, #tpu.memory_space<vmem>> -> memref<128x128xf32, #tpu.memory_space<vmem>>
    tpu.wait_dma2 semaphore(%arg12 : memref<!tpu.dma_semaphore, #tpu.memory_space<semaphore_mem>>) src(%dma_wait3A_450 : memref<128x128xf32, #tpu.memory_space<vmem>>) dst(%dma_wait3A_446 : memref<128x128xf32, #tpu.memory_space<hbm>>)
    %mul3A_451 = arith.constant 3200 : i32
    %mul3A_452 = arith.muli %add3A, %mul3A_451 : i32
    %add3A_453 = arith.constant 1408 : i32
    %add3A_454 = arith.addi %mul3A_452, %add3A_453 : i32
    %min3A_455 = arith.constant 99872 : i32
    %min3A_456 = arith.minsi %add3A_454, %min3A_455 : i32
    %sub3A_457 = arith.subi %min3A_456, %min3A_3 : i32
    %dma_start3A_458 = arith.constant 5 : i32
    %dma_start3A_459 = arith.constant 0 : i32
    %dma_start3A_460 = arith.constant 0 : i32
    %dma_start3A_461 = tpu.memref_slice %arg6[%dma_start3A_458, %dma_start3A_459, %dma_start3A_460] : memref<6x128x128xf32, #tpu.memory_space<vmem>> -> memref<1x128x128xf32, #tpu.memory_space<vmem>>
    %dma_start3A_462 = tpu.memref_squeeze %dma_start3A_461 : memref<1x128x128xf32, #tpu.memory_space<vmem>> -> memref<128x128xf32, #tpu.memory_space<vmem>>
    %dma_start3A_463 = tpu.memref_slice %arg5[%sub3A_457] : memref<3200xi32, #tpu.memory_space<vmem>> -> memref<128xi32, #tpu.memory_space<vmem>>
    %dma_start3A_464 = arith.constant 0 : i32
    %dma_start3A_465 = arith.constant 0 : i32
    %dma_start3A_466 = tpu.memref_slice %arg2[%dma_start3A_464, %dma_start3A_465] : memref<25000x128xf32, #tpu.memory_space<hbm>> -> memref<25000x128xf32, #tpu.memory_space<hbm>>
    tpu.enqueue_indirect_dma source(%dma_start3A_466 : memref<25000x128xf32, #tpu.memory_space<hbm>>) target(%dma_start3A_462 : memref<128x128xf32, #tpu.memory_space<vmem>>) offsets(%dma_start3A_463 : memref<128xi32, #tpu.memory_space<vmem>>) semaphore(%arg12 : memref<!tpu.dma_semaphore, #tpu.memory_space<semaphore_mem>>)
    %dma_wait3A_467 = arith.constant 1 : i32
    %dma_wait3A_468 = arith.constant 0 : i32
    %dma_wait3A_469 = arith.constant 0 : i32
    %dma_wait3A_470 = tpu.memref_slice %arg6[%dma_wait3A_467, %dma_wait3A_468, %dma_wait3A_469] : memref<6x128x128xf32, #tpu.memory_space<vmem>> -> memref<1x128x128xf32, #tpu.memory_space<vmem>>
    %dma_wait3A_471 = tpu.memref_squeeze %dma_wait3A_470 : memref<1x128x128xf32, #tpu.memory_space<vmem>> -> memref<128x128xf32, #tpu.memory_space<vmem>>
    %dma_wait3A_472 = tpu.memref_slice %arg5[%sub3A_229] : memref<3200xi32, #tpu.memory_space<vmem>> -> memref<128xi32, #tpu.memory_space<vmem>>
    %dma_wait3A_473 = arith.constant 0 : i32
    %dma_wait3A_474 = arith.constant 0 : i32
    %dma_wait3A_475 = tpu.memref_slice %arg2[%dma_wait3A_473, %dma_wait3A_474] : memref<25000x128xf32, #tpu.memory_space<hbm>> -> memref<25000x128xf32, #tpu.memory_space<hbm>>
    tpu.wait_indirect_dma semaphore(%arg8 : memref<!tpu.dma_semaphore, #tpu.memory_space<semaphore_mem>>) src(%dma_wait3A_475 : memref<25000x128xf32, #tpu.memory_space<hbm>>) dst(%dma_wait3A_471 : memref<128x128xf32, #tpu.memory_space<vmem>>)
    %mul3A_476 = arith.constant 3200 : i32
    %mul3A_477 = arith.muli %add3A, %mul3A_476 : i32
    %add3A_478 = arith.constant 896 : i32
    %add3A_479 = arith.addi %mul3A_477, %add3A_478 : i32
    %min3A_480 = arith.constant 99872 : i32
    %min3A_481 = arith.minsi %add3A_479, %min3A_480 : i32
    %dma_start3A_482 = arith.constant 1 : i32
    %dma_start3A_483 = arith.constant 0 : i32
    %dma_start3A_484 = arith.constant 0 : i32
    %dma_start3A_485 = tpu.memref_slice %arg6[%dma_start3A_482, %dma_start3A_483, %dma_start3A_484] : memref<6x128x128xf32, #tpu.memory_space<vmem>> -> memref<1x128x128xf32, #tpu.memory_space<vmem>>
    %dma_start3A_486 = tpu.memref_squeeze %dma_start3A_485 : memref<1x128x128xf32, #tpu.memory_space<vmem>> -> memref<128x128xf32, #tpu.memory_space<vmem>>
    %dma_start3A_487 = arith.constant 0 : i32
    %dma_start3A_488 = tpu.memref_slice %arg4[%min3A_481, %dma_start3A_487] : memref<100000x128xf32, #tpu.memory_space<hbm>> -> memref<128x128xf32, #tpu.memory_space<hbm>>
    %dma_start3A_489 = arith.constant 0 : i32
    %dma_start3A_490 = tpu.memref_slice %arg4[%min3A_481, %dma_start3A_489] : memref<100000x128xf32, #tpu.memory_space<hbm>> -> memref<128x128xf32, #tpu.memory_space<hbm>>
    %dma_start3A_491 = arith.constant 0 : i32
    %dma_start3A_492 = arith.constant 0 : i32
    %dma_start3A_493 = tpu.memref_slice %arg6[%dma_start3A_482, %dma_start3A_491, %dma_start3A_492] : memref<6x128x128xf32, #tpu.memory_space<vmem>> -> memref<1x128x128xf32, #tpu.memory_space<vmem>>
    %dma_start3A_494 = tpu.memref_squeeze %dma_start3A_493 : memref<1x128x128xf32, #tpu.memory_space<vmem>> -> memref<128x128xf32, #tpu.memory_space<vmem>>
    tpu.enqueue_dma source(%dma_start3A_494 : memref<128x128xf32, #tpu.memory_space<vmem>>) target(%dma_start3A_490 : memref<128x128xf32, #tpu.memory_space<hbm>>) target_semaphore(%arg8 : memref<!tpu.dma_semaphore, #tpu.memory_space<semaphore_mem>>)
    %dma_wait3A_495 = arith.constant 0 : i32
    %dma_wait3A_496 = arith.constant 0 : i32
    %dma_wait3A_497 = arith.constant 0 : i32
    %dma_wait3A_498 = tpu.memref_slice %arg6[%dma_wait3A_495, %dma_wait3A_496, %dma_wait3A_497] : memref<6x128x128xf32, #tpu.memory_space<vmem>> -> memref<1x128x128xf32, #tpu.memory_space<vmem>>
    %dma_wait3A_499 = tpu.memref_squeeze %dma_wait3A_498 : memref<1x128x128xf32, #tpu.memory_space<vmem>> -> memref<128x128xf32, #tpu.memory_space<vmem>>
    %dma_wait3A_500 = arith.constant 0 : i32
    %dma_wait3A_501 = tpu.memref_slice %arg4[%min3A_424, %dma_wait3A_500] : memref<100000x128xf32, #tpu.memory_space<hbm>> -> memref<128x128xf32, #tpu.memory_space<hbm>>
    %dma_wait3A_502 = arith.constant 0 : i32
    %dma_wait3A_503 = tpu.memref_slice %arg4[%min3A_424, %dma_wait3A_502] : memref<100000x128xf32, #tpu.memory_space<hbm>> -> memref<128x128xf32, #tpu.memory_space<hbm>>
    %dma_wait3A_504 = arith.constant 0 : i32
    %dma_wait3A_505 = arith.constant 0 : i32
    %dma_wait3A_506 = tpu.memref_slice %arg6[%dma_wait3A_495, %dma_wait3A_504, %dma_wait3A_505] : memref<6x128x128xf32, #tpu.memory_space<vmem>> -> memref<1x128x128xf32, #tpu.memory_space<vmem>>
    %dma_wait3A_507 = tpu.memref_squeeze %dma_wait3A_506 : memref<1x128x128xf32, #tpu.memory_space<vmem>> -> memref<128x128xf32, #tpu.memory_space<vmem>>
    tpu.wait_dma2 semaphore(%arg7 : memref<!tpu.dma_semaphore, #tpu.memory_space<semaphore_mem>>) src(%dma_wait3A_507 : memref<128x128xf32, #tpu.memory_space<vmem>>) dst(%dma_wait3A_503 : memref<128x128xf32, #tpu.memory_space<hbm>>)
    %mul3A_508 = arith.constant 3200 : i32
    %mul3A_509 = arith.muli %add3A, %mul3A_508 : i32
    %add3A_510 = arith.constant 1536 : i32
    %add3A_511 = arith.addi %mul3A_509, %add3A_510 : i32
    %min3A_512 = arith.constant 99872 : i32
    %min3A_513 = arith.minsi %add3A_511, %min3A_512 : i32
    %sub3A_514 = arith.subi %min3A_513, %min3A_3 : i32
    %dma_start3A_515 = arith.constant 0 : i32
    %dma_start3A_516 = arith.constant 0 : i32
    %dma_start3A_517 = arith.constant 0 : i32
    %dma_start3A_518 = tpu.memref_slice %arg6[%dma_start3A_515, %dma_start3A_516, %dma_start3A_517] : memref<6x128x128xf32, #tpu.memory_space<vmem>> -> memref<1x128x128xf32, #tpu.memory_space<vmem>>
    %dma_start3A_519 = tpu.memref_squeeze %dma_start3A_518 : memref<1x128x128xf32, #tpu.memory_space<vmem>> -> memref<128x128xf32, #tpu.memory_space<vmem>>
    %dma_start3A_520 = tpu.memref_slice %arg5[%sub3A_514] : memref<3200xi32, #tpu.memory_space<vmem>> -> memref<128xi32, #tpu.memory_space<vmem>>
    %dma_start3A_521 = arith.constant 0 : i32
    %dma_start3A_522 = arith.constant 0 : i32
    %dma_start3A_523 = tpu.memref_slice %arg2[%dma_start3A_521, %dma_start3A_522] : memref<25000x128xf32, #tpu.memory_space<hbm>> -> memref<25000x128xf32, #tpu.memory_space<hbm>>
    tpu.enqueue_indirect_dma source(%dma_start3A_523 : memref<25000x128xf32, #tpu.memory_space<hbm>>) target(%dma_start3A_519 : memref<128x128xf32, #tpu.memory_space<vmem>>) offsets(%dma_start3A_520 : memref<128xi32, #tpu.memory_space<vmem>>) semaphore(%arg7 : memref<!tpu.dma_semaphore, #tpu.memory_space<semaphore_mem>>)
    %dma_wait3A_524 = arith.constant 2 : i32
    %dma_wait3A_525 = arith.constant 0 : i32
    %dma_wait3A_526 = arith.constant 0 : i32
    %dma_wait3A_527 = tpu.memref_slice %arg6[%dma_wait3A_524, %dma_wait3A_525, %dma_wait3A_526] : memref<6x128x128xf32, #tpu.memory_space<vmem>> -> memref<1x128x128xf32, #tpu.memory_space<vmem>>
    %dma_wait3A_528 = tpu.memref_squeeze %dma_wait3A_527 : memref<1x128x128xf32, #tpu.memory_space<vmem>> -> memref<128x128xf32, #tpu.memory_space<vmem>>
    %dma_wait3A_529 = tpu.memref_slice %arg5[%sub3A_286] : memref<3200xi32, #tpu.memory_space<vmem>> -> memref<128xi32, #tpu.memory_space<vmem>>
    %dma_wait3A_530 = arith.constant 0 : i32
    %dma_wait3A_531 = arith.constant 0 : i32
    %dma_wait3A_532 = tpu.memref_slice %arg2[%dma_wait3A_530, %dma_wait3A_531] : memref<25000x128xf32, #tpu.memory_space<hbm>> -> memref<25000x128xf32, #tpu.memory_space<hbm>>
    tpu.wait_indirect_dma semaphore(%arg9 : memref<!tpu.dma_semaphore, #tpu.memory_space<semaphore_mem>>) src(%dma_wait3A_532 : memref<25000x128xf32, #tpu.memory_space<hbm>>) dst(%dma_wait3A_528 : memref<128x128xf32, #tpu.memory_space<vmem>>)
    %mul3A_533 = arith.constant 3200 : i32
    %mul3A_534 = arith.muli %add3A, %mul3A_533 : i32
    %add3A_535 = arith.constant 1024 : i32
    %add3A_536 = arith.addi %mul3A_534, %add3A_535 : i32
    %min3A_537 = arith.constant 99872 : i32
    %min3A_538 = arith.minsi %add3A_536, %min3A_537 : i32
    %dma_start3A_539 = arith.constant 2 : i32
    %dma_start3A_540 = arith.constant 0 : i32
    %dma_start3A_541 = arith.constant 0 : i32
    %dma_start3A_542 = tpu.memref_slice %arg6[%dma_start3A_539, %dma_start3A_540, %dma_start3A_541] : memref<6x128x128xf32, #tpu.memory_space<vmem>> -> memref<1x128x128xf32, #tpu.memory_space<vmem>>
    %dma_start3A_543 = tpu.memref_squeeze %dma_start3A_542 : memref<1x128x128xf32, #tpu.memory_space<vmem>> -> memref<128x128xf32, #tpu.memory_space<vmem>>
    %dma_start3A_544 = arith.constant 0 : i32
    %dma_start3A_545 = tpu.memref_slice %arg4[%min3A_538, %dma_start3A_544] : memref<100000x128xf32, #tpu.memory_space<hbm>> -> memref<128x128xf32, #tpu.memory_space<hbm>>
    %dma_start3A_546 = arith.constant 0 : i32
    %dma_start3A_547 = tpu.memref_slice %arg4[%min3A_538, %dma_start3A_546] : memref<100000x128xf32, #tpu.memory_space<hbm>> -> memref<128x128xf32, #tpu.memory_space<hbm>>
    %dma_start3A_548 = arith.constant 0 : i32
    %dma_start3A_549 = arith.constant 0 : i32
    %dma_start3A_550 = tpu.memref_slice %arg6[%dma_start3A_539, %dma_start3A_548, %dma_start3A_549] : memref<6x128x128xf32, #tpu.memory_space<vmem>> -> memref<1x128x128xf32, #tpu.memory_space<vmem>>
    %dma_start3A_551 = tpu.memref_squeeze %dma_start3A_550 : memref<1x128x128xf32, #tpu.memory_space<vmem>> -> memref<128x128xf32, #tpu.memory_space<vmem>>
    tpu.enqueue_dma source(%dma_start3A_551 : memref<128x128xf32, #tpu.memory_space<vmem>>) target(%dma_start3A_547 : memref<128x128xf32, #tpu.memory_space<hbm>>) target_semaphore(%arg9 : memref<!tpu.dma_semaphore, #tpu.memory_space<semaphore_mem>>)
    %dma_wait3A_552 = arith.constant 1 : i32
    %dma_wait3A_553 = arith.constant 0 : i32
    %dma_wait3A_554 = arith.constant 0 : i32
    %dma_wait3A_555 = tpu.memref_slice %arg6[%dma_wait3A_552, %dma_wait3A_553, %dma_wait3A_554] : memref<6x128x128xf32, #tpu.memory_space<vmem>> -> memref<1x128x128xf32, #tpu.memory_space<vmem>>
    %dma_wait3A_556 = tpu.memref_squeeze %dma_wait3A_555 : memref<1x128x128xf32, #tpu.memory_space<vmem>> -> memref<128x128xf32, #tpu.memory_space<vmem>>
    %dma_wait3A_557 = arith.constant 0 : i32
    %dma_wait3A_558 = tpu.memref_slice %arg4[%min3A_481, %dma_wait3A_557] : memref<100000x128xf32, #tpu.memory_space<hbm>> -> memref<128x128xf32, #tpu.memory_space<hbm>>
    %dma_wait3A_559 = arith.constant 0 : i32
    %dma_wait3A_560 = tpu.memref_slice %arg4[%min3A_481, %dma_wait3A_559] : memref<100000x128xf32, #tpu.memory_space<hbm>> -> memref<128x128xf32, #tpu.memory_space<hbm>>
    %dma_wait3A_561 = arith.constant 0 : i32
    %dma_wait3A_562 = arith.constant 0 : i32
    %dma_wait3A_563 = tpu.memref_slice %arg6[%dma_wait3A_552, %dma_wait3A_561, %dma_wait3A_562] : memref<6x128x128xf32, #tpu.memory_space<vmem>> -> memref<1x128x128xf32, #tpu.memory_space<vmem>>
    %dma_wait3A_564 = tpu.memref_squeeze %dma_wait3A_563 : memref<1x128x128xf32, #tpu.memory_space<vmem>> -> memref<128x128xf32, #tpu.memory_space<vmem>>
    tpu.wait_dma2 semaphore(%arg8 : memref<!tpu.dma_semaphore, #tpu.memory_space<semaphore_mem>>) src(%dma_wait3A_564 : memref<128x128xf32, #tpu.memory_space<vmem>>) dst(%dma_wait3A_560 : memref<128x128xf32, #tpu.memory_space<hbm>>)
    %mul3A_565 = arith.constant 3200 : i32
    %mul3A_566 = arith.muli %add3A, %mul3A_565 : i32
    %add3A_567 = arith.constant 1664 : i32
    %add3A_568 = arith.addi %mul3A_566, %add3A_567 : i32
    %min3A_569 = arith.constant 99872 : i32
    %min3A_570 = arith.minsi %add3A_568, %min3A_569 : i32
    %sub3A_571 = arith.subi %min3A_570, %min3A_3 : i32
    %dma_start3A_572 = arith.constant 1 : i32
    %dma_start3A_573 = arith.constant 0 : i32
    %dma_start3A_574 = arith.constant 0 : i32
    %dma_start3A_575 = tpu.memref_slice %arg6[%dma_start3A_572, %dma_start3A_573, %dma_start3A_574] : memref<6x128x128xf32, #tpu.memory_space<vmem>> -> memref<1x128x128xf32, #tpu.memory_space<vmem>>
    %dma_start3A_576 = tpu.memref_squeeze %dma_start3A_575 : memref<1x128x128xf32, #tpu.memory_space<vmem>> -> memref<128x128xf32, #tpu.memory_space<vmem>>
    %dma_start3A_577 = tpu.memref_slice %arg5[%sub3A_571] : memref<3200xi32, #tpu.memory_space<vmem>> -> memref<128xi32, #tpu.memory_space<vmem>>
    %dma_start3A_578 = arith.constant 0 : i32
    %dma_start3A_579 = arith.constant 0 : i32
    %dma_start3A_580 = tpu.memref_slice %arg2[%dma_start3A_578, %dma_start3A_579] : memref<25000x128xf32, #tpu.memory_space<hbm>> -> memref<25000x128xf32, #tpu.memory_space<hbm>>
    tpu.enqueue_indirect_dma source(%dma_start3A_580 : memref<25000x128xf32, #tpu.memory_space<hbm>>) target(%dma_start3A_576 : memref<128x128xf32, #tpu.memory_space<vmem>>) offsets(%dma_start3A_577 : memref<128xi32, #tpu.memory_space<vmem>>) semaphore(%arg8 : memref<!tpu.dma_semaphore, #tpu.memory_space<semaphore_mem>>)
    %dma_wait3A_581 = arith.constant 3 : i32
    %dma_wait3A_582 = arith.constant 0 : i32
    %dma_wait3A_583 = arith.constant 0 : i32
    %dma_wait3A_584 = tpu.memref_slice %arg6[%dma_wait3A_581, %dma_wait3A_582, %dma_wait3A_583] : memref<6x128x128xf32, #tpu.memory_space<vmem>> -> memref<1x128x128xf32, #tpu.memory_space<vmem>>
    %dma_wait3A_585 = tpu.memref_squeeze %dma_wait3A_584 : memref<1x128x128xf32, #tpu.memory_space<vmem>> -> memref<128x128xf32, #tpu.memory_space<vmem>>
    %dma_wait3A_586 = tpu.memref_slice %arg5[%sub3A_343] : memref<3200xi32, #tpu.memory_space<vmem>> -> memref<128xi32, #tpu.memory_space<vmem>>
    %dma_wait3A_587 = arith.constant 0 : i32
    %dma_wait3A_588 = arith.constant 0 : i32
    %dma_wait3A_589 = tpu.memref_slice %arg2[%dma_wait3A_587, %dma_wait3A_588] : memref<25000x128xf32, #tpu.memory_space<hbm>> -> memref<25000x128xf32, #tpu.memory_space<hbm>>
    tpu.wait_indirect_dma semaphore(%arg10 : memref<!tpu.dma_semaphore, #tpu.memory_space<semaphore_mem>>) src(%dma_wait3A_589 : memref<25000x128xf32, #tpu.memory_space<hbm>>) dst(%dma_wait3A_585 : memref<128x128xf32, #tpu.memory_space<vmem>>)
    %mul3A_590 = arith.constant 3200 : i32
    %mul3A_591 = arith.muli %add3A, %mul3A_590 : i32
    %add3A_592 = arith.constant 1152 : i32
    %add3A_593 = arith.addi %mul3A_591, %add3A_592 : i32
    %min3A_594 = arith.constant 99872 : i32
    %min3A_595 = arith.minsi %add3A_593, %min3A_594 : i32
    %dma_start3A_596 = arith.constant 3 : i32
    %dma_start3A_597 = arith.constant 0 : i32
    %dma_start3A_598 = arith.constant 0 : i32
    %dma_start3A_599 = tpu.memref_slice %arg6[%dma_start3A_596, %dma_start3A_597, %dma_start3A_598] : memref<6x128x128xf32, #tpu.memory_space<vmem>> -> memref<1x128x128xf32, #tpu.memory_space<vmem>>
    %dma_start3A_600 = tpu.memref_squeeze %dma_start3A_599 : memref<1x128x128xf32, #tpu.memory_space<vmem>> -> memref<128x128xf32, #tpu.memory_space<vmem>>
    %dma_start3A_601 = arith.constant 0 : i32
    %dma_start3A_602 = tpu.memref_slice %arg4[%min3A_595, %dma_start3A_601] : memref<100000x128xf32, #tpu.memory_space<hbm>> -> memref<128x128xf32, #tpu.memory_space<hbm>>
    %dma_start3A_603 = arith.constant 0 : i32
    %dma_start3A_604 = tpu.memref_slice %arg4[%min3A_595, %dma_start3A_603] : memref<100000x128xf32, #tpu.memory_space<hbm>> -> memref<128x128xf32, #tpu.memory_space<hbm>>
    %dma_start3A_605 = arith.constant 0 : i32
    %dma_start3A_606 = arith.constant 0 : i32
    %dma_start3A_607 = tpu.memref_slice %arg6[%dma_start3A_596, %dma_start3A_605, %dma_start3A_606] : memref<6x128x128xf32, #tpu.memory_space<vmem>> -> memref<1x128x128xf32, #tpu.memory_space<vmem>>
    %dma_start3A_608 = tpu.memref_squeeze %dma_start3A_607 : memref<1x128x128xf32, #tpu.memory_space<vmem>> -> memref<128x128xf32, #tpu.memory_space<vmem>>
    tpu.enqueue_dma source(%dma_start3A_608 : memref<128x128xf32, #tpu.memory_space<vmem>>) target(%dma_start3A_604 : memref<128x128xf32, #tpu.memory_space<hbm>>) target_semaphore(%arg10 : memref<!tpu.dma_semaphore, #tpu.memory_space<semaphore_mem>>)
    %dma_wait3A_609 = arith.constant 2 : i32
    %dma_wait3A_610 = arith.constant 0 : i32
    %dma_wait3A_611 = arith.constant 0 : i32
    %dma_wait3A_612 = tpu.memref_slice %arg6[%dma_wait3A_609, %dma_wait3A_610, %dma_wait3A_611] : memref<6x128x128xf32, #tpu.memory_space<vmem>> -> memref<1x128x128xf32, #tpu.memory_space<vmem>>
    %dma_wait3A_613 = tpu.memref_squeeze %dma_wait3A_612 : memref<1x128x128xf32, #tpu.memory_space<vmem>> -> memref<128x128xf32, #tpu.memory_space<vmem>>
    %dma_wait3A_614 = arith.constant 0 : i32
    %dma_wait3A_615 = tpu.memref_slice %arg4[%min3A_538, %dma_wait3A_614] : memref<100000x128xf32, #tpu.memory_space<hbm>> -> memref<128x128xf32, #tpu.memory_space<hbm>>
    %dma_wait3A_616 = arith.constant 0 : i32
    %dma_wait3A_617 = tpu.memref_slice %arg4[%min3A_538, %dma_wait3A_616] : memref<100000x128xf32, #tpu.memory_space<hbm>> -> memref<128x128xf32, #tpu.memory_space<hbm>>
    %dma_wait3A_618 = arith.constant 0 : i32
    %dma_wait3A_619 = arith.constant 0 : i32
    %dma_wait3A_620 = tpu.memref_slice %arg6[%dma_wait3A_609, %dma_wait3A_618, %dma_wait3A_619] : memref<6x128x128xf32, #tpu.memory_space<vmem>> -> memref<1x128x128xf32, #tpu.memory_space<vmem>>
    %dma_wait3A_621 = tpu.memref_squeeze %dma_wait3A_620 : memref<1x128x128xf32, #tpu.memory_space<vmem>> -> memref<128x128xf32, #tpu.memory_space<vmem>>
    tpu.wait_dma2 semaphore(%arg9 : memref<!tpu.dma_semaphore, #tpu.memory_space<semaphore_mem>>) src(%dma_wait3A_621 : memref<128x128xf32, #tpu.memory_space<vmem>>) dst(%dma_wait3A_617 : memref<128x128xf32, #tpu.memory_space<hbm>>)
    %mul3A_622 = arith.constant 3200 : i32
    %mul3A_623 = arith.muli %add3A, %mul3A_622 : i32
    %add3A_624 = arith.constant 1792 : i32
    %add3A_625 = arith.addi %mul3A_623, %add3A_624 : i32
    %min3A_626 = arith.constant 99872 : i32
    %min3A_627 = arith.minsi %add3A_625, %min3A_626 : i32
    %sub3A_628 = arith.subi %min3A_627, %min3A_3 : i32
    %dma_start3A_629 = arith.constant 2 : i32
    %dma_start3A_630 = arith.constant 0 : i32
    %dma_start3A_631 = arith.constant 0 : i32
    %dma_start3A_632 = tpu.memref_slice %arg6[%dma_start3A_629, %dma_start3A_630, %dma_start3A_631] : memref<6x128x128xf32, #tpu.memory_space<vmem>> -> memref<1x128x128xf32, #tpu.memory_space<vmem>>
    %dma_start3A_633 = tpu.memref_squeeze %dma_start3A_632 : memref<1x128x128xf32, #tpu.memory_space<vmem>> -> memref<128x128xf32, #tpu.memory_space<vmem>>
    %dma_start3A_634 = tpu.memref_slice %arg5[%sub3A_628] : memref<3200xi32, #tpu.memory_space<vmem>> -> memref<128xi32, #tpu.memory_space<vmem>>
    %dma_start3A_635 = arith.constant 0 : i32
    %dma_start3A_636 = arith.constant 0 : i32
    %dma_start3A_637 = tpu.memref_slice %arg2[%dma_start3A_635, %dma_start3A_636] : memref<25000x128xf32, #tpu.memory_space<hbm>> -> memref<25000x128xf32, #tpu.memory_space<hbm>>
    tpu.enqueue_indirect_dma source(%dma_start3A_637 : memref<25000x128xf32, #tpu.memory_space<hbm>>) target(%dma_start3A_633 : memref<128x128xf32, #tpu.memory_space<vmem>>) offsets(%dma_start3A_634 : memref<128xi32, #tpu.memory_space<vmem>>) semaphore(%arg9 : memref<!tpu.dma_semaphore, #tpu.memory_space<semaphore_mem>>)
    %dma_wait3A_638 = arith.constant 4 : i32
    %dma_wait3A_639 = arith.constant 0 : i32
    %dma_wait3A_640 = arith.constant 0 : i32
    %dma_wait3A_641 = tpu.memref_slice %arg6[%dma_wait3A_638, %dma_wait3A_639, %dma_wait3A_640] : memref<6x128x128xf32, #tpu.memory_space<vmem>> -> memref<1x128x128xf32, #tpu.memory_space<vmem>>
    %dma_wait3A_642 = tpu.memref_squeeze %dma_wait3A_641 : memref<1x128x128xf32, #tpu.memory_space<vmem>> -> memref<128x128xf32, #tpu.memory_space<vmem>>
    %dma_wait3A_643 = tpu.memref_slice %arg5[%sub3A_400] : memref<3200xi32, #tpu.memory_space<vmem>> -> memref<128xi32, #tpu.memory_space<vmem>>
    %dma_wait3A_644 = arith.constant 0 : i32
    %dma_wait3A_645 = arith.constant 0 : i32
    %dma_wait3A_646 = tpu.memref_slice %arg2[%dma_wait3A_644, %dma_wait3A_645] : memref<25000x128xf32, #tpu.memory_space<hbm>> -> memref<25000x128xf32, #tpu.memory_space<hbm>>
    tpu.wait_indirect_dma semaphore(%arg11 : memref<!tpu.dma_semaphore, #tpu.memory_space<semaphore_mem>>) src(%dma_wait3A_646 : memref<25000x128xf32, #tpu.memory_space<hbm>>) dst(%dma_wait3A_642 : memref<128x128xf32, #tpu.memory_space<vmem>>)
    %mul3A_647 = arith.constant 3200 : i32
    %mul3A_648 = arith.muli %add3A, %mul3A_647 : i32
    %add3A_649 = arith.constant 1280 : i32
    %add3A_650 = arith.addi %mul3A_648, %add3A_649 : i32
    %min3A_651 = arith.constant 99872 : i32
    %min3A_652 = arith.minsi %add3A_650, %min3A_651 : i32
    %dma_start3A_653 = arith.constant 4 : i32
    %dma_start3A_654 = arith.constant 0 : i32
    %dma_start3A_655 = arith.constant 0 : i32
    %dma_start3A_656 = tpu.memref_slice %arg6[%dma_start3A_653, %dma_start3A_654, %dma_start3A_655] : memref<6x128x128xf32, #tpu.memory_space<vmem>> -> memref<1x128x128xf32, #tpu.memory_space<vmem>>
    %dma_start3A_657 = tpu.memref_squeeze %dma_start3A_656 : memref<1x128x128xf32, #tpu.memory_space<vmem>> -> memref<128x128xf32, #tpu.memory_space<vmem>>
    %dma_start3A_658 = arith.constant 0 : i32
    %dma_start3A_659 = tpu.memref_slice %arg4[%min3A_652, %dma_start3A_658] : memref<100000x128xf32, #tpu.memory_space<hbm>> -> memref<128x128xf32, #tpu.memory_space<hbm>>
    %dma_start3A_660 = arith.constant 0 : i32
    %dma_start3A_661 = tpu.memref_slice %arg4[%min3A_652, %dma_start3A_660] : memref<100000x128xf32, #tpu.memory_space<hbm>> -> memref<128x128xf32, #tpu.memory_space<hbm>>
    %dma_start3A_662 = arith.constant 0 : i32
    %dma_start3A_663 = arith.constant 0 : i32
    %dma_start3A_664 = tpu.memref_slice %arg6[%dma_start3A_653, %dma_start3A_662, %dma_start3A_663] : memref<6x128x128xf32, #tpu.memory_space<vmem>> -> memref<1x128x128xf32, #tpu.memory_space<vmem>>
    %dma_start3A_665 = tpu.memref_squeeze %dma_start3A_664 : memref<1x128x128xf32, #tpu.memory_space<vmem>> -> memref<128x128xf32, #tpu.memory_space<vmem>>
    tpu.enqueue_dma source(%dma_start3A_665 : memref<128x128xf32, #tpu.memory_space<vmem>>) target(%dma_start3A_661 : memref<128x128xf32, #tpu.memory_space<hbm>>) target_semaphore(%arg11 : memref<!tpu.dma_semaphore, #tpu.memory_space<semaphore_mem>>)
    %dma_wait3A_666 = arith.constant 3 : i32
    %dma_wait3A_667 = arith.constant 0 : i32
    %dma_wait3A_668 = arith.constant 0 : i32
    %dma_wait3A_669 = tpu.memref_slice %arg6[%dma_wait3A_666, %dma_wait3A_667, %dma_wait3A_668] : memref<6x128x128xf32, #tpu.memory_space<vmem>> -> memref<1x128x128xf32, #tpu.memory_space<vmem>>
    %dma_wait3A_670 = tpu.memref_squeeze %dma_wait3A_669 : memref<1x128x128xf32, #tpu.memory_space<vmem>> -> memref<128x128xf32, #tpu.memory_space<vmem>>
    %dma_wait3A_671 = arith.constant 0 : i32
    %dma_wait3A_672 = tpu.memref_slice %arg4[%min3A_595, %dma_wait3A_671] : memref<100000x128xf32, #tpu.memory_space<hbm>> -> memref<128x128xf32, #tpu.memory_space<hbm>>
    %dma_wait3A_673 = arith.constant 0 : i32
    %dma_wait3A_674 = tpu.memref_slice %arg4[%min3A_595, %dma_wait3A_673] : memref<100000x128xf32, #tpu.memory_space<hbm>> -> memref<128x128xf32, #tpu.memory_space<hbm>>
    %dma_wait3A_675 = arith.constant 0 : i32
    %dma_wait3A_676 = arith.constant 0 : i32
    %dma_wait3A_677 = tpu.memref_slice %arg6[%dma_wait3A_666, %dma_wait3A_675, %dma_wait3A_676] : memref<6x128x128xf32, #tpu.memory_space<vmem>> -> memref<1x128x128xf32, #tpu.memory_space<vmem>>
    %dma_wait3A_678 = tpu.memref_squeeze %dma_wait3A_677 : memref<1x128x128xf32, #tpu.memory_space<vmem>> -> memref<128x128xf32, #tpu.memory_space<vmem>>
    tpu.wait_dma2 semaphore(%arg10 : memref<!tpu.dma_semaphore, #tpu.memory_space<semaphore_mem>>) src(%dma_wait3A_678 : memref<128x128xf32, #tpu.memory_space<vmem>>) dst(%dma_wait3A_674 : memref<128x128xf32, #tpu.memory_space<hbm>>)
    %mul3A_679 = arith.constant 3200 : i32
    %mul3A_680 = arith.muli %add3A, %mul3A_679 : i32
    %add3A_681 = arith.constant 1920 : i32
    %add3A_682 = arith.addi %mul3A_680, %add3A_681 : i32
    %min3A_683 = arith.constant 99872 : i32
    %min3A_684 = arith.minsi %add3A_682, %min3A_683 : i32
    %sub3A_685 = arith.subi %min3A_684, %min3A_3 : i32
    %dma_start3A_686 = arith.constant 3 : i32
    %dma_start3A_687 = arith.constant 0 : i32
    %dma_start3A_688 = arith.constant 0 : i32
    %dma_start3A_689 = tpu.memref_slice %arg6[%dma_start3A_686, %dma_start3A_687, %dma_start3A_688] : memref<6x128x128xf32, #tpu.memory_space<vmem>> -> memref<1x128x128xf32, #tpu.memory_space<vmem>>
    %dma_start3A_690 = tpu.memref_squeeze %dma_start3A_689 : memref<1x128x128xf32, #tpu.memory_space<vmem>> -> memref<128x128xf32, #tpu.memory_space<vmem>>
    %dma_start3A_691 = tpu.memref_slice %arg5[%sub3A_685] : memref<3200xi32, #tpu.memory_space<vmem>> -> memref<128xi32, #tpu.memory_space<vmem>>
    %dma_start3A_692 = arith.constant 0 : i32
    %dma_start3A_693 = arith.constant 0 : i32
    %dma_start3A_694 = tpu.memref_slice %arg2[%dma_start3A_692, %dma_start3A_693] : memref<25000x128xf32, #tpu.memory_space<hbm>> -> memref<25000x128xf32, #tpu.memory_space<hbm>>
    tpu.enqueue_indirect_dma source(%dma_start3A_694 : memref<25000x128xf32, #tpu.memory_space<hbm>>) target(%dma_start3A_690 : memref<128x128xf32, #tpu.memory_space<vmem>>) offsets(%dma_start3A_691 : memref<128xi32, #tpu.memory_space<vmem>>) semaphore(%arg10 : memref<!tpu.dma_semaphore, #tpu.memory_space<semaphore_mem>>)
    %dma_wait3A_695 = arith.constant 5 : i32
    %dma_wait3A_696 = arith.constant 0 : i32
    %dma_wait3A_697 = arith.constant 0 : i32
    %dma_wait3A_698 = tpu.memref_slice %arg6[%dma_wait3A_695, %dma_wait3A_696, %dma_wait3A_697] : memref<6x128x128xf32, #tpu.memory_space<vmem>> -> memref<1x128x128xf32, #tpu.memory_space<vmem>>
    %dma_wait3A_699 = tpu.memref_squeeze %dma_wait3A_698 : memref<1x128x128xf32, #tpu.memory_space<vmem>> -> memref<128x128xf32, #tpu.memory_space<vmem>>
    %dma_wait3A_700 = tpu.memref_slice %arg5[%sub3A_457] : memref<3200xi32, #tpu.memory_space<vmem>> -> memref<128xi32, #tpu.memory_space<vmem>>
    %dma_wait3A_701 = arith.constant 0 : i32
    %dma_wait3A_702 = arith.constant 0 : i32
    %dma_wait3A_703 = tpu.memref_slice %arg2[%dma_wait3A_701, %dma_wait3A_702] : memref<25000x128xf32, #tpu.memory_space<hbm>> -> memref<25000x128xf32, #tpu.memory_space<hbm>>
    tpu.wait_indirect_dma semaphore(%arg12 : memref<!tpu.dma_semaphore, #tpu.memory_space<semaphore_mem>>) src(%dma_wait3A_703 : memref<25000x128xf32, #tpu.memory_space<hbm>>) dst(%dma_wait3A_699 : memref<128x128xf32, #tpu.memory_space<vmem>>)
    %mul3A_704 = arith.constant 3200 : i32
    %mul3A_705 = arith.muli %add3A, %mul3A_704 : i32
    %add3A_706 = arith.constant 1408 : i32
    %add3A_707 = arith.addi %mul3A_705, %add3A_706 : i32
    %min3A_708 = arith.constant 99872 : i32
    %min3A_709 = arith.minsi %add3A_707, %min3A_708 : i32
    %dma_start3A_710 = arith.constant 5 : i32
    %dma_start3A_711 = arith.constant 0 : i32
    %dma_start3A_712 = arith.constant 0 : i32
    %dma_start3A_713 = tpu.memref_slice %arg6[%dma_start3A_710, %dma_start3A_711, %dma_start3A_712] : memref<6x128x128xf32, #tpu.memory_space<vmem>> -> memref<1x128x128xf32, #tpu.memory_space<vmem>>
    %dma_start3A_714 = tpu.memref_squeeze %dma_start3A_713 : memref<1x128x128xf32, #tpu.memory_space<vmem>> -> memref<128x128xf32, #tpu.memory_space<vmem>>
    %dma_start3A_715 = arith.constant 0 : i32
    %dma_start3A_716 = tpu.memref_slice %arg4[%min3A_709, %dma_start3A_715] : memref<100000x128xf32, #tpu.memory_space<hbm>> -> memref<128x128xf32, #tpu.memory_space<hbm>>
    %dma_start3A_717 = arith.constant 0 : i32
    %dma_start3A_718 = tpu.memref_slice %arg4[%min3A_709, %dma_start3A_717] : memref<100000x128xf32, #tpu.memory_space<hbm>> -> memref<128x128xf32, #tpu.memory_space<hbm>>
    %dma_start3A_719 = arith.constant 0 : i32
    %dma_start3A_720 = arith.constant 0 : i32
    %dma_start3A_721 = tpu.memref_slice %arg6[%dma_start3A_710, %dma_start3A_719, %dma_start3A_720] : memref<6x128x128xf32, #tpu.memory_space<vmem>> -> memref<1x128x128xf32, #tpu.memory_space<vmem>>
    %dma_start3A_722 = tpu.memref_squeeze %dma_start3A_721 : memref<1x128x128xf32, #tpu.memory_space<vmem>> -> memref<128x128xf32, #tpu.memory_space<vmem>>
    tpu.enqueue_dma source(%dma_start3A_722 : memref<128x128xf32, #tpu.memory_space<vmem>>) target(%dma_start3A_718 : memref<128x128xf32, #tpu.memory_space<hbm>>) target_semaphore(%arg12 : memref<!tpu.dma_semaphore, #tpu.memory_space<semaphore_mem>>)
    %dma_wait3A_723 = arith.constant 4 : i32
    %dma_wait3A_724 = arith.constant 0 : i32
    %dma_wait3A_725 = arith.constant 0 : i32
    %dma_wait3A_726 = tpu.memref_slice %arg6[%dma_wait3A_723, %dma_wait3A_724, %dma_wait3A_725] : memref<6x128x128xf32, #tpu.memory_space<vmem>> -> memref<1x128x128xf32, #tpu.memory_space<vmem>>
    %dma_wait3A_727 = tpu.memref_squeeze %dma_wait3A_726 : memref<1x128x128xf32, #tpu.memory_space<vmem>> -> memref<128x128xf32, #tpu.memory_space<vmem>>
    %dma_wait3A_728 = arith.constant 0 : i32
    %dma_wait3A_729 = tpu.memref_slice %arg4[%min3A_652, %dma_wait3A_728] : memref<100000x128xf32, #tpu.memory_space<hbm>> -> memref<128x128xf32, #tpu.memory_space<hbm>>
    %dma_wait3A_730 = arith.constant 0 : i32
    %dma_wait3A_731 = tpu.memref_slice %arg4[%min3A_652, %dma_wait3A_730] : memref<100000x128xf32, #tpu.memory_space<hbm>> -> memref<128x128xf32, #tpu.memory_space<hbm>>
    %dma_wait3A_732 = arith.constant 0 : i32
    %dma_wait3A_733 = arith.constant 0 : i32
    %dma_wait3A_734 = tpu.memref_slice %arg6[%dma_wait3A_723, %dma_wait3A_732, %dma_wait3A_733] : memref<6x128x128xf32, #tpu.memory_space<vmem>> -> memref<1x128x128xf32, #tpu.memory_space<vmem>>
    %dma_wait3A_735 = tpu.memref_squeeze %dma_wait3A_734 : memref<1x128x128xf32, #tpu.memory_space<vmem>> -> memref<128x128xf32, #tpu.memory_space<vmem>>
    tpu.wait_dma2 semaphore(%arg11 : memref<!tpu.dma_semaphore, #tpu.memory_space<semaphore_mem>>) src(%dma_wait3A_735 : memref<128x128xf32, #tpu.memory_space<vmem>>) dst(%dma_wait3A_731 : memref<128x128xf32, #tpu.memory_space<hbm>>)
    %mul3A_736 = arith.constant 3200 : i32
    %mul3A_737 = arith.muli %add3A, %mul3A_736 : i32
    %add3A_738 = arith.constant 2048 : i32
    %add3A_739 = arith.addi %mul3A_737, %add3A_738 : i32
    %min3A_740 = arith.constant 99872 : i32
    %min3A_741 = arith.minsi %add3A_739, %min3A_740 : i32
    %sub3A_742 = arith.subi %min3A_741, %min3A_3 : i32
    %dma_start3A_743 = arith.constant 4 : i32
    %dma_start3A_744 = arith.constant 0 : i32
    %dma_start3A_745 = arith.constant 0 : i32
    %dma_start3A_746 = tpu.memref_slice %arg6[%dma_start3A_743, %dma_start3A_744, %dma_start3A_745] : memref<6x128x128xf32, #tpu.memory_space<vmem>> -> memref<1x128x128xf32, #tpu.memory_space<vmem>>
    %dma_start3A_747 = tpu.memref_squeeze %dma_start3A_746 : memref<1x128x128xf32, #tpu.memory_space<vmem>> -> memref<128x128xf32, #tpu.memory_space<vmem>>
    %dma_start3A_748 = tpu.memref_slice %arg5[%sub3A_742] : memref<3200xi32, #tpu.memory_space<vmem>> -> memref<128xi32, #tpu.memory_space<vmem>>
    %dma_start3A_749 = arith.constant 0 : i32
    %dma_start3A_750 = arith.constant 0 : i32
    %dma_start3A_751 = tpu.memref_slice %arg2[%dma_start3A_749, %dma_start3A_750] : memref<25000x128xf32, #tpu.memory_space<hbm>> -> memref<25000x128xf32, #tpu.memory_space<hbm>>
    tpu.enqueue_indirect_dma source(%dma_start3A_751 : memref<25000x128xf32, #tpu.memory_space<hbm>>) target(%dma_start3A_747 : memref<128x128xf32, #tpu.memory_space<vmem>>) offsets(%dma_start3A_748 : memref<128xi32, #tpu.memory_space<vmem>>) semaphore(%arg11 : memref<!tpu.dma_semaphore, #tpu.memory_space<semaphore_mem>>)
    %dma_wait3A_752 = arith.constant 0 : i32
    %dma_wait3A_753 = arith.constant 0 : i32
    %dma_wait3A_754 = arith.constant 0 : i32
    %dma_wait3A_755 = tpu.memref_slice %arg6[%dma_wait3A_752, %dma_wait3A_753, %dma_wait3A_754] : memref<6x128x128xf32, #tpu.memory_space<vmem>> -> memref<1x128x128xf32, #tpu.memory_space<vmem>>
    %dma_wait3A_756 = tpu.memref_squeeze %dma_wait3A_755 : memref<1x128x128xf32, #tpu.memory_space<vmem>> -> memref<128x128xf32, #tpu.memory_space<vmem>>
    %dma_wait3A_757 = tpu.memref_slice %arg5[%sub3A_514] : memref<3200xi32, #tpu.memory_space<vmem>> -> memref<128xi32, #tpu.memory_space<vmem>>
    %dma_wait3A_758 = arith.constant 0 : i32
    %dma_wait3A_759 = arith.constant 0 : i32
    %dma_wait3A_760 = tpu.memref_slice %arg2[%dma_wait3A_758, %dma_wait3A_759] : memref<25000x128xf32, #tpu.memory_space<hbm>> -> memref<25000x128xf32, #tpu.memory_space<hbm>>
    tpu.wait_indirect_dma semaphore(%arg7 : memref<!tpu.dma_semaphore, #tpu.memory_space<semaphore_mem>>) src(%dma_wait3A_760 : memref<25000x128xf32, #tpu.memory_space<hbm>>) dst(%dma_wait3A_756 : memref<128x128xf32, #tpu.memory_space<vmem>>)
    %mul3A_761 = arith.constant 3200 : i32
    %mul3A_762 = arith.muli %add3A, %mul3A_761 : i32
    %add3A_763 = arith.constant 1536 : i32
    %add3A_764 = arith.addi %mul3A_762, %add3A_763 : i32
    %min3A_765 = arith.constant 99872 : i32
    %min3A_766 = arith.minsi %add3A_764, %min3A_765 : i32
    %dma_start3A_767 = arith.constant 0 : i32
    %dma_start3A_768 = arith.constant 0 : i32
    %dma_start3A_769 = arith.constant 0 : i32
    %dma_start3A_770 = tpu.memref_slice %arg6[%dma_start3A_767, %dma_start3A_768, %dma_start3A_769] : memref<6x128x128xf32, #tpu.memory_space<vmem>> -> memref<1x128x128xf32, #tpu.memory_space<vmem>>
    %dma_start3A_771 = tpu.memref_squeeze %dma_start3A_770 : memref<1x128x128xf32, #tpu.memory_space<vmem>> -> memref<128x128xf32, #tpu.memory_space<vmem>>
    %dma_start3A_772 = arith.constant 0 : i32
    %dma_start3A_773 = tpu.memref_slice %arg4[%min3A_766, %dma_start3A_772] : memref<100000x128xf32, #tpu.memory_space<hbm>> -> memref<128x128xf32, #tpu.memory_space<hbm>>
    %dma_start3A_774 = arith.constant 0 : i32
    %dma_start3A_775 = tpu.memref_slice %arg4[%min3A_766, %dma_start3A_774] : memref<100000x128xf32, #tpu.memory_space<hbm>> -> memref<128x128xf32, #tpu.memory_space<hbm>>
    %dma_start3A_776 = arith.constant 0 : i32
    %dma_start3A_777 = arith.constant 0 : i32
    %dma_start3A_778 = tpu.memref_slice %arg6[%dma_start3A_767, %dma_start3A_776, %dma_start3A_777] : memref<6x128x128xf32, #tpu.memory_space<vmem>> -> memref<1x128x128xf32, #tpu.memory_space<vmem>>
    %dma_start3A_779 = tpu.memref_squeeze %dma_start3A_778 : memref<1x128x128xf32, #tpu.memory_space<vmem>> -> memref<128x128xf32, #tpu.memory_space<vmem>>
    tpu.enqueue_dma source(%dma_start3A_779 : memref<128x128xf32, #tpu.memory_space<vmem>>) target(%dma_start3A_775 : memref<128x128xf32, #tpu.memory_space<hbm>>) target_semaphore(%arg7 : memref<!tpu.dma_semaphore, #tpu.memory_space<semaphore_mem>>)
    %dma_wait3A_780 = arith.constant 5 : i32
    %dma_wait3A_781 = arith.constant 0 : i32
    %dma_wait3A_782 = arith.constant 0 : i32
    %dma_wait3A_783 = tpu.memref_slice %arg6[%dma_wait3A_780, %dma_wait3A_781, %dma_wait3A_782] : memref<6x128x128xf32, #tpu.memory_space<vmem>> -> memref<1x128x128xf32, #tpu.memory_space<vmem>>
    %dma_wait3A_784 = tpu.memref_squeeze %dma_wait3A_783 : memref<1x128x128xf32, #tpu.memory_space<vmem>> -> memref<128x128xf32, #tpu.memory_space<vmem>>
    %dma_wait3A_785 = arith.constant 0 : i32
    %dma_wait3A_786 = tpu.memref_slice %arg4[%min3A_709, %dma_wait3A_785] : memref<100000x128xf32, #tpu.memory_space<hbm>> -> memref<128x128xf32, #tpu.memory_space<hbm>>
    %dma_wait3A_787 = arith.constant 0 : i32
    %dma_wait3A_788 = tpu.memref_slice %arg4[%min3A_709, %dma_wait3A_787] : memref<100000x128xf32, #tpu.memory_space<hbm>> -> memref<128x128xf32, #tpu.memory_space<hbm>>
    %dma_wait3A_789 = arith.constant 0 : i32
    %dma_wait3A_790 = arith.constant 0 : i32
    %dma_wait3A_791 = tpu.memref_slice %arg6[%dma_wait3A_780, %dma_wait3A_789, %dma_wait3A_790] : memref<6x128x128xf32, #tpu.memory_space<vmem>> -> memref<1x128x128xf32, #tpu.memory_space<vmem>>
    %dma_wait3A_792 = tpu.memref_squeeze %dma_wait3A_791 : memref<1x128x128xf32, #tpu.memory_space<vmem>> -> memref<128x128xf32, #tpu.memory_space<vmem>>
    tpu.wait_dma2 semaphore(%arg12 : memref<!tpu.dma_semaphore, #tpu.memory_space<semaphore_mem>>) src(%dma_wait3A_792 : memref<128x128xf32, #tpu.memory_space<vmem>>) dst(%dma_wait3A_788 : memref<128x128xf32, #tpu.memory_space<hbm>>)
    %mul3A_793 = arith.constant 3200 : i32
    %mul3A_794 = arith.muli %add3A, %mul3A_793 : i32
    %add3A_795 = arith.constant 2176 : i32
    %add3A_796 = arith.addi %mul3A_794, %add3A_795 : i32
    %min3A_797 = arith.constant 99872 : i32
    %min3A_798 = arith.minsi %add3A_796, %min3A_797 : i32
    %sub3A_799 = arith.subi %min3A_798, %min3A_3 : i32
    %dma_start3A_800 = arith.constant 5 : i32
    %dma_start3A_801 = arith.constant 0 : i32
    %dma_start3A_802 = arith.constant 0 : i32
    %dma_start3A_803 = tpu.memref_slice %arg6[%dma_start3A_800, %dma_start3A_801, %dma_start3A_802] : memref<6x128x128xf32, #tpu.memory_space<vmem>> -> memref<1x128x128xf32, #tpu.memory_space<vmem>>
    %dma_start3A_804 = tpu.memref_squeeze %dma_start3A_803 : memref<1x128x128xf32, #tpu.memory_space<vmem>> -> memref<128x128xf32, #tpu.memory_space<vmem>>
    %dma_start3A_805 = tpu.memref_slice %arg5[%sub3A_799] : memref<3200xi32, #tpu.memory_space<vmem>> -> memref<128xi32, #tpu.memory_space<vmem>>
    %dma_start3A_806 = arith.constant 0 : i32
    %dma_start3A_807 = arith.constant 0 : i32
    %dma_start3A_808 = tpu.memref_slice %arg2[%dma_start3A_806, %dma_start3A_807] : memref<25000x128xf32, #tpu.memory_space<hbm>> -> memref<25000x128xf32, #tpu.memory_space<hbm>>
    tpu.enqueue_indirect_dma source(%dma_start3A_808 : memref<25000x128xf32, #tpu.memory_space<hbm>>) target(%dma_start3A_804 : memref<128x128xf32, #tpu.memory_space<vmem>>) offsets(%dma_start3A_805 : memref<128xi32, #tpu.memory_space<vmem>>) semaphore(%arg12 : memref<!tpu.dma_semaphore, #tpu.memory_space<semaphore_mem>>)
    %dma_wait3A_809 = arith.constant 1 : i32
    %dma_wait3A_810 = arith.constant 0 : i32
    %dma_wait3A_811 = arith.constant 0 : i32
    %dma_wait3A_812 = tpu.memref_slice %arg6[%dma_wait3A_809, %dma_wait3A_810, %dma_wait3A_811] : memref<6x128x128xf32, #tpu.memory_space<vmem>> -> memref<1x128x128xf32, #tpu.memory_space<vmem>>
    %dma_wait3A_813 = tpu.memref_squeeze %dma_wait3A_812 : memref<1x128x128xf32, #tpu.memory_space<vmem>> -> memref<128x128xf32, #tpu.memory_space<vmem>>
    %dma_wait3A_814 = tpu.memref_slice %arg5[%sub3A_571] : memref<3200xi32, #tpu.memory_space<vmem>> -> memref<128xi32, #tpu.memory_space<vmem>>
    %dma_wait3A_815 = arith.constant 0 : i32
    %dma_wait3A_816 = arith.constant 0 : i32
    %dma_wait3A_817 = tpu.memref_slice %arg2[%dma_wait3A_815, %dma_wait3A_816] : memref<25000x128xf32, #tpu.memory_space<hbm>> -> memref<25000x128xf32, #tpu.memory_space<hbm>>
    tpu.wait_indirect_dma semaphore(%arg8 : memref<!tpu.dma_semaphore, #tpu.memory_space<semaphore_mem>>) src(%dma_wait3A_817 : memref<25000x128xf32, #tpu.memory_space<hbm>>) dst(%dma_wait3A_813 : memref<128x128xf32, #tpu.memory_space<vmem>>)
    %mul3A_818 = arith.constant 3200 : i32
    %mul3A_819 = arith.muli %add3A, %mul3A_818 : i32
    %add3A_820 = arith.constant 1664 : i32
    %add3A_821 = arith.addi %mul3A_819, %add3A_820 : i32
    %min3A_822 = arith.constant 99872 : i32
    %min3A_823 = arith.minsi %add3A_821, %min3A_822 : i32
    %dma_start3A_824 = arith.constant 1 : i32
    %dma_start3A_825 = arith.constant 0 : i32
    %dma_start3A_826 = arith.constant 0 : i32
    %dma_start3A_827 = tpu.memref_slice %arg6[%dma_start3A_824, %dma_start3A_825, %dma_start3A_826] : memref<6x128x128xf32, #tpu.memory_space<vmem>> -> memref<1x128x128xf32, #tpu.memory_space<vmem>>
    %dma_start3A_828 = tpu.memref_squeeze %dma_start3A_827 : memref<1x128x128xf32, #tpu.memory_space<vmem>> -> memref<128x128xf32, #tpu.memory_space<vmem>>
    %dma_start3A_829 = arith.constant 0 : i32
    %dma_start3A_830 = tpu.memref_slice %arg4[%min3A_823, %dma_start3A_829] : memref<100000x128xf32, #tpu.memory_space<hbm>> -> memref<128x128xf32, #tpu.memory_space<hbm>>
    %dma_start3A_831 = arith.constant 0 : i32
    %dma_start3A_832 = tpu.memref_slice %arg4[%min3A_823, %dma_start3A_831] : memref<100000x128xf32, #tpu.memory_space<hbm>> -> memref<128x128xf32, #tpu.memory_space<hbm>>
    %dma_start3A_833 = arith.constant 0 : i32
    %dma_start3A_834 = arith.constant 0 : i32
    %dma_start3A_835 = tpu.memref_slice %arg6[%dma_start3A_824, %dma_start3A_833, %dma_start3A_834] : memref<6x128x128xf32, #tpu.memory_space<vmem>> -> memref<1x128x128xf32, #tpu.memory_space<vmem>>
    %dma_start3A_836 = tpu.memref_squeeze %dma_start3A_835 : memref<1x128x128xf32, #tpu.memory_space<vmem>> -> memref<128x128xf32, #tpu.memory_space<vmem>>
    tpu.enqueue_dma source(%dma_start3A_836 : memref<128x128xf32, #tpu.memory_space<vmem>>) target(%dma_start3A_832 : memref<128x128xf32, #tpu.memory_space<hbm>>) target_semaphore(%arg8 : memref<!tpu.dma_semaphore, #tpu.memory_space<semaphore_mem>>)
    %dma_wait3A_837 = arith.constant 0 : i32
    %dma_wait3A_838 = arith.constant 0 : i32
    %dma_wait3A_839 = arith.constant 0 : i32
    %dma_wait3A_840 = tpu.memref_slice %arg6[%dma_wait3A_837, %dma_wait3A_838, %dma_wait3A_839] : memref<6x128x128xf32, #tpu.memory_space<vmem>> -> memref<1x128x128xf32, #tpu.memory_space<vmem>>
    %dma_wait3A_841 = tpu.memref_squeeze %dma_wait3A_840 : memref<1x128x128xf32, #tpu.memory_space<vmem>> -> memref<128x128xf32, #tpu.memory_space<vmem>>
    %dma_wait3A_842 = arith.constant 0 : i32
    %dma_wait3A_843 = tpu.memref_slice %arg4[%min3A_766, %dma_wait3A_842] : memref<100000x128xf32, #tpu.memory_space<hbm>> -> memref<128x128xf32, #tpu.memory_space<hbm>>
    %dma_wait3A_844 = arith.constant 0 : i32
    %dma_wait3A_845 = tpu.memref_slice %arg4[%min3A_766, %dma_wait3A_844] : memref<100000x128xf32, #tpu.memory_space<hbm>> -> memref<128x128xf32, #tpu.memory_space<hbm>>
    %dma_wait3A_846 = arith.constant 0 : i32
    %dma_wait3A_847 = arith.constant 0 : i32
    %dma_wait3A_848 = tpu.memref_slice %arg6[%dma_wait3A_837, %dma_wait3A_846, %dma_wait3A_847] : memref<6x128x128xf32, #tpu.memory_space<vmem>> -> memref<1x128x128xf32, #tpu.memory_space<vmem>>
    %dma_wait3A_849 = tpu.memref_squeeze %dma_wait3A_848 : memref<1x128x128xf32, #tpu.memory_space<vmem>> -> memref<128x128xf32, #tpu.memory_space<vmem>>
    tpu.wait_dma2 semaphore(%arg7 : memref<!tpu.dma_semaphore, #tpu.memory_space<semaphore_mem>>) src(%dma_wait3A_849 : memref<128x128xf32, #tpu.memory_space<vmem>>) dst(%dma_wait3A_845 : memref<128x128xf32, #tpu.memory_space<hbm>>)
    %mul3A_850 = arith.constant 3200 : i32
    %mul3A_851 = arith.muli %add3A, %mul3A_850 : i32
    %add3A_852 = arith.constant 2304 : i32
    %add3A_853 = arith.addi %mul3A_851, %add3A_852 : i32
    %min3A_854 = arith.constant 99872 : i32
    %min3A_855 = arith.minsi %add3A_853, %min3A_854 : i32
    %sub3A_856 = arith.subi %min3A_855, %min3A_3 : i32
    %dma_start3A_857 = arith.constant 0 : i32
    %dma_start3A_858 = arith.constant 0 : i32
    %dma_start3A_859 = arith.constant 0 : i32
    %dma_start3A_860 = tpu.memref_slice %arg6[%dma_start3A_857, %dma_start3A_858, %dma_start3A_859] : memref<6x128x128xf32, #tpu.memory_space<vmem>> -> memref<1x128x128xf32, #tpu.memory_space<vmem>>
    %dma_start3A_861 = tpu.memref_squeeze %dma_start3A_860 : memref<1x128x128xf32, #tpu.memory_space<vmem>> -> memref<128x128xf32, #tpu.memory_space<vmem>>
    %dma_start3A_862 = tpu.memref_slice %arg5[%sub3A_856] : memref<3200xi32, #tpu.memory_space<vmem>> -> memref<128xi32, #tpu.memory_space<vmem>>
    %dma_start3A_863 = arith.constant 0 : i32
    %dma_start3A_864 = arith.constant 0 : i32
    %dma_start3A_865 = tpu.memref_slice %arg2[%dma_start3A_863, %dma_start3A_864] : memref<25000x128xf32, #tpu.memory_space<hbm>> -> memref<25000x128xf32, #tpu.memory_space<hbm>>
    tpu.enqueue_indirect_dma source(%dma_start3A_865 : memref<25000x128xf32, #tpu.memory_space<hbm>>) target(%dma_start3A_861 : memref<128x128xf32, #tpu.memory_space<vmem>>) offsets(%dma_start3A_862 : memref<128xi32, #tpu.memory_space<vmem>>) semaphore(%arg7 : memref<!tpu.dma_semaphore, #tpu.memory_space<semaphore_mem>>)
    %dma_wait3A_866 = arith.constant 2 : i32
    %dma_wait3A_867 = arith.constant 0 : i32
    %dma_wait3A_868 = arith.constant 0 : i32
    %dma_wait3A_869 = tpu.memref_slice %arg6[%dma_wait3A_866, %dma_wait3A_867, %dma_wait3A_868] : memref<6x128x128xf32, #tpu.memory_space<vmem>> -> memref<1x128x128xf32, #tpu.memory_space<vmem>>
    %dma_wait3A_870 = tpu.memref_squeeze %dma_wait3A_869 : memref<1x128x128xf32, #tpu.memory_space<vmem>> -> memref<128x128xf32, #tpu.memory_space<vmem>>
    %dma_wait3A_871 = tpu.memref_slice %arg5[%sub3A_628] : memref<3200xi32, #tpu.memory_space<vmem>> -> memref<128xi32, #tpu.memory_space<vmem>>
    %dma_wait3A_872 = arith.constant 0 : i32
    %dma_wait3A_873 = arith.constant 0 : i32
    %dma_wait3A_874 = tpu.memref_slice %arg2[%dma_wait3A_872, %dma_wait3A_873] : memref<25000x128xf32, #tpu.memory_space<hbm>> -> memref<25000x128xf32, #tpu.memory_space<hbm>>
    tpu.wait_indirect_dma semaphore(%arg9 : memref<!tpu.dma_semaphore, #tpu.memory_space<semaphore_mem>>) src(%dma_wait3A_874 : memref<25000x128xf32, #tpu.memory_space<hbm>>) dst(%dma_wait3A_870 : memref<128x128xf32, #tpu.memory_space<vmem>>)
    %mul3A_875 = arith.constant 3200 : i32
    %mul3A_876 = arith.muli %add3A, %mul3A_875 : i32
    %add3A_877 = arith.constant 1792 : i32
    %add3A_878 = arith.addi %mul3A_876, %add3A_877 : i32
    %min3A_879 = arith.constant 99872 : i32
    %min3A_880 = arith.minsi %add3A_878, %min3A_879 : i32
    %dma_start3A_881 = arith.constant 2 : i32
    %dma_start3A_882 = arith.constant 0 : i32
    %dma_start3A_883 = arith.constant 0 : i32
    %dma_start3A_884 = tpu.memref_slice %arg6[%dma_start3A_881, %dma_start3A_882, %dma_start3A_883] : memref<6x128x128xf32, #tpu.memory_space<vmem>> -> memref<1x128x128xf32, #tpu.memory_space<vmem>>
    %dma_start3A_885 = tpu.memref_squeeze %dma_start3A_884 : memref<1x128x128xf32, #tpu.memory_space<vmem>> -> memref<128x128xf32, #tpu.memory_space<vmem>>
    %dma_start3A_886 = arith.constant 0 : i32
    %dma_start3A_887 = tpu.memref_slice %arg4[%min3A_880, %dma_start3A_886] : memref<100000x128xf32, #tpu.memory_space<hbm>> -> memref<128x128xf32, #tpu.memory_space<hbm>>
    %dma_start3A_888 = arith.constant 0 : i32
    %dma_start3A_889 = tpu.memref_slice %arg4[%min3A_880, %dma_start3A_888] : memref<100000x128xf32, #tpu.memory_space<hbm>> -> memref<128x128xf32, #tpu.memory_space<hbm>>
    %dma_start3A_890 = arith.constant 0 : i32
    %dma_start3A_891 = arith.constant 0 : i32
    %dma_start3A_892 = tpu.memref_slice %arg6[%dma_start3A_881, %dma_start3A_890, %dma_start3A_891] : memref<6x128x128xf32, #tpu.memory_space<vmem>> -> memref<1x128x128xf32, #tpu.memory_space<vmem>>
    %dma_start3A_893 = tpu.memref_squeeze %dma_start3A_892 : memref<1x128x128xf32, #tpu.memory_space<vmem>> -> memref<128x128xf32, #tpu.memory_space<vmem>>
    tpu.enqueue_dma source(%dma_start3A_893 : memref<128x128xf32, #tpu.memory_space<vmem>>) target(%dma_start3A_889 : memref<128x128xf32, #tpu.memory_space<hbm>>) target_semaphore(%arg9 : memref<!tpu.dma_semaphore, #tpu.memory_space<semaphore_mem>>)
    %dma_wait3A_894 = arith.constant 1 : i32
    %dma_wait3A_895 = arith.constant 0 : i32
    %dma_wait3A_896 = arith.constant 0 : i32
    %dma_wait3A_897 = tpu.memref_slice %arg6[%dma_wait3A_894, %dma_wait3A_895, %dma_wait3A_896] : memref<6x128x128xf32, #tpu.memory_space<vmem>> -> memref<1x128x128xf32, #tpu.memory_space<vmem>>
    %dma_wait3A_898 = tpu.memref_squeeze %dma_wait3A_897 : memref<1x128x128xf32, #tpu.memory_space<vmem>> -> memref<128x128xf32, #tpu.memory_space<vmem>>
    %dma_wait3A_899 = arith.constant 0 : i32
    %dma_wait3A_900 = tpu.memref_slice %arg4[%min3A_823, %dma_wait3A_899] : memref<100000x128xf32, #tpu.memory_space<hbm>> -> memref<128x128xf32, #tpu.memory_space<hbm>>
    %dma_wait3A_901 = arith.constant 0 : i32
    %dma_wait3A_902 = tpu.memref_slice %arg4[%min3A_823, %dma_wait3A_901] : memref<100000x128xf32, #tpu.memory_space<hbm>> -> memref<128x128xf32, #tpu.memory_space<hbm>>
    %dma_wait3A_903 = arith.constant 0 : i32
    %dma_wait3A_904 = arith.constant 0 : i32
    %dma_wait3A_905 = tpu.memref_slice %arg6[%dma_wait3A_894, %dma_wait3A_903, %dma_wait3A_904] : memref<6x128x128xf32, #tpu.memory_space<vmem>> -> memref<1x128x128xf32, #tpu.memory_space<vmem>>
    %dma_wait3A_906 = tpu.memref_squeeze %dma_wait3A_905 : memref<1x128x128xf32, #tpu.memory_space<vmem>> -> memref<128x128xf32, #tpu.memory_space<vmem>>
    tpu.wait_dma2 semaphore(%arg8 : memref<!tpu.dma_semaphore, #tpu.memory_space<semaphore_mem>>) src(%dma_wait3A_906 : memref<128x128xf32, #tpu.memory_space<vmem>>) dst(%dma_wait3A_902 : memref<128x128xf32, #tpu.memory_space<hbm>>)
    %mul3A_907 = arith.constant 3200 : i32
    %mul3A_908 = arith.muli %add3A, %mul3A_907 : i32
    %add3A_909 = arith.constant 2432 : i32
    %add3A_910 = arith.addi %mul3A_908, %add3A_909 : i32
    %min3A_911 = arith.constant 99872 : i32
    %min3A_912 = arith.minsi %add3A_910, %min3A_911 : i32
    %sub3A_913 = arith.subi %min3A_912, %min3A_3 : i32
    %dma_start3A_914 = arith.constant 1 : i32
    %dma_start3A_915 = arith.constant 0 : i32
    %dma_start3A_916 = arith.constant 0 : i32
    %dma_start3A_917 = tpu.memref_slice %arg6[%dma_start3A_914, %dma_start3A_915, %dma_start3A_916] : memref<6x128x128xf32, #tpu.memory_space<vmem>> -> memref<1x128x128xf32, #tpu.memory_space<vmem>>
    %dma_start3A_918 = tpu.memref_squeeze %dma_start3A_917 : memref<1x128x128xf32, #tpu.memory_space<vmem>> -> memref<128x128xf32, #tpu.memory_space<vmem>>
    %dma_start3A_919 = tpu.memref_slice %arg5[%sub3A_913] : memref<3200xi32, #tpu.memory_space<vmem>> -> memref<128xi32, #tpu.memory_space<vmem>>
    %dma_start3A_920 = arith.constant 0 : i32
    %dma_start3A_921 = arith.constant 0 : i32
    %dma_start3A_922 = tpu.memref_slice %arg2[%dma_start3A_920, %dma_start3A_921] : memref<25000x128xf32, #tpu.memory_space<hbm>> -> memref<25000x128xf32, #tpu.memory_space<hbm>>
    tpu.enqueue_indirect_dma source(%dma_start3A_922 : memref<25000x128xf32, #tpu.memory_space<hbm>>) target(%dma_start3A_918 : memref<128x128xf32, #tpu.memory_space<vmem>>) offsets(%dma_start3A_919 : memref<128xi32, #tpu.memory_space<vmem>>) semaphore(%arg8 : memref<!tpu.dma_semaphore, #tpu.memory_space<semaphore_mem>>)
    %dma_wait3A_923 = arith.constant 3 : i32
    %dma_wait3A_924 = arith.constant 0 : i32
    %dma_wait3A_925 = arith.constant 0 : i32
    %dma_wait3A_926 = tpu.memref_slice %arg6[%dma_wait3A_923, %dma_wait3A_924, %dma_wait3A_925] : memref<6x128x128xf32, #tpu.memory_space<vmem>> -> memref<1x128x128xf32, #tpu.memory_space<vmem>>
    %dma_wait3A_927 = tpu.memref_squeeze %dma_wait3A_926 : memref<1x128x128xf32, #tpu.memory_space<vmem>> -> memref<128x128xf32, #tpu.memory_space<vmem>>
    %dma_wait3A_928 = tpu.memref_slice %arg5[%sub3A_685] : memref<3200xi32, #tpu.memory_space<vmem>> -> memref<128xi32, #tpu.memory_space<vmem>>
    %dma_wait3A_929 = arith.constant 0 : i32
    %dma_wait3A_930 = arith.constant 0 : i32
    %dma_wait3A_931 = tpu.memref_slice %arg2[%dma_wait3A_929, %dma_wait3A_930] : memref<25000x128xf32, #tpu.memory_space<hbm>> -> memref<25000x128xf32, #tpu.memory_space<hbm>>
    tpu.wait_indirect_dma semaphore(%arg10 : memref<!tpu.dma_semaphore, #tpu.memory_space<semaphore_mem>>) src(%dma_wait3A_931 : memref<25000x128xf32, #tpu.memory_space<hbm>>) dst(%dma_wait3A_927 : memref<128x128xf32, #tpu.memory_space<vmem>>)
    %mul3A_932 = arith.constant 3200 : i32
    %mul3A_933 = arith.muli %add3A, %mul3A_932 : i32
    %add3A_934 = arith.constant 1920 : i32
    %add3A_935 = arith.addi %mul3A_933, %add3A_934 : i32
    %min3A_936 = arith.constant 99872 : i32
    %min3A_937 = arith.minsi %add3A_935, %min3A_936 : i32
    %dma_start3A_938 = arith.constant 3 : i32
    %dma_start3A_939 = arith.constant 0 : i32
    %dma_start3A_940 = arith.constant 0 : i32
    %dma_start3A_941 = tpu.memref_slice %arg6[%dma_start3A_938, %dma_start3A_939, %dma_start3A_940] : memref<6x128x128xf32, #tpu.memory_space<vmem>> -> memref<1x128x128xf32, #tpu.memory_space<vmem>>
    %dma_start3A_942 = tpu.memref_squeeze %dma_start3A_941 : memref<1x128x128xf32, #tpu.memory_space<vmem>> -> memref<128x128xf32, #tpu.memory_space<vmem>>
    %dma_start3A_943 = arith.constant 0 : i32
    %dma_start3A_944 = tpu.memref_slice %arg4[%min3A_937, %dma_start3A_943] : memref<100000x128xf32, #tpu.memory_space<hbm>> -> memref<128x128xf32, #tpu.memory_space<hbm>>
    %dma_start3A_945 = arith.constant 0 : i32
    %dma_start3A_946 = tpu.memref_slice %arg4[%min3A_937, %dma_start3A_945] : memref<100000x128xf32, #tpu.memory_space<hbm>> -> memref<128x128xf32, #tpu.memory_space<hbm>>
    %dma_start3A_947 = arith.constant 0 : i32
    %dma_start3A_948 = arith.constant 0 : i32
    %dma_start3A_949 = tpu.memref_slice %arg6[%dma_start3A_938, %dma_start3A_947, %dma_start3A_948] : memref<6x128x128xf32, #tpu.memory_space<vmem>> -> memref<1x128x128xf32, #tpu.memory_space<vmem>>
    %dma_start3A_950 = tpu.memref_squeeze %dma_start3A_949 : memref<1x128x128xf32, #tpu.memory_space<vmem>> -> memref<128x128xf32, #tpu.memory_space<vmem>>
    tpu.enqueue_dma source(%dma_start3A_950 : memref<128x128xf32, #tpu.memory_space<vmem>>) target(%dma_start3A_946 : memref<128x128xf32, #tpu.memory_space<hbm>>) target_semaphore(%arg10 : memref<!tpu.dma_semaphore, #tpu.memory_space<semaphore_mem>>)
    %dma_wait3A_951 = arith.constant 2 : i32
    %dma_wait3A_952 = arith.constant 0 : i32
    %dma_wait3A_953 = arith.constant 0 : i32
    %dma_wait3A_954 = tpu.memref_slice %arg6[%dma_wait3A_951, %dma_wait3A_952, %dma_wait3A_953] : memref<6x128x128xf32, #tpu.memory_space<vmem>> -> memref<1x128x128xf32, #tpu.memory_space<vmem>>
    %dma_wait3A_955 = tpu.memref_squeeze %dma_wait3A_954 : memref<1x128x128xf32, #tpu.memory_space<vmem>> -> memref<128x128xf32, #tpu.memory_space<vmem>>
    %dma_wait3A_956 = arith.constant 0 : i32
    %dma_wait3A_957 = tpu.memref_slice %arg4[%min3A_880, %dma_wait3A_956] : memref<100000x128xf32, #tpu.memory_space<hbm>> -> memref<128x128xf32, #tpu.memory_space<hbm>>
    %dma_wait3A_958 = arith.constant 0 : i32
    %dma_wait3A_959 = tpu.memref_slice %arg4[%min3A_880, %dma_wait3A_958] : memref<100000x128xf32, #tpu.memory_space<hbm>> -> memref<128x128xf32, #tpu.memory_space<hbm>>
    %dma_wait3A_960 = arith.constant 0 : i32
    %dma_wait3A_961 = arith.constant 0 : i32
    %dma_wait3A_962 = tpu.memref_slice %arg6[%dma_wait3A_951, %dma_wait3A_960, %dma_wait3A_961] : memref<6x128x128xf32, #tpu.memory_space<vmem>> -> memref<1x128x128xf32, #tpu.memory_space<vmem>>
    %dma_wait3A_963 = tpu.memref_squeeze %dma_wait3A_962 : memref<1x128x128xf32, #tpu.memory_space<vmem>> -> memref<128x128xf32, #tpu.memory_space<vmem>>
    tpu.wait_dma2 semaphore(%arg9 : memref<!tpu.dma_semaphore, #tpu.memory_space<semaphore_mem>>) src(%dma_wait3A_963 : memref<128x128xf32, #tpu.memory_space<vmem>>) dst(%dma_wait3A_959 : memref<128x128xf32, #tpu.memory_space<hbm>>)
    %mul3A_964 = arith.constant 3200 : i32
    %mul3A_965 = arith.muli %add3A, %mul3A_964 : i32
    %add3A_966 = arith.constant 2560 : i32
    %add3A_967 = arith.addi %mul3A_965, %add3A_966 : i32
    %min3A_968 = arith.constant 99872 : i32
    %min3A_969 = arith.minsi %add3A_967, %min3A_968 : i32
    %sub3A_970 = arith.subi %min3A_969, %min3A_3 : i32
    %dma_start3A_971 = arith.constant 2 : i32
    %dma_start3A_972 = arith.constant 0 : i32
    %dma_start3A_973 = arith.constant 0 : i32
    %dma_start3A_974 = tpu.memref_slice %arg6[%dma_start3A_971, %dma_start3A_972, %dma_start3A_973] : memref<6x128x128xf32, #tpu.memory_space<vmem>> -> memref<1x128x128xf32, #tpu.memory_space<vmem>>
    %dma_start3A_975 = tpu.memref_squeeze %dma_start3A_974 : memref<1x128x128xf32, #tpu.memory_space<vmem>> -> memref<128x128xf32, #tpu.memory_space<vmem>>
    %dma_start3A_976 = tpu.memref_slice %arg5[%sub3A_970] : memref<3200xi32, #tpu.memory_space<vmem>> -> memref<128xi32, #tpu.memory_space<vmem>>
    %dma_start3A_977 = arith.constant 0 : i32
    %dma_start3A_978 = arith.constant 0 : i32
    %dma_start3A_979 = tpu.memref_slice %arg2[%dma_start3A_977, %dma_start3A_978] : memref<25000x128xf32, #tpu.memory_space<hbm>> -> memref<25000x128xf32, #tpu.memory_space<hbm>>
    tpu.enqueue_indirect_dma source(%dma_start3A_979 : memref<25000x128xf32, #tpu.memory_space<hbm>>) target(%dma_start3A_975 : memref<128x128xf32, #tpu.memory_space<vmem>>) offsets(%dma_start3A_976 : memref<128xi32, #tpu.memory_space<vmem>>) semaphore(%arg9 : memref<!tpu.dma_semaphore, #tpu.memory_space<semaphore_mem>>)
    %dma_wait3A_980 = arith.constant 4 : i32
    %dma_wait3A_981 = arith.constant 0 : i32
    %dma_wait3A_982 = arith.constant 0 : i32
    %dma_wait3A_983 = tpu.memref_slice %arg6[%dma_wait3A_980, %dma_wait3A_981, %dma_wait3A_982] : memref<6x128x128xf32, #tpu.memory_space<vmem>> -> memref<1x128x128xf32, #tpu.memory_space<vmem>>
    %dma_wait3A_984 = tpu.memref_squeeze %dma_wait3A_983 : memref<1x128x128xf32, #tpu.memory_space<vmem>> -> memref<128x128xf32, #tpu.memory_space<vmem>>
    %dma_wait3A_985 = tpu.memref_slice %arg5[%sub3A_742] : memref<3200xi32, #tpu.memory_space<vmem>> -> memref<128xi32, #tpu.memory_space<vmem>>
    %dma_wait3A_986 = arith.constant 0 : i32
    %dma_wait3A_987 = arith.constant 0 : i32
    %dma_wait3A_988 = tpu.memref_slice %arg2[%dma_wait3A_986, %dma_wait3A_987] : memref<25000x128xf32, #tpu.memory_space<hbm>> -> memref<25000x128xf32, #tpu.memory_space<hbm>>
    tpu.wait_indirect_dma semaphore(%arg11 : memref<!tpu.dma_semaphore, #tpu.memory_space<semaphore_mem>>) src(%dma_wait3A_988 : memref<25000x128xf32, #tpu.memory_space<hbm>>) dst(%dma_wait3A_984 : memref<128x128xf32, #tpu.memory_space<vmem>>)
    %mul3A_989 = arith.constant 3200 : i32
    %mul3A_990 = arith.muli %add3A, %mul3A_989 : i32
    %add3A_991 = arith.constant 2048 : i32
    %add3A_992 = arith.addi %mul3A_990, %add3A_991 : i32
    %min3A_993 = arith.constant 99872 : i32
    %min3A_994 = arith.minsi %add3A_992, %min3A_993 : i32
    %dma_start3A_995 = arith.constant 4 : i32
    %dma_start3A_996 = arith.constant 0 : i32
    %dma_start3A_997 = arith.constant 0 : i32
    %dma_start3A_998 = tpu.memref_slice %arg6[%dma_start3A_995, %dma_start3A_996, %dma_start3A_997] : memref<6x128x128xf32, #tpu.memory_space<vmem>> -> memref<1x128x128xf32, #tpu.memory_space<vmem>>
    %dma_start3A_999 = tpu.memref_squeeze %dma_start3A_998 : memref<1x128x128xf32, #tpu.memory_space<vmem>> -> memref<128x128xf32, #tpu.memory_space<vmem>>
    %dma_start3A_1000 = arith.constant 0 : i32
    %dma_start3A_1001 = tpu.memref_slice %arg4[%min3A_994, %dma_start3A_1000] : memref<100000x128xf32, #tpu.memory_space<hbm>> -> memref<128x128xf32, #tpu.memory_space<hbm>>
    %dma_start3A_1002 = arith.constant 0 : i32
    %dma_start3A_1003 = tpu.memref_slice %arg4[%min3A_994, %dma_start3A_1002] : memref<100000x128xf32, #tpu.memory_space<hbm>> -> memref<128x128xf32, #tpu.memory_space<hbm>>
    %dma_start3A_1004 = arith.constant 0 : i32
    %dma_start3A_1005 = arith.constant 0 : i32
    %dma_start3A_1006 = tpu.memref_slice %arg6[%dma_start3A_995, %dma_start3A_1004, %dma_start3A_1005] : memref<6x128x128xf32, #tpu.memory_space<vmem>> -> memref<1x128x128xf32, #tpu.memory_space<vmem>>
    %dma_start3A_1007 = tpu.memref_squeeze %dma_start3A_1006 : memref<1x128x128xf32, #tpu.memory_space<vmem>> -> memref<128x128xf32, #tpu.memory_space<vmem>>
    tpu.enqueue_dma source(%dma_start3A_1007 : memref<128x128xf32, #tpu.memory_space<vmem>>) target(%dma_start3A_1003 : memref<128x128xf32, #tpu.memory_space<hbm>>) target_semaphore(%arg11 : memref<!tpu.dma_semaphore, #tpu.memory_space<semaphore_mem>>)
    %dma_wait3A_1008 = arith.constant 3 : i32
    %dma_wait3A_1009 = arith.constant 0 : i32
    %dma_wait3A_1010 = arith.constant 0 : i32
    %dma_wait3A_1011 = tpu.memref_slice %arg6[%dma_wait3A_1008, %dma_wait3A_1009, %dma_wait3A_1010] : memref<6x128x128xf32, #tpu.memory_space<vmem>> -> memref<1x128x128xf32, #tpu.memory_space<vmem>>
    %dma_wait3A_1012 = tpu.memref_squeeze %dma_wait3A_1011 : memref<1x128x128xf32, #tpu.memory_space<vmem>> -> memref<128x128xf32, #tpu.memory_space<vmem>>
    %dma_wait3A_1013 = arith.constant 0 : i32
    %dma_wait3A_1014 = tpu.memref_slice %arg4[%min3A_937, %dma_wait3A_1013] : memref<100000x128xf32, #tpu.memory_space<hbm>> -> memref<128x128xf32, #tpu.memory_space<hbm>>
    %dma_wait3A_1015 = arith.constant 0 : i32
    %dma_wait3A_1016 = tpu.memref_slice %arg4[%min3A_937, %dma_wait3A_1015] : memref<100000x128xf32, #tpu.memory_space<hbm>> -> memref<128x128xf32, #tpu.memory_space<hbm>>
    %dma_wait3A_1017 = arith.constant 0 : i32
    %dma_wait3A_1018 = arith.constant 0 : i32
    %dma_wait3A_1019 = tpu.memref_slice %arg6[%dma_wait3A_1008, %dma_wait3A_1017, %dma_wait3A_1018] : memref<6x128x128xf32, #tpu.memory_space<vmem>> -> memref<1x128x128xf32, #tpu.memory_space<vmem>>
    %dma_wait3A_1020 = tpu.memref_squeeze %dma_wait3A_1019 : memref<1x128x128xf32, #tpu.memory_space<vmem>> -> memref<128x128xf32, #tpu.memory_space<vmem>>
    tpu.wait_dma2 semaphore(%arg10 : memref<!tpu.dma_semaphore, #tpu.memory_space<semaphore_mem>>) src(%dma_wait3A_1020 : memref<128x128xf32, #tpu.memory_space<vmem>>) dst(%dma_wait3A_1016 : memref<128x128xf32, #tpu.memory_space<hbm>>)
    %mul3A_1021 = arith.constant 3200 : i32
    %mul3A_1022 = arith.muli %add3A, %mul3A_1021 : i32
    %add3A_1023 = arith.constant 2688 : i32
    %add3A_1024 = arith.addi %mul3A_1022, %add3A_1023 : i32
    %min3A_1025 = arith.constant 99872 : i32
    %min3A_1026 = arith.minsi %add3A_1024, %min3A_1025 : i32
    %sub3A_1027 = arith.subi %min3A_1026, %min3A_3 : i32
    %dma_start3A_1028 = arith.constant 3 : i32
    %dma_start3A_1029 = arith.constant 0 : i32
    %dma_start3A_1030 = arith.constant 0 : i32
    %dma_start3A_1031 = tpu.memref_slice %arg6[%dma_start3A_1028, %dma_start3A_1029, %dma_start3A_1030] : memref<6x128x128xf32, #tpu.memory_space<vmem>> -> memref<1x128x128xf32, #tpu.memory_space<vmem>>
    %dma_start3A_1032 = tpu.memref_squeeze %dma_start3A_1031 : memref<1x128x128xf32, #tpu.memory_space<vmem>> -> memref<128x128xf32, #tpu.memory_space<vmem>>
    %dma_start3A_1033 = tpu.memref_slice %arg5[%sub3A_1027] : memref<3200xi32, #tpu.memory_space<vmem>> -> memref<128xi32, #tpu.memory_space<vmem>>
    %dma_start3A_1034 = arith.constant 0 : i32
    %dma_start3A_1035 = arith.constant 0 : i32
    %dma_start3A_1036 = tpu.memref_slice %arg2[%dma_start3A_1034, %dma_start3A_1035] : memref<25000x128xf32, #tpu.memory_space<hbm>> -> memref<25000x128xf32, #tpu.memory_space<hbm>>
    tpu.enqueue_indirect_dma source(%dma_start3A_1036 : memref<25000x128xf32, #tpu.memory_space<hbm>>) target(%dma_start3A_1032 : memref<128x128xf32, #tpu.memory_space<vmem>>) offsets(%dma_start3A_1033 : memref<128xi32, #tpu.memory_space<vmem>>) semaphore(%arg10 : memref<!tpu.dma_semaphore, #tpu.memory_space<semaphore_mem>>)
    %dma_wait3A_1037 = arith.constant 5 : i32
    %dma_wait3A_1038 = arith.constant 0 : i32
    %dma_wait3A_1039 = arith.constant 0 : i32
    %dma_wait3A_1040 = tpu.memref_slice %arg6[%dma_wait3A_1037, %dma_wait3A_1038, %dma_wait3A_1039] : memref<6x128x128xf32, #tpu.memory_space<vmem>> -> memref<1x128x128xf32, #tpu.memory_space<vmem>>
    %dma_wait3A_1041 = tpu.memref_squeeze %dma_wait3A_1040 : memref<1x128x128xf32, #tpu.memory_space<vmem>> -> memref<128x128xf32, #tpu.memory_space<vmem>>
    %dma_wait3A_1042 = tpu.memref_slice %arg5[%sub3A_799] : memref<3200xi32, #tpu.memory_space<vmem>> -> memref<128xi32, #tpu.memory_space<vmem>>
    %dma_wait3A_1043 = arith.constant 0 : i32
    %dma_wait3A_1044 = arith.constant 0 : i32
    %dma_wait3A_1045 = tpu.memref_slice %arg2[%dma_wait3A_1043, %dma_wait3A_1044] : memref<25000x128xf32, #tpu.memory_space<hbm>> -> memref<25000x128xf32, #tpu.memory_space<hbm>>
    tpu.wait_indirect_dma semaphore(%arg12 : memref<!tpu.dma_semaphore, #tpu.memory_space<semaphore_mem>>) src(%dma_wait3A_1045 : memref<25000x128xf32, #tpu.memory_space<hbm>>) dst(%dma_wait3A_1041 : memref<128x128xf32, #tpu.memory_space<vmem>>)
    %mul3A_1046 = arith.constant 3200 : i32
    %mul3A_1047 = arith.muli %add3A, %mul3A_1046 : i32
    %add3A_1048 = arith.constant 2176 : i32
    %add3A_1049 = arith.addi %mul3A_1047, %add3A_1048 : i32
    %min3A_1050 = arith.constant 99872 : i32
    %min3A_1051 = arith.minsi %add3A_1049, %min3A_1050 : i32
    %dma_start3A_1052 = arith.constant 5 : i32
    %dma_start3A_1053 = arith.constant 0 : i32
    %dma_start3A_1054 = arith.constant 0 : i32
    %dma_start3A_1055 = tpu.memref_slice %arg6[%dma_start3A_1052, %dma_start3A_1053, %dma_start3A_1054] : memref<6x128x128xf32, #tpu.memory_space<vmem>> -> memref<1x128x128xf32, #tpu.memory_space<vmem>>
    %dma_start3A_1056 = tpu.memref_squeeze %dma_start3A_1055 : memref<1x128x128xf32, #tpu.memory_space<vmem>> -> memref<128x128xf32, #tpu.memory_space<vmem>>
    %dma_start3A_1057 = arith.constant 0 : i32
    %dma_start3A_1058 = tpu.memref_slice %arg4[%min3A_1051, %dma_start3A_1057] : memref<100000x128xf32, #tpu.memory_space<hbm>> -> memref<128x128xf32, #tpu.memory_space<hbm>>
    %dma_start3A_1059 = arith.constant 0 : i32
    %dma_start3A_1060 = tpu.memref_slice %arg4[%min3A_1051, %dma_start3A_1059] : memref<100000x128xf32, #tpu.memory_space<hbm>> -> memref<128x128xf32, #tpu.memory_space<hbm>>
    %dma_start3A_1061 = arith.constant 0 : i32
    %dma_start3A_1062 = arith.constant 0 : i32
    %dma_start3A_1063 = tpu.memref_slice %arg6[%dma_start3A_1052, %dma_start3A_1061, %dma_start3A_1062] : memref<6x128x128xf32, #tpu.memory_space<vmem>> -> memref<1x128x128xf32, #tpu.memory_space<vmem>>
    %dma_start3A_1064 = tpu.memref_squeeze %dma_start3A_1063 : memref<1x128x128xf32, #tpu.memory_space<vmem>> -> memref<128x128xf32, #tpu.memory_space<vmem>>
    tpu.enqueue_dma source(%dma_start3A_1064 : memref<128x128xf32, #tpu.memory_space<vmem>>) target(%dma_start3A_1060 : memref<128x128xf32, #tpu.memory_space<hbm>>) target_semaphore(%arg12 : memref<!tpu.dma_semaphore, #tpu.memory_space<semaphore_mem>>)
    %dma_wait3A_1065 = arith.constant 4 : i32
    %dma_wait3A_1066 = arith.constant 0 : i32
    %dma_wait3A_1067 = arith.constant 0 : i32
    %dma_wait3A_1068 = tpu.memref_slice %arg6[%dma_wait3A_1065, %dma_wait3A_1066, %dma_wait3A_1067] : memref<6x128x128xf32, #tpu.memory_space<vmem>> -> memref<1x128x128xf32, #tpu.memory_space<vmem>>
    %dma_wait3A_1069 = tpu.memref_squeeze %dma_wait3A_1068 : memref<1x128x128xf32, #tpu.memory_space<vmem>> -> memref<128x128xf32, #tpu.memory_space<vmem>>
    %dma_wait3A_1070 = arith.constant 0 : i32
    %dma_wait3A_1071 = tpu.memref_slice %arg4[%min3A_994, %dma_wait3A_1070] : memref<100000x128xf32, #tpu.memory_space<hbm>> -> memref<128x128xf32, #tpu.memory_space<hbm>>
    %dma_wait3A_1072 = arith.constant 0 : i32
    %dma_wait3A_1073 = tpu.memref_slice %arg4[%min3A_994, %dma_wait3A_1072] : memref<100000x128xf32, #tpu.memory_space<hbm>> -> memref<128x128xf32, #tpu.memory_space<hbm>>
    %dma_wait3A_1074 = arith.constant 0 : i32
    %dma_wait3A_1075 = arith.constant 0 : i32
    %dma_wait3A_1076 = tpu.memref_slice %arg6[%dma_wait3A_1065, %dma_wait3A_1074, %dma_wait3A_1075] : memref<6x128x128xf32, #tpu.memory_space<vmem>> -> memref<1x128x128xf32, #tpu.memory_space<vmem>>
    %dma_wait3A_1077 = tpu.memref_squeeze %dma_wait3A_1076 : memref<1x128x128xf32, #tpu.memory_space<vmem>> -> memref<128x128xf32, #tpu.memory_space<vmem>>
    tpu.wait_dma2 semaphore(%arg11 : memref<!tpu.dma_semaphore, #tpu.memory_space<semaphore_mem>>) src(%dma_wait3A_1077 : memref<128x128xf32, #tpu.memory_space<vmem>>) dst(%dma_wait3A_1073 : memref<128x128xf32, #tpu.memory_space<hbm>>)
    %mul3A_1078 = arith.constant 3200 : i32
    %mul3A_1079 = arith.muli %add3A, %mul3A_1078 : i32
    %add3A_1080 = arith.constant 2816 : i32
    %add3A_1081 = arith.addi %mul3A_1079, %add3A_1080 : i32
    %min3A_1082 = arith.constant 99872 : i32
    %min3A_1083 = arith.minsi %add3A_1081, %min3A_1082 : i32
    %sub3A_1084 = arith.subi %min3A_1083, %min3A_3 : i32
    %dma_start3A_1085 = arith.constant 4 : i32
    %dma_start3A_1086 = arith.constant 0 : i32
    %dma_start3A_1087 = arith.constant 0 : i32
    %dma_start3A_1088 = tpu.memref_slice %arg6[%dma_start3A_1085, %dma_start3A_1086, %dma_start3A_1087] : memref<6x128x128xf32, #tpu.memory_space<vmem>> -> memref<1x128x128xf32, #tpu.memory_space<vmem>>
    %dma_start3A_1089 = tpu.memref_squeeze %dma_start3A_1088 : memref<1x128x128xf32, #tpu.memory_space<vmem>> -> memref<128x128xf32, #tpu.memory_space<vmem>>
    %dma_start3A_1090 = tpu.memref_slice %arg5[%sub3A_1084] : memref<3200xi32, #tpu.memory_space<vmem>> -> memref<128xi32, #tpu.memory_space<vmem>>
    %dma_start3A_1091 = arith.constant 0 : i32
    %dma_start3A_1092 = arith.constant 0 : i32
    %dma_start3A_1093 = tpu.memref_slice %arg2[%dma_start3A_1091, %dma_start3A_1092] : memref<25000x128xf32, #tpu.memory_space<hbm>> -> memref<25000x128xf32, #tpu.memory_space<hbm>>
    tpu.enqueue_indirect_dma source(%dma_start3A_1093 : memref<25000x128xf32, #tpu.memory_space<hbm>>) target(%dma_start3A_1089 : memref<128x128xf32, #tpu.memory_space<vmem>>) offsets(%dma_start3A_1090 : memref<128xi32, #tpu.memory_space<vmem>>) semaphore(%arg11 : memref<!tpu.dma_semaphore, #tpu.memory_space<semaphore_mem>>)
    %dma_wait3A_1094 = arith.constant 0 : i32
    %dma_wait3A_1095 = arith.constant 0 : i32
    %dma_wait3A_1096 = arith.constant 0 : i32
    %dma_wait3A_1097 = tpu.memref_slice %arg6[%dma_wait3A_1094, %dma_wait3A_1095, %dma_wait3A_1096] : memref<6x128x128xf32, #tpu.memory_space<vmem>> -> memref<1x128x128xf32, #tpu.memory_space<vmem>>
    %dma_wait3A_1098 = tpu.memref_squeeze %dma_wait3A_1097 : memref<1x128x128xf32, #tpu.memory_space<vmem>> -> memref<128x128xf32, #tpu.memory_space<vmem>>
    %dma_wait3A_1099 = tpu.memref_slice %arg5[%sub3A_856] : memref<3200xi32, #tpu.memory_space<vmem>> -> memref<128xi32, #tpu.memory_space<vmem>>
    %dma_wait3A_1100 = arith.constant 0 : i32
    %dma_wait3A_1101 = arith.constant 0 : i32
    %dma_wait3A_1102 = tpu.memref_slice %arg2[%dma_wait3A_1100, %dma_wait3A_1101] : memref<25000x128xf32, #tpu.memory_space<hbm>> -> memref<25000x128xf32, #tpu.memory_space<hbm>>
    tpu.wait_indirect_dma semaphore(%arg7 : memref<!tpu.dma_semaphore, #tpu.memory_space<semaphore_mem>>) src(%dma_wait3A_1102 : memref<25000x128xf32, #tpu.memory_space<hbm>>) dst(%dma_wait3A_1098 : memref<128x128xf32, #tpu.memory_space<vmem>>)
    %mul3A_1103 = arith.constant 3200 : i32
    %mul3A_1104 = arith.muli %add3A, %mul3A_1103 : i32
    %add3A_1105 = arith.constant 2304 : i32
    %add3A_1106 = arith.addi %mul3A_1104, %add3A_1105 : i32
    %min3A_1107 = arith.constant 99872 : i32
    %min3A_1108 = arith.minsi %add3A_1106, %min3A_1107 : i32
    %dma_start3A_1109 = arith.constant 0 : i32
    %dma_start3A_1110 = arith.constant 0 : i32
    %dma_start3A_1111 = arith.constant 0 : i32
    %dma_start3A_1112 = tpu.memref_slice %arg6[%dma_start3A_1109, %dma_start3A_1110, %dma_start3A_1111] : memref<6x128x128xf32, #tpu.memory_space<vmem>> -> memref<1x128x128xf32, #tpu.memory_space<vmem>>
    %dma_start3A_1113 = tpu.memref_squeeze %dma_start3A_1112 : memref<1x128x128xf32, #tpu.memory_space<vmem>> -> memref<128x128xf32, #tpu.memory_space<vmem>>
    %dma_start3A_1114 = arith.constant 0 : i32
    %dma_start3A_1115 = tpu.memref_slice %arg4[%min3A_1108, %dma_start3A_1114] : memref<100000x128xf32, #tpu.memory_space<hbm>> -> memref<128x128xf32, #tpu.memory_space<hbm>>
    %dma_start3A_1116 = arith.constant 0 : i32
    %dma_start3A_1117 = tpu.memref_slice %arg4[%min3A_1108, %dma_start3A_1116] : memref<100000x128xf32, #tpu.memory_space<hbm>> -> memref<128x128xf32, #tpu.memory_space<hbm>>
    %dma_start3A_1118 = arith.constant 0 : i32
    %dma_start3A_1119 = arith.constant 0 : i32
    %dma_start3A_1120 = tpu.memref_slice %arg6[%dma_start3A_1109, %dma_start3A_1118, %dma_start3A_1119] : memref<6x128x128xf32, #tpu.memory_space<vmem>> -> memref<1x128x128xf32, #tpu.memory_space<vmem>>
    %dma_start3A_1121 = tpu.memref_squeeze %dma_start3A_1120 : memref<1x128x128xf32, #tpu.memory_space<vmem>> -> memref<128x128xf32, #tpu.memory_space<vmem>>
    tpu.enqueue_dma source(%dma_start3A_1121 : memref<128x128xf32, #tpu.memory_space<vmem>>) target(%dma_start3A_1117 : memref<128x128xf32, #tpu.memory_space<hbm>>) target_semaphore(%arg7 : memref<!tpu.dma_semaphore, #tpu.memory_space<semaphore_mem>>)
    %dma_wait3A_1122 = arith.constant 5 : i32
    %dma_wait3A_1123 = arith.constant 0 : i32
    %dma_wait3A_1124 = arith.constant 0 : i32
    %dma_wait3A_1125 = tpu.memref_slice %arg6[%dma_wait3A_1122, %dma_wait3A_1123, %dma_wait3A_1124] : memref<6x128x128xf32, #tpu.memory_space<vmem>> -> memref<1x128x128xf32, #tpu.memory_space<vmem>>
    %dma_wait3A_1126 = tpu.memref_squeeze %dma_wait3A_1125 : memref<1x128x128xf32, #tpu.memory_space<vmem>> -> memref<128x128xf32, #tpu.memory_space<vmem>>
    %dma_wait3A_1127 = arith.constant 0 : i32
    %dma_wait3A_1128 = tpu.memref_slice %arg4[%min3A_1051, %dma_wait3A_1127] : memref<100000x128xf32, #tpu.memory_space<hbm>> -> memref<128x128xf32, #tpu.memory_space<hbm>>
    %dma_wait3A_1129 = arith.constant 0 : i32
    %dma_wait3A_1130 = tpu.memref_slice %arg4[%min3A_1051, %dma_wait3A_1129] : memref<100000x128xf32, #tpu.memory_space<hbm>> -> memref<128x128xf32, #tpu.memory_space<hbm>>
    %dma_wait3A_1131 = arith.constant 0 : i32
    %dma_wait3A_1132 = arith.constant 0 : i32
    %dma_wait3A_1133 = tpu.memref_slice %arg6[%dma_wait3A_1122, %dma_wait3A_1131, %dma_wait3A_1132] : memref<6x128x128xf32, #tpu.memory_space<vmem>> -> memref<1x128x128xf32, #tpu.memory_space<vmem>>
    %dma_wait3A_1134 = tpu.memref_squeeze %dma_wait3A_1133 : memref<1x128x128xf32, #tpu.memory_space<vmem>> -> memref<128x128xf32, #tpu.memory_space<vmem>>
    tpu.wait_dma2 semaphore(%arg12 : memref<!tpu.dma_semaphore, #tpu.memory_space<semaphore_mem>>) src(%dma_wait3A_1134 : memref<128x128xf32, #tpu.memory_space<vmem>>) dst(%dma_wait3A_1130 : memref<128x128xf32, #tpu.memory_space<hbm>>)
    %mul3A_1135 = arith.constant 3200 : i32
    %mul3A_1136 = arith.muli %add3A, %mul3A_1135 : i32
    %add3A_1137 = arith.constant 2944 : i32
    %add3A_1138 = arith.addi %mul3A_1136, %add3A_1137 : i32
    %min3A_1139 = arith.constant 99872 : i32
    %min3A_1140 = arith.minsi %add3A_1138, %min3A_1139 : i32
    %sub3A_1141 = arith.subi %min3A_1140, %min3A_3 : i32
    %dma_start3A_1142 = arith.constant 5 : i32
    %dma_start3A_1143 = arith.constant 0 : i32
    %dma_start3A_1144 = arith.constant 0 : i32
    %dma_start3A_1145 = tpu.memref_slice %arg6[%dma_start3A_1142, %dma_start3A_1143, %dma_start3A_1144] : memref<6x128x128xf32, #tpu.memory_space<vmem>> -> memref<1x128x128xf32, #tpu.memory_space<vmem>>
    %dma_start3A_1146 = tpu.memref_squeeze %dma_start3A_1145 : memref<1x128x128xf32, #tpu.memory_space<vmem>> -> memref<128x128xf32, #tpu.memory_space<vmem>>
    %dma_start3A_1147 = tpu.memref_slice %arg5[%sub3A_1141] : memref<3200xi32, #tpu.memory_space<vmem>> -> memref<128xi32, #tpu.memory_space<vmem>>
    %dma_start3A_1148 = arith.constant 0 : i32
    %dma_start3A_1149 = arith.constant 0 : i32
    %dma_start3A_1150 = tpu.memref_slice %arg2[%dma_start3A_1148, %dma_start3A_1149] : memref<25000x128xf32, #tpu.memory_space<hbm>> -> memref<25000x128xf32, #tpu.memory_space<hbm>>
    tpu.enqueue_indirect_dma source(%dma_start3A_1150 : memref<25000x128xf32, #tpu.memory_space<hbm>>) target(%dma_start3A_1146 : memref<128x128xf32, #tpu.memory_space<vmem>>) offsets(%dma_start3A_1147 : memref<128xi32, #tpu.memory_space<vmem>>) semaphore(%arg12 : memref<!tpu.dma_semaphore, #tpu.memory_space<semaphore_mem>>)
    %dma_wait3A_1151 = arith.constant 1 : i32
    %dma_wait3A_1152 = arith.constant 0 : i32
    %dma_wait3A_1153 = arith.constant 0 : i32
    %dma_wait3A_1154 = tpu.memref_slice %arg6[%dma_wait3A_1151, %dma_wait3A_1152, %dma_wait3A_1153] : memref<6x128x128xf32, #tpu.memory_space<vmem>> -> memref<1x128x128xf32, #tpu.memory_space<vmem>>
    %dma_wait3A_1155 = tpu.memref_squeeze %dma_wait3A_1154 : memref<1x128x128xf32, #tpu.memory_space<vmem>> -> memref<128x128xf32, #tpu.memory_space<vmem>>
    %dma_wait3A_1156 = tpu.memref_slice %arg5[%sub3A_913] : memref<3200xi32, #tpu.memory_space<vmem>> -> memref<128xi32, #tpu.memory_space<vmem>>
    %dma_wait3A_1157 = arith.constant 0 : i32
    %dma_wait3A_1158 = arith.constant 0 : i32
    %dma_wait3A_1159 = tpu.memref_slice %arg2[%dma_wait3A_1157, %dma_wait3A_1158] : memref<25000x128xf32, #tpu.memory_space<hbm>> -> memref<25000x128xf32, #tpu.memory_space<hbm>>
    tpu.wait_indirect_dma semaphore(%arg8 : memref<!tpu.dma_semaphore, #tpu.memory_space<semaphore_mem>>) src(%dma_wait3A_1159 : memref<25000x128xf32, #tpu.memory_space<hbm>>) dst(%dma_wait3A_1155 : memref<128x128xf32, #tpu.memory_space<vmem>>)
    %mul3A_1160 = arith.constant 3200 : i32
    %mul3A_1161 = arith.muli %add3A, %mul3A_1160 : i32
    %add3A_1162 = arith.constant 2432 : i32
    %add3A_1163 = arith.addi %mul3A_1161, %add3A_1162 : i32
    %min3A_1164 = arith.constant 99872 : i32
    %min3A_1165 = arith.minsi %add3A_1163, %min3A_1164 : i32
    %dma_start3A_1166 = arith.constant 1 : i32
    %dma_start3A_1167 = arith.constant 0 : i32
    %dma_start3A_1168 = arith.constant 0 : i32
    %dma_start3A_1169 = tpu.memref_slice %arg6[%dma_start3A_1166, %dma_start3A_1167, %dma_start3A_1168] : memref<6x128x128xf32, #tpu.memory_space<vmem>> -> memref<1x128x128xf32, #tpu.memory_space<vmem>>
    %dma_start3A_1170 = tpu.memref_squeeze %dma_start3A_1169 : memref<1x128x128xf32, #tpu.memory_space<vmem>> -> memref<128x128xf32, #tpu.memory_space<vmem>>
    %dma_start3A_1171 = arith.constant 0 : i32
    %dma_start3A_1172 = tpu.memref_slice %arg4[%min3A_1165, %dma_start3A_1171] : memref<100000x128xf32, #tpu.memory_space<hbm>> -> memref<128x128xf32, #tpu.memory_space<hbm>>
    %dma_start3A_1173 = arith.constant 0 : i32
    %dma_start3A_1174 = tpu.memref_slice %arg4[%min3A_1165, %dma_start3A_1173] : memref<100000x128xf32, #tpu.memory_space<hbm>> -> memref<128x128xf32, #tpu.memory_space<hbm>>
    %dma_start3A_1175 = arith.constant 0 : i32
    %dma_start3A_1176 = arith.constant 0 : i32
    %dma_start3A_1177 = tpu.memref_slice %arg6[%dma_start3A_1166, %dma_start3A_1175, %dma_start3A_1176] : memref<6x128x128xf32, #tpu.memory_space<vmem>> -> memref<1x128x128xf32, #tpu.memory_space<vmem>>
    %dma_start3A_1178 = tpu.memref_squeeze %dma_start3A_1177 : memref<1x128x128xf32, #tpu.memory_space<vmem>> -> memref<128x128xf32, #tpu.memory_space<vmem>>
    tpu.enqueue_dma source(%dma_start3A_1178 : memref<128x128xf32, #tpu.memory_space<vmem>>) target(%dma_start3A_1174 : memref<128x128xf32, #tpu.memory_space<hbm>>) target_semaphore(%arg8 : memref<!tpu.dma_semaphore, #tpu.memory_space<semaphore_mem>>)
    %dma_wait3A_1179 = arith.constant 0 : i32
    %dma_wait3A_1180 = arith.constant 0 : i32
    %dma_wait3A_1181 = arith.constant 0 : i32
    %dma_wait3A_1182 = tpu.memref_slice %arg6[%dma_wait3A_1179, %dma_wait3A_1180, %dma_wait3A_1181] : memref<6x128x128xf32, #tpu.memory_space<vmem>> -> memref<1x128x128xf32, #tpu.memory_space<vmem>>
    %dma_wait3A_1183 = tpu.memref_squeeze %dma_wait3A_1182 : memref<1x128x128xf32, #tpu.memory_space<vmem>> -> memref<128x128xf32, #tpu.memory_space<vmem>>
    %dma_wait3A_1184 = arith.constant 0 : i32
    %dma_wait3A_1185 = tpu.memref_slice %arg4[%min3A_1108, %dma_wait3A_1184] : memref<100000x128xf32, #tpu.memory_space<hbm>> -> memref<128x128xf32, #tpu.memory_space<hbm>>
    %dma_wait3A_1186 = arith.constant 0 : i32
    %dma_wait3A_1187 = tpu.memref_slice %arg4[%min3A_1108, %dma_wait3A_1186] : memref<100000x128xf32, #tpu.memory_space<hbm>> -> memref<128x128xf32, #tpu.memory_space<hbm>>
    %dma_wait3A_1188 = arith.constant 0 : i32
    %dma_wait3A_1189 = arith.constant 0 : i32
    %dma_wait3A_1190 = tpu.memref_slice %arg6[%dma_wait3A_1179, %dma_wait3A_1188, %dma_wait3A_1189] : memref<6x128x128xf32, #tpu.memory_space<vmem>> -> memref<1x128x128xf32, #tpu.memory_space<vmem>>
    %dma_wait3A_1191 = tpu.memref_squeeze %dma_wait3A_1190 : memref<1x128x128xf32, #tpu.memory_space<vmem>> -> memref<128x128xf32, #tpu.memory_space<vmem>>
    tpu.wait_dma2 semaphore(%arg7 : memref<!tpu.dma_semaphore, #tpu.memory_space<semaphore_mem>>) src(%dma_wait3A_1191 : memref<128x128xf32, #tpu.memory_space<vmem>>) dst(%dma_wait3A_1187 : memref<128x128xf32, #tpu.memory_space<hbm>>)
    %mul3A_1192 = arith.constant 3200 : i32
    %mul3A_1193 = arith.muli %add3A, %mul3A_1192 : i32
    %add3A_1194 = arith.constant 3072 : i32
    %add3A_1195 = arith.addi %mul3A_1193, %add3A_1194 : i32
    %min3A_1196 = arith.constant 99872 : i32
    %min3A_1197 = arith.minsi %add3A_1195, %min3A_1196 : i32
    %sub3A_1198 = arith.subi %min3A_1197, %min3A_3 : i32
    %dma_start3A_1199 = arith.constant 0 : i32
    %dma_start3A_1200 = arith.constant 0 : i32
    %dma_start3A_1201 = arith.constant 0 : i32
    %dma_start3A_1202 = tpu.memref_slice %arg6[%dma_start3A_1199, %dma_start3A_1200, %dma_start3A_1201] : memref<6x128x128xf32, #tpu.memory_space<vmem>> -> memref<1x128x128xf32, #tpu.memory_space<vmem>>
    %dma_start3A_1203 = tpu.memref_squeeze %dma_start3A_1202 : memref<1x128x128xf32, #tpu.memory_space<vmem>> -> memref<128x128xf32, #tpu.memory_space<vmem>>
    %dma_start3A_1204 = tpu.memref_slice %arg5[%sub3A_1198] : memref<3200xi32, #tpu.memory_space<vmem>> -> memref<128xi32, #tpu.memory_space<vmem>>
    %dma_start3A_1205 = arith.constant 0 : i32
    %dma_start3A_1206 = arith.constant 0 : i32
    %dma_start3A_1207 = tpu.memref_slice %arg2[%dma_start3A_1205, %dma_start3A_1206] : memref<25000x128xf32, #tpu.memory_space<hbm>> -> memref<25000x128xf32, #tpu.memory_space<hbm>>
    tpu.enqueue_indirect_dma source(%dma_start3A_1207 : memref<25000x128xf32, #tpu.memory_space<hbm>>) target(%dma_start3A_1203 : memref<128x128xf32, #tpu.memory_space<vmem>>) offsets(%dma_start3A_1204 : memref<128xi32, #tpu.memory_space<vmem>>) semaphore(%arg7 : memref<!tpu.dma_semaphore, #tpu.memory_space<semaphore_mem>>)
    %dma_wait3A_1208 = arith.constant 2 : i32
    %dma_wait3A_1209 = arith.constant 0 : i32
    %dma_wait3A_1210 = arith.constant 0 : i32
    %dma_wait3A_1211 = tpu.memref_slice %arg6[%dma_wait3A_1208, %dma_wait3A_1209, %dma_wait3A_1210] : memref<6x128x128xf32, #tpu.memory_space<vmem>> -> memref<1x128x128xf32, #tpu.memory_space<vmem>>
    %dma_wait3A_1212 = tpu.memref_squeeze %dma_wait3A_1211 : memref<1x128x128xf32, #tpu.memory_space<vmem>> -> memref<128x128xf32, #tpu.memory_space<vmem>>
    %dma_wait3A_1213 = tpu.memref_slice %arg5[%sub3A_970] : memref<3200xi32, #tpu.memory_space<vmem>> -> memref<128xi32, #tpu.memory_space<vmem>>
    %dma_wait3A_1214 = arith.constant 0 : i32
    %dma_wait3A_1215 = arith.constant 0 : i32
    %dma_wait3A_1216 = tpu.memref_slice %arg2[%dma_wait3A_1214, %dma_wait3A_1215] : memref<25000x128xf32, #tpu.memory_space<hbm>> -> memref<25000x128xf32, #tpu.memory_space<hbm>>
    tpu.wait_indirect_dma semaphore(%arg9 : memref<!tpu.dma_semaphore, #tpu.memory_space<semaphore_mem>>) src(%dma_wait3A_1216 : memref<25000x128xf32, #tpu.memory_space<hbm>>) dst(%dma_wait3A_1212 : memref<128x128xf32, #tpu.memory_space<vmem>>)
    %mul3A_1217 = arith.constant 3200 : i32
    %mul3A_1218 = arith.muli %add3A, %mul3A_1217 : i32
    %add3A_1219 = arith.constant 2560 : i32
    %add3A_1220 = arith.addi %mul3A_1218, %add3A_1219 : i32
    %min3A_1221 = arith.constant 99872 : i32
    %min3A_1222 = arith.minsi %add3A_1220, %min3A_1221 : i32
    %dma_start3A_1223 = arith.constant 2 : i32
    %dma_start3A_1224 = arith.constant 0 : i32
    %dma_start3A_1225 = arith.constant 0 : i32
    %dma_start3A_1226 = tpu.memref_slice %arg6[%dma_start3A_1223, %dma_start3A_1224, %dma_start3A_1225] : memref<6x128x128xf32, #tpu.memory_space<vmem>> -> memref<1x128x128xf32, #tpu.memory_space<vmem>>
    %dma_start3A_1227 = tpu.memref_squeeze %dma_start3A_1226 : memref<1x128x128xf32, #tpu.memory_space<vmem>> -> memref<128x128xf32, #tpu.memory_space<vmem>>
    %dma_start3A_1228 = arith.constant 0 : i32
    %dma_start3A_1229 = tpu.memref_slice %arg4[%min3A_1222, %dma_start3A_1228] : memref<100000x128xf32, #tpu.memory_space<hbm>> -> memref<128x128xf32, #tpu.memory_space<hbm>>
    %dma_start3A_1230 = arith.constant 0 : i32
    %dma_start3A_1231 = tpu.memref_slice %arg4[%min3A_1222, %dma_start3A_1230] : memref<100000x128xf32, #tpu.memory_space<hbm>> -> memref<128x128xf32, #tpu.memory_space<hbm>>
    %dma_start3A_1232 = arith.constant 0 : i32
    %dma_start3A_1233 = arith.constant 0 : i32
    %dma_start3A_1234 = tpu.memref_slice %arg6[%dma_start3A_1223, %dma_start3A_1232, %dma_start3A_1233] : memref<6x128x128xf32, #tpu.memory_space<vmem>> -> memref<1x128x128xf32, #tpu.memory_space<vmem>>
    %dma_start3A_1235 = tpu.memref_squeeze %dma_start3A_1234 : memref<1x128x128xf32, #tpu.memory_space<vmem>> -> memref<128x128xf32, #tpu.memory_space<vmem>>
    tpu.enqueue_dma source(%dma_start3A_1235 : memref<128x128xf32, #tpu.memory_space<vmem>>) target(%dma_start3A_1231 : memref<128x128xf32, #tpu.memory_space<hbm>>) target_semaphore(%arg9 : memref<!tpu.dma_semaphore, #tpu.memory_space<semaphore_mem>>)
    %dma_wait3A_1236 = arith.constant 3 : i32
    %dma_wait3A_1237 = arith.constant 0 : i32
    %dma_wait3A_1238 = arith.constant 0 : i32
    %dma_wait3A_1239 = tpu.memref_slice %arg6[%dma_wait3A_1236, %dma_wait3A_1237, %dma_wait3A_1238] : memref<6x128x128xf32, #tpu.memory_space<vmem>> -> memref<1x128x128xf32, #tpu.memory_space<vmem>>
    %dma_wait3A_1240 = tpu.memref_squeeze %dma_wait3A_1239 : memref<1x128x128xf32, #tpu.memory_space<vmem>> -> memref<128x128xf32, #tpu.memory_space<vmem>>
    %dma_wait3A_1241 = tpu.memref_slice %arg5[%sub3A_1027] : memref<3200xi32, #tpu.memory_space<vmem>> -> memref<128xi32, #tpu.memory_space<vmem>>
    %dma_wait3A_1242 = arith.constant 0 : i32
    %dma_wait3A_1243 = arith.constant 0 : i32
    %dma_wait3A_1244 = tpu.memref_slice %arg2[%dma_wait3A_1242, %dma_wait3A_1243] : memref<25000x128xf32, #tpu.memory_space<hbm>> -> memref<25000x128xf32, #tpu.memory_space<hbm>>
    tpu.wait_indirect_dma semaphore(%arg10 : memref<!tpu.dma_semaphore, #tpu.memory_space<semaphore_mem>>) src(%dma_wait3A_1244 : memref<25000x128xf32, #tpu.memory_space<hbm>>) dst(%dma_wait3A_1240 : memref<128x128xf32, #tpu.memory_space<vmem>>)
    %mul3A_1245 = arith.constant 3200 : i32
    %mul3A_1246 = arith.muli %add3A, %mul3A_1245 : i32
    %add3A_1247 = arith.constant 2688 : i32
    %add3A_1248 = arith.addi %mul3A_1246, %add3A_1247 : i32
    %min3A_1249 = arith.constant 99872 : i32
    %min3A_1250 = arith.minsi %add3A_1248, %min3A_1249 : i32
    %dma_start3A_1251 = arith.constant 3 : i32
    %dma_start3A_1252 = arith.constant 0 : i32
    %dma_start3A_1253 = arith.constant 0 : i32
    %dma_start3A_1254 = tpu.memref_slice %arg6[%dma_start3A_1251, %dma_start3A_1252, %dma_start3A_1253] : memref<6x128x128xf32, #tpu.memory_space<vmem>> -> memref<1x128x128xf32, #tpu.memory_space<vmem>>
    %dma_start3A_1255 = tpu.memref_squeeze %dma_start3A_1254 : memref<1x128x128xf32, #tpu.memory_space<vmem>> -> memref<128x128xf32, #tpu.memory_space<vmem>>
    %dma_start3A_1256 = arith.constant 0 : i32
    %dma_start3A_1257 = tpu.memref_slice %arg4[%min3A_1250, %dma_start3A_1256] : memref<100000x128xf32, #tpu.memory_space<hbm>> -> memref<128x128xf32, #tpu.memory_space<hbm>>
    %dma_start3A_1258 = arith.constant 0 : i32
    %dma_start3A_1259 = tpu.memref_slice %arg4[%min3A_1250, %dma_start3A_1258] : memref<100000x128xf32, #tpu.memory_space<hbm>> -> memref<128x128xf32, #tpu.memory_space<hbm>>
    %dma_start3A_1260 = arith.constant 0 : i32
    %dma_start3A_1261 = arith.constant 0 : i32
    %dma_start3A_1262 = tpu.memref_slice %arg6[%dma_start3A_1251, %dma_start3A_1260, %dma_start3A_1261] : memref<6x128x128xf32, #tpu.memory_space<vmem>> -> memref<1x128x128xf32, #tpu.memory_space<vmem>>
    %dma_start3A_1263 = tpu.memref_squeeze %dma_start3A_1262 : memref<1x128x128xf32, #tpu.memory_space<vmem>> -> memref<128x128xf32, #tpu.memory_space<vmem>>
    tpu.enqueue_dma source(%dma_start3A_1263 : memref<128x128xf32, #tpu.memory_space<vmem>>) target(%dma_start3A_1259 : memref<128x128xf32, #tpu.memory_space<hbm>>) target_semaphore(%arg10 : memref<!tpu.dma_semaphore, #tpu.memory_space<semaphore_mem>>)
    %dma_wait3A_1264 = arith.constant 4 : i32
    %dma_wait3A_1265 = arith.constant 0 : i32
    %dma_wait3A_1266 = arith.constant 0 : i32
    %dma_wait3A_1267 = tpu.memref_slice %arg6[%dma_wait3A_1264, %dma_wait3A_1265, %dma_wait3A_1266] : memref<6x128x128xf32, #tpu.memory_space<vmem>> -> memref<1x128x128xf32, #tpu.memory_space<vmem>>
    %dma_wait3A_1268 = tpu.memref_squeeze %dma_wait3A_1267 : memref<1x128x128xf32, #tpu.memory_space<vmem>> -> memref<128x128xf32, #tpu.memory_space<vmem>>
    %dma_wait3A_1269 = tpu.memref_slice %arg5[%sub3A_1084] : memref<3200xi32, #tpu.memory_space<vmem>> -> memref<128xi32, #tpu.memory_space<vmem>>
    %dma_wait3A_1270 = arith.constant 0 : i32
    %dma_wait3A_1271 = arith.constant 0 : i32
    %dma_wait3A_1272 = tpu.memref_slice %arg2[%dma_wait3A_1270, %dma_wait3A_1271] : memref<25000x128xf32, #tpu.memory_space<hbm>> -> memref<25000x128xf32, #tpu.memory_space<hbm>>
    tpu.wait_indirect_dma semaphore(%arg11 : memref<!tpu.dma_semaphore, #tpu.memory_space<semaphore_mem>>) src(%dma_wait3A_1272 : memref<25000x128xf32, #tpu.memory_space<hbm>>) dst(%dma_wait3A_1268 : memref<128x128xf32, #tpu.memory_space<vmem>>)
    %mul3A_1273 = arith.constant 3200 : i32
    %mul3A_1274 = arith.muli %add3A, %mul3A_1273 : i32
    %add3A_1275 = arith.constant 2816 : i32
    %add3A_1276 = arith.addi %mul3A_1274, %add3A_1275 : i32
    %min3A_1277 = arith.constant 99872 : i32
    %min3A_1278 = arith.minsi %add3A_1276, %min3A_1277 : i32
    %dma_start3A_1279 = arith.constant 4 : i32
    %dma_start3A_1280 = arith.constant 0 : i32
    %dma_start3A_1281 = arith.constant 0 : i32
    %dma_start3A_1282 = tpu.memref_slice %arg6[%dma_start3A_1279, %dma_start3A_1280, %dma_start3A_1281] : memref<6x128x128xf32, #tpu.memory_space<vmem>> -> memref<1x128x128xf32, #tpu.memory_space<vmem>>
    %dma_start3A_1283 = tpu.memref_squeeze %dma_start3A_1282 : memref<1x128x128xf32, #tpu.memory_space<vmem>> -> memref<128x128xf32, #tpu.memory_space<vmem>>
    %dma_start3A_1284 = arith.constant 0 : i32
    %dma_start3A_1285 = tpu.memref_slice %arg4[%min3A_1278, %dma_start3A_1284] : memref<100000x128xf32, #tpu.memory_space<hbm>> -> memref<128x128xf32, #tpu.memory_space<hbm>>
    %dma_start3A_1286 = arith.constant 0 : i32
    %dma_start3A_1287 = tpu.memref_slice %arg4[%min3A_1278, %dma_start3A_1286] : memref<100000x128xf32, #tpu.memory_space<hbm>> -> memref<128x128xf32, #tpu.memory_space<hbm>>
    %dma_start3A_1288 = arith.constant 0 : i32
    %dma_start3A_1289 = arith.constant 0 : i32
    %dma_start3A_1290 = tpu.memref_slice %arg6[%dma_start3A_1279, %dma_start3A_1288, %dma_start3A_1289] : memref<6x128x128xf32, #tpu.memory_space<vmem>> -> memref<1x128x128xf32, #tpu.memory_space<vmem>>
    %dma_start3A_1291 = tpu.memref_squeeze %dma_start3A_1290 : memref<1x128x128xf32, #tpu.memory_space<vmem>> -> memref<128x128xf32, #tpu.memory_space<vmem>>
    tpu.enqueue_dma source(%dma_start3A_1291 : memref<128x128xf32, #tpu.memory_space<vmem>>) target(%dma_start3A_1287 : memref<128x128xf32, #tpu.memory_space<hbm>>) target_semaphore(%arg11 : memref<!tpu.dma_semaphore, #tpu.memory_space<semaphore_mem>>)
    %dma_wait3A_1292 = arith.constant 5 : i32
    %dma_wait3A_1293 = arith.constant 0 : i32
    %dma_wait3A_1294 = arith.constant 0 : i32
    %dma_wait3A_1295 = tpu.memref_slice %arg6[%dma_wait3A_1292, %dma_wait3A_1293, %dma_wait3A_1294] : memref<6x128x128xf32, #tpu.memory_space<vmem>> -> memref<1x128x128xf32, #tpu.memory_space<vmem>>
    %dma_wait3A_1296 = tpu.memref_squeeze %dma_wait3A_1295 : memref<1x128x128xf32, #tpu.memory_space<vmem>> -> memref<128x128xf32, #tpu.memory_space<vmem>>
    %dma_wait3A_1297 = tpu.memref_slice %arg5[%sub3A_1141] : memref<3200xi32, #tpu.memory_space<vmem>> -> memref<128xi32, #tpu.memory_space<vmem>>
    %dma_wait3A_1298 = arith.constant 0 : i32
    %dma_wait3A_1299 = arith.constant 0 : i32
    %dma_wait3A_1300 = tpu.memref_slice %arg2[%dma_wait3A_1298, %dma_wait3A_1299] : memref<25000x128xf32, #tpu.memory_space<hbm>> -> memref<25000x128xf32, #tpu.memory_space<hbm>>
    tpu.wait_indirect_dma semaphore(%arg12 : memref<!tpu.dma_semaphore, #tpu.memory_space<semaphore_mem>>) src(%dma_wait3A_1300 : memref<25000x128xf32, #tpu.memory_space<hbm>>) dst(%dma_wait3A_1296 : memref<128x128xf32, #tpu.memory_space<vmem>>)
    %mul3A_1301 = arith.constant 3200 : i32
    %mul3A_1302 = arith.muli %add3A, %mul3A_1301 : i32
    %add3A_1303 = arith.constant 2944 : i32
    %add3A_1304 = arith.addi %mul3A_1302, %add3A_1303 : i32
    %min3A_1305 = arith.constant 99872 : i32
    %min3A_1306 = arith.minsi %add3A_1304, %min3A_1305 : i32
    %dma_start3A_1307 = arith.constant 5 : i32
    %dma_start3A_1308 = arith.constant 0 : i32
    %dma_start3A_1309 = arith.constant 0 : i32
    %dma_start3A_1310 = tpu.memref_slice %arg6[%dma_start3A_1307, %dma_start3A_1308, %dma_start3A_1309] : memref<6x128x128xf32, #tpu.memory_space<vmem>> -> memref<1x128x128xf32, #tpu.memory_space<vmem>>
    %dma_start3A_1311 = tpu.memref_squeeze %dma_start3A_1310 : memref<1x128x128xf32, #tpu.memory_space<vmem>> -> memref<128x128xf32, #tpu.memory_space<vmem>>
    %dma_start3A_1312 = arith.constant 0 : i32
    %dma_start3A_1313 = tpu.memref_slice %arg4[%min3A_1306, %dma_start3A_1312] : memref<100000x128xf32, #tpu.memory_space<hbm>> -> memref<128x128xf32, #tpu.memory_space<hbm>>
    %dma_start3A_1314 = arith.constant 0 : i32
    %dma_start3A_1315 = tpu.memref_slice %arg4[%min3A_1306, %dma_start3A_1314] : memref<100000x128xf32, #tpu.memory_space<hbm>> -> memref<128x128xf32, #tpu.memory_space<hbm>>
    %dma_start3A_1316 = arith.constant 0 : i32
    %dma_start3A_1317 = arith.constant 0 : i32
    %dma_start3A_1318 = tpu.memref_slice %arg6[%dma_start3A_1307, %dma_start3A_1316, %dma_start3A_1317] : memref<6x128x128xf32, #tpu.memory_space<vmem>> -> memref<1x128x128xf32, #tpu.memory_space<vmem>>
    %dma_start3A_1319 = tpu.memref_squeeze %dma_start3A_1318 : memref<1x128x128xf32, #tpu.memory_space<vmem>> -> memref<128x128xf32, #tpu.memory_space<vmem>>
    tpu.enqueue_dma source(%dma_start3A_1319 : memref<128x128xf32, #tpu.memory_space<vmem>>) target(%dma_start3A_1315 : memref<128x128xf32, #tpu.memory_space<hbm>>) target_semaphore(%arg12 : memref<!tpu.dma_semaphore, #tpu.memory_space<semaphore_mem>>)
    %dma_wait3A_1320 = arith.constant 0 : i32
    %dma_wait3A_1321 = arith.constant 0 : i32
    %dma_wait3A_1322 = arith.constant 0 : i32
    %dma_wait3A_1323 = tpu.memref_slice %arg6[%dma_wait3A_1320, %dma_wait3A_1321, %dma_wait3A_1322] : memref<6x128x128xf32, #tpu.memory_space<vmem>> -> memref<1x128x128xf32, #tpu.memory_space<vmem>>
    %dma_wait3A_1324 = tpu.memref_squeeze %dma_wait3A_1323 : memref<1x128x128xf32, #tpu.memory_space<vmem>> -> memref<128x128xf32, #tpu.memory_space<vmem>>
    %dma_wait3A_1325 = tpu.memref_slice %arg5[%sub3A_1198] : memref<3200xi32, #tpu.memory_space<vmem>> -> memref<128xi32, #tpu.memory_space<vmem>>
    %dma_wait3A_1326 = arith.constant 0 : i32
    %dma_wait3A_1327 = arith.constant 0 : i32
    %dma_wait3A_1328 = tpu.memref_slice %arg2[%dma_wait3A_1326, %dma_wait3A_1327] : memref<25000x128xf32, #tpu.memory_space<hbm>> -> memref<25000x128xf32, #tpu.memory_space<hbm>>
    tpu.wait_indirect_dma semaphore(%arg7 : memref<!tpu.dma_semaphore, #tpu.memory_space<semaphore_mem>>) src(%dma_wait3A_1328 : memref<25000x128xf32, #tpu.memory_space<hbm>>) dst(%dma_wait3A_1324 : memref<128x128xf32, #tpu.memory_space<vmem>>)
    %mul3A_1329 = arith.constant 3200 : i32
    %mul3A_1330 = arith.muli %add3A, %mul3A_1329 : i32
    %add3A_1331 = arith.constant 3072 : i32
    %add3A_1332 = arith.addi %mul3A_1330, %add3A_1331 : i32
    %min3A_1333 = arith.constant 99872 : i32
    %min3A_1334 = arith.minsi %add3A_1332, %min3A_1333 : i32
    %dma_start3A_1335 = arith.constant 0 : i32
    %dma_start3A_1336 = arith.constant 0 : i32
    %dma_start3A_1337 = arith.constant 0 : i32
    %dma_start3A_1338 = tpu.memref_slice %arg6[%dma_start3A_1335, %dma_start3A_1336, %dma_start3A_1337] : memref<6x128x128xf32, #tpu.memory_space<vmem>> -> memref<1x128x128xf32, #tpu.memory_space<vmem>>
    %dma_start3A_1339 = tpu.memref_squeeze %dma_start3A_1338 : memref<1x128x128xf32, #tpu.memory_space<vmem>> -> memref<128x128xf32, #tpu.memory_space<vmem>>
    %dma_start3A_1340 = arith.constant 0 : i32
    %dma_start3A_1341 = tpu.memref_slice %arg4[%min3A_1334, %dma_start3A_1340] : memref<100000x128xf32, #tpu.memory_space<hbm>> -> memref<128x128xf32, #tpu.memory_space<hbm>>
    %dma_start3A_1342 = arith.constant 0 : i32
    %dma_start3A_1343 = tpu.memref_slice %arg4[%min3A_1334, %dma_start3A_1342] : memref<100000x128xf32, #tpu.memory_space<hbm>> -> memref<128x128xf32, #tpu.memory_space<hbm>>
    %dma_start3A_1344 = arith.constant 0 : i32
    %dma_start3A_1345 = arith.constant 0 : i32
    %dma_start3A_1346 = tpu.memref_slice %arg6[%dma_start3A_1335, %dma_start3A_1344, %dma_start3A_1345] : memref<6x128x128xf32, #tpu.memory_space<vmem>> -> memref<1x128x128xf32, #tpu.memory_space<vmem>>
    %dma_start3A_1347 = tpu.memref_squeeze %dma_start3A_1346 : memref<1x128x128xf32, #tpu.memory_space<vmem>> -> memref<128x128xf32, #tpu.memory_space<vmem>>
    tpu.enqueue_dma source(%dma_start3A_1347 : memref<128x128xf32, #tpu.memory_space<vmem>>) target(%dma_start3A_1343 : memref<128x128xf32, #tpu.memory_space<hbm>>) target_semaphore(%arg7 : memref<!tpu.dma_semaphore, #tpu.memory_space<semaphore_mem>>)
    %dma_wait3A_1348 = arith.constant 0 : i32
    %dma_wait3A_1349 = arith.constant 0 : i32
    %dma_wait3A_1350 = arith.constant 0 : i32
    %dma_wait3A_1351 = tpu.memref_slice %arg6[%dma_wait3A_1348, %dma_wait3A_1349, %dma_wait3A_1350] : memref<6x128x128xf32, #tpu.memory_space<vmem>> -> memref<1x128x128xf32, #tpu.memory_space<vmem>>
    %dma_wait3A_1352 = tpu.memref_squeeze %dma_wait3A_1351 : memref<1x128x128xf32, #tpu.memory_space<vmem>> -> memref<128x128xf32, #tpu.memory_space<vmem>>
    %dma_wait3A_1353 = arith.constant 0 : i32
    %dma_wait3A_1354 = tpu.memref_slice %arg4[%min3A_1334, %dma_wait3A_1353] : memref<100000x128xf32, #tpu.memory_space<hbm>> -> memref<128x128xf32, #tpu.memory_space<hbm>>
    %dma_wait3A_1355 = arith.constant 0 : i32
    %dma_wait3A_1356 = tpu.memref_slice %arg4[%min3A_1334, %dma_wait3A_1355] : memref<100000x128xf32, #tpu.memory_space<hbm>> -> memref<128x128xf32, #tpu.memory_space<hbm>>
    %dma_wait3A_1357 = arith.constant 0 : i32
    %dma_wait3A_1358 = arith.constant 0 : i32
    %dma_wait3A_1359 = tpu.memref_slice %arg6[%dma_wait3A_1348, %dma_wait3A_1357, %dma_wait3A_1358] : memref<6x128x128xf32, #tpu.memory_space<vmem>> -> memref<1x128x128xf32, #tpu.memory_space<vmem>>
    %dma_wait3A_1360 = tpu.memref_squeeze %dma_wait3A_1359 : memref<1x128x128xf32, #tpu.memory_space<vmem>> -> memref<128x128xf32, #tpu.memory_space<vmem>>
    tpu.wait_dma2 semaphore(%arg7 : memref<!tpu.dma_semaphore, #tpu.memory_space<semaphore_mem>>) src(%dma_wait3A_1360 : memref<128x128xf32, #tpu.memory_space<vmem>>) dst(%dma_wait3A_1356 : memref<128x128xf32, #tpu.memory_space<hbm>>)
    %dma_wait3A_1361 = arith.constant 1 : i32
    %dma_wait3A_1362 = arith.constant 0 : i32
    %dma_wait3A_1363 = arith.constant 0 : i32
    %dma_wait3A_1364 = tpu.memref_slice %arg6[%dma_wait3A_1361, %dma_wait3A_1362, %dma_wait3A_1363] : memref<6x128x128xf32, #tpu.memory_space<vmem>> -> memref<1x128x128xf32, #tpu.memory_space<vmem>>
    %dma_wait3A_1365 = tpu.memref_squeeze %dma_wait3A_1364 : memref<1x128x128xf32, #tpu.memory_space<vmem>> -> memref<128x128xf32, #tpu.memory_space<vmem>>
    %dma_wait3A_1366 = arith.constant 0 : i32
    %dma_wait3A_1367 = tpu.memref_slice %arg4[%min3A_1165, %dma_wait3A_1366] : memref<100000x128xf32, #tpu.memory_space<hbm>> -> memref<128x128xf32, #tpu.memory_space<hbm>>
    %dma_wait3A_1368 = arith.constant 0 : i32
    %dma_wait3A_1369 = tpu.memref_slice %arg4[%min3A_1165, %dma_wait3A_1368] : memref<100000x128xf32, #tpu.memory_space<hbm>> -> memref<128x128xf32, #tpu.memory_space<hbm>>
    %dma_wait3A_1370 = arith.constant 0 : i32
    %dma_wait3A_1371 = arith.constant 0 : i32
    %dma_wait3A_1372 = tpu.memref_slice %arg6[%dma_wait3A_1361, %dma_wait3A_1370, %dma_wait3A_1371] : memref<6x128x128xf32, #tpu.memory_space<vmem>> -> memref<1x128x128xf32, #tpu.memory_space<vmem>>
    %dma_wait3A_1373 = tpu.memref_squeeze %dma_wait3A_1372 : memref<1x128x128xf32, #tpu.memory_space<vmem>> -> memref<128x128xf32, #tpu.memory_space<vmem>>
    tpu.wait_dma2 semaphore(%arg8 : memref<!tpu.dma_semaphore, #tpu.memory_space<semaphore_mem>>) src(%dma_wait3A_1373 : memref<128x128xf32, #tpu.memory_space<vmem>>) dst(%dma_wait3A_1369 : memref<128x128xf32, #tpu.memory_space<hbm>>)
    %dma_wait3A_1374 = arith.constant 2 : i32
    %dma_wait3A_1375 = arith.constant 0 : i32
    %dma_wait3A_1376 = arith.constant 0 : i32
    %dma_wait3A_1377 = tpu.memref_slice %arg6[%dma_wait3A_1374, %dma_wait3A_1375, %dma_wait3A_1376] : memref<6x128x128xf32, #tpu.memory_space<vmem>> -> memref<1x128x128xf32, #tpu.memory_space<vmem>>
    %dma_wait3A_1378 = tpu.memref_squeeze %dma_wait3A_1377 : memref<1x128x128xf32, #tpu.memory_space<vmem>> -> memref<128x128xf32, #tpu.memory_space<vmem>>
    %dma_wait3A_1379 = arith.constant 0 : i32
    %dma_wait3A_1380 = tpu.memref_slice %arg4[%min3A_1222, %dma_wait3A_1379] : memref<100000x128xf32, #tpu.memory_space<hbm>> -> memref<128x128xf32, #tpu.memory_space<hbm>>
    %dma_wait3A_1381 = arith.constant 0 : i32
    %dma_wait3A_1382 = tpu.memref_slice %arg4[%min3A_1222, %dma_wait3A_1381] : memref<100000x128xf32, #tpu.memory_space<hbm>> -> memref<128x128xf32, #tpu.memory_space<hbm>>
    %dma_wait3A_1383 = arith.constant 0 : i32
    %dma_wait3A_1384 = arith.constant 0 : i32
    %dma_wait3A_1385 = tpu.memref_slice %arg6[%dma_wait3A_1374, %dma_wait3A_1383, %dma_wait3A_1384] : memref<6x128x128xf32, #tpu.memory_space<vmem>> -> memref<1x128x128xf32, #tpu.memory_space<vmem>>
    %dma_wait3A_1386 = tpu.memref_squeeze %dma_wait3A_1385 : memref<1x128x128xf32, #tpu.memory_space<vmem>> -> memref<128x128xf32, #tpu.memory_space<vmem>>
    tpu.wait_dma2 semaphore(%arg9 : memref<!tpu.dma_semaphore, #tpu.memory_space<semaphore_mem>>) src(%dma_wait3A_1386 : memref<128x128xf32, #tpu.memory_space<vmem>>) dst(%dma_wait3A_1382 : memref<128x128xf32, #tpu.memory_space<hbm>>)
    %dma_wait3A_1387 = arith.constant 3 : i32
    %dma_wait3A_1388 = arith.constant 0 : i32
    %dma_wait3A_1389 = arith.constant 0 : i32
    %dma_wait3A_1390 = tpu.memref_slice %arg6[%dma_wait3A_1387, %dma_wait3A_1388, %dma_wait3A_1389] : memref<6x128x128xf32, #tpu.memory_space<vmem>> -> memref<1x128x128xf32, #tpu.memory_space<vmem>>
    %dma_wait3A_1391 = tpu.memref_squeeze %dma_wait3A_1390 : memref<1x128x128xf32, #tpu.memory_space<vmem>> -> memref<128x128xf32, #tpu.memory_space<vmem>>
    %dma_wait3A_1392 = arith.constant 0 : i32
    %dma_wait3A_1393 = tpu.memref_slice %arg4[%min3A_1250, %dma_wait3A_1392] : memref<100000x128xf32, #tpu.memory_space<hbm>> -> memref<128x128xf32, #tpu.memory_space<hbm>>
    %dma_wait3A_1394 = arith.constant 0 : i32
    %dma_wait3A_1395 = tpu.memref_slice %arg4[%min3A_1250, %dma_wait3A_1394] : memref<100000x128xf32, #tpu.memory_space<hbm>> -> memref<128x128xf32, #tpu.memory_space<hbm>>
    %dma_wait3A_1396 = arith.constant 0 : i32
    %dma_wait3A_1397 = arith.constant 0 : i32
    %dma_wait3A_1398 = tpu.memref_slice %arg6[%dma_wait3A_1387, %dma_wait3A_1396, %dma_wait3A_1397] : memref<6x128x128xf32, #tpu.memory_space<vmem>> -> memref<1x128x128xf32, #tpu.memory_space<vmem>>
    %dma_wait3A_1399 = tpu.memref_squeeze %dma_wait3A_1398 : memref<1x128x128xf32, #tpu.memory_space<vmem>> -> memref<128x128xf32, #tpu.memory_space<vmem>>
    tpu.wait_dma2 semaphore(%arg10 : memref<!tpu.dma_semaphore, #tpu.memory_space<semaphore_mem>>) src(%dma_wait3A_1399 : memref<128x128xf32, #tpu.memory_space<vmem>>) dst(%dma_wait3A_1395 : memref<128x128xf32, #tpu.memory_space<hbm>>)
    %dma_wait3A_1400 = arith.constant 4 : i32
    %dma_wait3A_1401 = arith.constant 0 : i32
    %dma_wait3A_1402 = arith.constant 0 : i32
    %dma_wait3A_1403 = tpu.memref_slice %arg6[%dma_wait3A_1400, %dma_wait3A_1401, %dma_wait3A_1402] : memref<6x128x128xf32, #tpu.memory_space<vmem>> -> memref<1x128x128xf32, #tpu.memory_space<vmem>>
    %dma_wait3A_1404 = tpu.memref_squeeze %dma_wait3A_1403 : memref<1x128x128xf32, #tpu.memory_space<vmem>> -> memref<128x128xf32, #tpu.memory_space<vmem>>
    %dma_wait3A_1405 = arith.constant 0 : i32
    %dma_wait3A_1406 = tpu.memref_slice %arg4[%min3A_1278, %dma_wait3A_1405] : memref<100000x128xf32, #tpu.memory_space<hbm>> -> memref<128x128xf32, #tpu.memory_space<hbm>>
    %dma_wait3A_1407 = arith.constant 0 : i32
    %dma_wait3A_1408 = tpu.memref_slice %arg4[%min3A_1278, %dma_wait3A_1407] : memref<100000x128xf32, #tpu.memory_space<hbm>> -> memref<128x128xf32, #tpu.memory_space<hbm>>
    %dma_wait3A_1409 = arith.constant 0 : i32
    %dma_wait3A_1410 = arith.constant 0 : i32
    %dma_wait3A_1411 = tpu.memref_slice %arg6[%dma_wait3A_1400, %dma_wait3A_1409, %dma_wait3A_1410] : memref<6x128x128xf32, #tpu.memory_space<vmem>> -> memref<1x128x128xf32, #tpu.memory_space<vmem>>
    %dma_wait3A_1412 = tpu.memref_squeeze %dma_wait3A_1411 : memref<1x128x128xf32, #tpu.memory_space<vmem>> -> memref<128x128xf32, #tpu.memory_space<vmem>>
    tpu.wait_dma2 semaphore(%arg11 : memref<!tpu.dma_semaphore, #tpu.memory_space<semaphore_mem>>) src(%dma_wait3A_1412 : memref<128x128xf32, #tpu.memory_space<vmem>>) dst(%dma_wait3A_1408 : memref<128x128xf32, #tpu.memory_space<hbm>>)
    %dma_wait3A_1413 = arith.constant 5 : i32
    %dma_wait3A_1414 = arith.constant 0 : i32
    %dma_wait3A_1415 = arith.constant 0 : i32
    %dma_wait3A_1416 = tpu.memref_slice %arg6[%dma_wait3A_1413, %dma_wait3A_1414, %dma_wait3A_1415] : memref<6x128x128xf32, #tpu.memory_space<vmem>> -> memref<1x128x128xf32, #tpu.memory_space<vmem>>
    %dma_wait3A_1417 = tpu.memref_squeeze %dma_wait3A_1416 : memref<1x128x128xf32, #tpu.memory_space<vmem>> -> memref<128x128xf32, #tpu.memory_space<vmem>>
    %dma_wait3A_1418 = arith.constant 0 : i32
    %dma_wait3A_1419 = tpu.memref_slice %arg4[%min3A_1306, %dma_wait3A_1418] : memref<100000x128xf32, #tpu.memory_space<hbm>> -> memref<128x128xf32, #tpu.memory_space<hbm>>
    %dma_wait3A_1420 = arith.constant 0 : i32
    %dma_wait3A_1421 = tpu.memref_slice %arg4[%min3A_1306, %dma_wait3A_1420] : memref<100000x128xf32, #tpu.memory_space<hbm>> -> memref<128x128xf32, #tpu.memory_space<hbm>>
    %dma_wait3A_1422 = arith.constant 0 : i32
    %dma_wait3A_1423 = arith.constant 0 : i32
    %dma_wait3A_1424 = tpu.memref_slice %arg6[%dma_wait3A_1413, %dma_wait3A_1422, %dma_wait3A_1423] : memref<6x128x128xf32, #tpu.memory_space<vmem>> -> memref<1x128x128xf32, #tpu.memory_space<vmem>>
    %dma_wait3A_1425 = tpu.memref_squeeze %dma_wait3A_1424 : memref<1x128x128xf32, #tpu.memory_space<vmem>> -> memref<128x128xf32, #tpu.memory_space<vmem>>
    tpu.wait_dma2 semaphore(%arg12 : memref<!tpu.dma_semaphore, #tpu.memory_space<semaphore_mem>>) src(%dma_wait3A_1425 : memref<128x128xf32, #tpu.memory_space<vmem>>) dst(%dma_wait3A_1421 : memref<128x128xf32, #tpu.memory_space<hbm>>)
    return
  }
}

</mosaic_0001>

<sc_bundles>
// kernel: branch_1_fun.3.cloned.1.call-start
scs
__scs_entry_jumppad:
0x0: {  	(pc) =	sbr.rel $0x88, $3  }
0x1: {  	(tag) =	ssettag $0x0;
	lr =	simm.s32 $0x1  }
0x2: {  	[smem:$0x3F9E] =	sst lr;
	_ =	strace $0xD0000000  }
0x3: {  	_ = 	snop  }
0x4: {  	_ = 	snop  }
0x5: {  	_ = 	snop  }
0x6: {  	_ = 	snop  }
0x7: {  	_ = 	snop  }
__scs_overlays_trampoline_lowered:
0x8: {  	[smem:$0x3FAD] =	sst s0  }
0x9: {  	[smem:$0x3FAE] =	sst s1  }
0xa: {  	[smem:$0x3FAF] =	sst s2  }
0xb: {  	[smem:$0x3FB0] =	sst s3  }
0xc: {  	[smem:$0x3FB1] =	sst s4  }
0xd: {  	[smem:$0x3FB2] =	sst s5  }
0xe: {  	[smem:$0x3FB3] =	sst s6  }
0xf: {  	[smem:$0x3FB4] =	sst s7  }
0x10: {  	[smem:$0x3FB5] =	sst s8  }
0x11: {  	[smem:$0x3FB6] =	sst s9;
	s0 =	simm.s32 @!p0 $0x0  }
0x12: {  	s1 =	sld [smem:$0x3F9C];
	s0 =	simm.s32 @p0 $0x1  }
0x13: {  	[smem:$0x3FB7] =	sst s0;
	s0 =	simm.s32 @!p1 $0x0  }
0x14: {  	s2 =	sld [smem:$0x3F9B];
	s0 =	simm.s32 @p1 $0x1  }
0x15: {  	[smem:$0x3FB8] =	sst s0;
	s0 =	simm.s32 @!p2 $0x0  }
0x16: {  	s3 =	sld [smem:$0x3FDB];
	s0 =	simm.s32 @p2 $0x1  }
0x17: {  	s4 =	simm.s32 $0x1BF5;
	[smem:$0x3FBA] =	sst s0  }
0x18: {  	s0 =	sld [smem:$0x3F9D];
	_ =	swait.ge [sflag:s4], $0x0  }
0x19: {  	s7 =	sld [smem:$0x3F9E]  }
0x1a: {  	s8 =	sadd.s32 $0xFFFFE003, lr  }
0x1b: {  	s9 =	sadd.s32 $0xFFFFFEF7, lr;
	s5 =	simm.s32 $0xFFFFFFFF;
	p2 =	slt.u32 s8, $0xFFFFF086  }
0x1c: {  	p1 =	slt.u32 s9, $0xF7A;
	s5 =	simm.s32 @!p2 $0x0  }
0x1d: {  	s5 =	simm.s32 @p1 $0x1;
	p0 =	seq.s32 s7, s2  }
0x1e: {  	s7 =	smul.u32 @!p0 $0xF7A, s2;
	p2 =	seq.s32 @!p0 s5, $0x0  }
0x1f: {  	s9 =	smul.u32 $0xF7A, s1;
	s8 =	simm.s32 @!p0 $0x1BF5;
	p2 =	por !p2, p0  }
0x20: {  	[sflag:s8] =	ssyncset.s32 @!p0 $0xFFFFF086;
	s6 =	sadd.s32 @!p0 s3, s7;
	s7 =	simm.s32 @!p0 $0x108  }
0x21: {  	s3 =	sadd.s32 s3, s9;
	s6 =	sadd.s32 @!p0 $0x88, s6;
	s7 =	simm.s32 @p2 $0x1082  }
0x22: {  	[simem:s7], [sflag:s8] =	dma.local @!p0 [hbm:s6], $0xF7A  }
0x23: {  	s9 =	sor.u32 $0xD0000000, s2;
	s6 =	simm.s32 $0x108;
	_ =	swait.ge @!p0 [sflag:s8], $0x0  }
0x24: {  	s3 =	sadd.s32 $0x88, s3;
	s6 =	simm.s32 @!p1 $0x1082;
	[sflag:s4] =	ssyncset.s32 $0xFFFFF086  }
0x25: {  	[simem:s6], [sflag:s4] =	dma.local [hbm:s3], $0xF7A  }
0x26: {  	[smem:$0x3F9E] =	sst s1;
	(tag) =	ssettag s2;
	_ =	strace s9  }
0x27: {  	s1 =	sld [smem:$0x3FAE]  }
0x28: {  	s2 =	sld [smem:$0x3FAF]  }
0x29: {  	s4 =	sld [smem:$0x3FB1]  }
0x2a: {  	p0 =	seq.s32 s5, $0x0;
	s5 =	sld [smem:$0x3FB2]  }
0x2b: {  	s6 =	sld [smem:$0x3FB3]  }
0x2c: {  	s7 =	sld [smem:$0x3FB4]  }
0x2d: {  	s3 =	simm.s32 $0x108;
	s8 =	sld [smem:$0x3FB5]  }
0x2e: {  	s3 =	simm.s32 @!p0 $0x1082;
	s9 =	sld [smem:$0x3FB6]  }
0x2f: {  	lr =	sadd.s32 s0, s3;
	s0 =	sld [smem:$0x3FAD]  }
0x30: {  	s3 =	sld [smem:$0x3FB0]  }
0x31: {  	[smem:$0x3FB9] =	sst s10  }
0x32: {  	s10 =	sld [smem:$0x3FB7];
	_ =	sdelay $0x3  }
0x33: {  	p0 =	seq.s32 s10, $0x1;
	s10 =	sld [smem:$0x3FB9];
	_ =	sdelay $0x3  }
0x34: {  	[smem:$0x3FB9] =	sst s10  }
0x35: {  	s10 =	sld [smem:$0x3FB8];
	_ =	sdelay $0x3  }
0x36: {  	p1 =	seq.s32 s10, $0x1;
	s10 =	sld [smem:$0x3FB9];
	_ =	sdelay $0x3  }
0x37: {  	[smem:$0x3FB9] =	sst s10  }
0x38: {  	s10 =	sld [smem:$0x3FBA]  }
0x39: {  	_ = 	snop;
	(pc) =	sbr.ind lr, $3  }
0x3a: {  	_ = 	snop  }
0x3b: {  	_ = 	snop  }
0x3c: {  	p2 =	seq.s32 s10, $0x1;
	s10 =	sld [smem:$0x3FB9]  }
0x3d: {  	_ =	shalt  }
0x3e: {  	_ =	shalt  }
0x3f: {  	_ =	shalt  }
0x40: {  	_ =	shalt  }
0x41: {  	_ =	shalt  }
0x42: {  	_ =	shalt  }
0x43: {  	_ =	shalt  }
0x44: {  	_ =	shalt  }
0x45: {  	_ =	shalt  }
0x46: {  	_ =	shalt  }
0x47: {  	_ =	shalt  }
0x48: {  	_ =	shalt  }
0x49: {  	_ =	shalt  }
0x4a: {  	_ =	shalt  }
0x4b: {  	_ =	shalt  }
0x4c: {  	_ =	shalt  }
0x4d: {  	_ =	shalt  }
0x4e: {  	_ =	shalt  }
0x4f: {  	_ =	shalt  }
0x50: {  	_ =	shalt  }
0x51: {  	_ =	shalt  }
0x52: {  	_ =	shalt  }
0x53: {  	_ =	shalt  }
0x54: {  	_ =	shalt  }
0x55: {  	_ =	shalt  }
0x56: {  	_ =	shalt  }
0x57: {  	_ =	shalt  }
0x58: {  	_ =	shalt  }
0x59: {  	_ =	shalt  }
0x5a: {  	_ =	shalt  }
0x5b: {  	_ =	shalt  }
0x5c: {  	_ =	shalt  }
0x5d: {  	_ =	shalt  }
0x5e: {  	_ =	shalt  }
0x5f: {  	_ =	shalt  }
0x60: {  	_ =	shalt  }
0x61: {  	_ =	shalt  }
0x62: {  	_ =	shalt  }
0x63: {  	_ =	shalt  }
0x64: {  	_ =	shalt  }
0x65: {  	_ =	shalt  }
0x66: {  	_ =	shalt  }
0x67: {  	_ =	shalt  }
0x68: {  	_ =	shalt  }
0x69: {  	_ =	shalt  }
0x6a: {  	_ =	shalt  }
0x6b: {  	_ =	shalt  }
0x6c: {  	_ =	shalt  }
0x6d: {  	_ =	shalt  }
0x6e: {  	_ =	shalt  }
0x6f: {  	_ =	shalt  }
0x70: {  	_ =	shalt  }
0x71: {  	_ =	shalt  }
0x72: {  	_ =	shalt  }
0x73: {  	_ =	shalt  }
0x74: {  	_ =	shalt  }
0x75: {  	_ =	shalt  }
0x76: {  	_ =	shalt  }
0x77: {  	_ =	shalt  }
0x78: {  	_ =	shalt  }
0x79: {  	_ =	shalt  }
0x7a: {  	_ =	shalt  }
0x7b: {  	_ =	shalt  }
0x7c: {  	_ =	shalt  }
0x7d: {  	_ =	shalt  }
0x7e: {  	_ =	shalt  }
0x7f: {  	_ =	shalt  }
0x80: {  	_ =	shalt  }
0x81: {  	_ =	shalt  }
0x82: {  	_ =	shalt  }
0x83: {  	_ =	shalt  }
0x84: {  	_ =	shalt  }
0x85: {  	_ =	shalt  }
0x86: {  	_ =	shalt  }
0x87: {  	_ =	shalt  }
.Lfunc_end0:
.L_simem_size_0:
called_computation_lowered:
.L_overlay_start_0:
0x88: {  	s2 =	sld [smem:$0x3FD9]  }
0x89: {  	s3 =	sld [smem:$0x3FFE];
	_ =	sdelay $0x1  }
0x8a: {  	s1 =	srdreg.scid  }
0x8b: {  	s0 =	sand.u32 $0x1, s1  }
0x8c: {  	s18 =	sshll.u32 s0, $0xA;
	s2 =	sadd.s32 s3, s2  }
0x8d: {  	s2 =	sadd.s32 s2, s18  }
0x8e: {  	[smem:$0x3FC5] =	sst s2  }
0x8f: {  	_ = 	snop  }
0x90: {  	s2 =	sld [smem:$0x3FC9]  }
0x91: {  	s19 =	sld [smem:$0x3FC8]  }
0x92: {  	s4 =	sld [smem:$0x3FD0];
	(tm) =	ssettm $0x1  }
0x93: {  	s5 =	sld [smem:$0x3FFB];
	_ =	sdelay $0x3  }
0x94: {  	_ =	strace s5  }
0x95: {  	s5 =	sld [smem:$0x3FFC];
	_ =	sdelay $0x3  }
0x96: {  	_ =	strace s5  }
0x97: {  	s5 =	sld [smem:$0x3FFD];
	_ =	sdelay $0x3  }
0x98: {  	_ =	strace s5  }
0x99: {  	_ =	strace $0x8FFFFFFF  }
0x9a: {  	s20 =	sld [smem:$0x3FDB];
	_ =	sdelay $0x1  }
0x9b: {  	s6 =	simm.s32 $_scs_section_size  }
0x9c: {  	s7 =	simm.s32 $_size__tile_overlayer_lowered;
	s8 =	simm.s32 $_tile_overlayer_lowered  }
0x9d: {  	s23 =	simm.s32 $0x1BFF;
	s22 =	sshll.u32 s8, $0x1;
	s5 =	sadd.s32 s6, s20  }
0x9e: {  	s9 =	simm.s32 $0x0;
	s21 =	sshll.u32 s7, $0x1;
	s7 =	sadd.s32 s22, s5  }
0x9f: {  	[timem:s9], [sflag:s23] =	dma.local [hbm:s7], s21  }
0xa0: {  	_ =	swait.ge [sflag:s23], s21  }
0xa1: {  	s6 =	ssub.s32 $0x0, s21;
	[sflag:s23] =	ssyncset.done $0x0  }
0xa2: {  	[sflag:s23] =	ssyncadd.s32 s6;
	_ =	sdelay $0x1  }
0xa3: {  	s24 =	simm.s32 $0x1B8B  }
0xa4: {  	_ =	swait.ge [sflag:s24], $0x1  }
0xa5: {  	[sflag:s24] =	ssyncset.done $0x0  }
0xa6: {  	s25 =	simm.s32 $0x1B8E;
	[sflag:s24] =	ssyncadd.s32 $0xFFFFFFFF  }
0xa7: {  	s26 =	simm.s32 $execute0_lowered;
	[smem:$0x3FD2] =	sst s25  }
0xa8: {  	s6 =	sshll.u32 s26, $0x1;
	_ =	strace $0x80000046;
	[dreg:$0x1] =	wrdreg $0xFFFFFFFF  }
0xa9: {  	s28 =	simm.s32 $_size_execute0_lowered;
	s5 =	sadd.s32 s5, s6;
	[dreg:$0x0] =	wrdreg $0x0  }
0xaa: {  	s6 =	sshll.u32 s28, $0x1;
	[dreg:$0x2] =	wrdreg s5  }
0xab: {  	[dreg:$0x3] =	wrdreg s6  }
0xac: {  	[dreg:$0x4] =	wrdreg $0xC0  }
0xad: {  	_ =	task [dreg:s9], $0x5FFFF  }
0xae: {  	[dreg:$0x1] =	wrdreg $0xFFFFFFFF  }
0xaf: {  	[dreg:$0x0] =	wrdreg $0x60  }
0xb0: {  	[dreg:$0x2] =	wrdreg s2  }
0xb1: {  	[dreg:$0x3] =	wrdreg s19  }
0xb2: {  	[dreg:$0x4] =	wrdreg s4  }
0xb3: {  	[dreg:$0x5] =	wrdreg $0x9  }
0xb4: {  	_ =	task.clear_ibuf [dreg:s9], $0x6FFFF;
	_ =	strace $0x90000046  }
0xb5: {  	s29 =	simm.s32 $0x9;
	_ =	strace $0x80000048  }
0xb6: {  	_ =	swait.ge [sflag:s29], $0x1  }
0xb7: {  	[sflag:s29] =	ssyncadd.s32 $0xFFFFFFFF  }
0xb8: {  	_ =	strace $0x90000048  }
0xb9: {  	_ =	sfence  }
0xba: {  	s30 =	sld [smem:$0x0];
	_ =	sdelay $0x2  }
0xbb: {  	s31 =	sshll.u32 s1, $0xD;
	s1 =	sshrl.u32 s1, $0x2  }
0xbc: {  	s3 =	sand.u32 $0x4000, s31;
	s1 =	sadd.s32 s1, s30  }
0xbd: {  	s0 =	sor.u32 s3, s0;
	s1 =	sshll.u32 s1, $0x11  }
0xbe: {  	s0 =	sor.u32 s1, s0  }
0xbf: {  	s0 =	sadd.s32 $0x8F2B, s0  }
0xc0: {  	[sflag:s0] =	ssyncadd.remote.s32 $0x1  }
0xc1: {  	_ =	sfence.sel $0xFFFF  }
0xc2: {  	[dreg:$0x0] =	wrdreg $0xFFFFFFFF;
	(pc) =	sbr.abs _section_cstart, $3  }
0xc3: {  	[dreg:$0x1] =	wrdreg $0xFFFFFFFF  }
0xc4: {  	_ =	task.clear_ibuf [dreg:s9], $0x2FFFF;
	_ =	strace $0x9FFFFFFF  }
0xc5: {  	(tm) =	ssettm $0x7FFFFFFF  }
tec
execute0_lowered:
.L_overlay_start_1:
0x0: {  	(tag) =	ssettag $0x1  }
0x1: {  	s0 =	srdreg.scid  }
0x2: {  	s1 =	stileid.u32;
	s3 =	rddreg [dreg:$0x0]  }
0x3: {  	s7 =	rddreg [dreg:$0x1];
	s6 =	sand.u32 $0x1, s0;
	s10 =	sshll.u32 s1, $0x1  }
0x4: {  	s2 =	simm.s32 $0x0;
	s31 =	simm.s32 $0x7;
	s0 =	sor.u32 s6, s10  }
0x5: {  	s29 =	simm.s32 $0x4C80;
	[smem:$0x7FF] =	sst s2;
	s5 =	smul.u32 $0xC80, s0  }
0x6: {  	p0 =	por $0x0, $0x0;
	s1 =	rddreg [dreg:$0x2];
	_ =	strace $0x80000047  }
0x7: {  	s6 =	ssub.s32 $0x2, s6;
	s0 =	smul.u32 $0xC800, s0;
	s4 =	smin.u32 s5, $0x17A20  }
0x8: {  	s12 =	sadd.s32 $0x80, s5;
	s9 =	sadd.s32 $0x100, s5;
	s15 =	sadd.s32 $0x180, s5  }
0x9: {  	s0 =	sadd.s32 s1, s0;
	s17 =	sadd.s32 $0x280, s5;
	s22 =	smin.u32 s5, $0x182A0  }
0xa: {  	s24 =	smin.u32 s5, $0x18220;
	s8 =	sshrl.u32 s4, $0x3;
	s11 =	ssub.s32 s5, s4  }
0xb: {  	s13 =	ssub.s32 s12, s4;
	s14 =	ssub.s32 s9, s4;
	[dreg:$0xa] =	wrdreg s0  }
0xc: {  	s10 =	ssub.s32 s15, s4;
	s18 =	ssub.s32 s17, s4;
	[dreg:$0x5] =	wrdreg s11  }
0xd: {  	s9 =	sshll.u32 s9, $0x4;
	s23 =	sadd.s32 $0x380, s22;
	[dreg:$0x6] =	wrdreg s13  }
0xe: {  	s25 =	sadd.s32 $0x400, s24;
	s0 =	sshll.u32 s17, $0x4;
	[dreg:$0x7] =	wrdreg s14  }
0xf: {  	s7 =	sadd.s32 s7, s8;
	s11 =	sadd.s32 $0x200, s5;
	[dreg:$0x8] =	wrdreg s10  }
0x10: {  	s8 =	sshll.u32 s12, $0x4;
	s12 =	smin.u32 s5, $0x18320;
	[dreg:$0xb] =	wrdreg s18  }
0x11: {  	s21 =	sadd.s32 s1, s9;
	s9 =	ssub.s32 s23, s4;
	s26 =	ssub.s32 s25, s4  }
0x12: {  	s13 =	smin.u32 s5, $0x181A0;
	s0 =	sadd.s32 s1, s0;
	[dreg:$0x4] =	wrdreg s7  }
0x13: {  	s16 =	ssub.s32 s11, s4;
	s8 =	sadd.s32 s1, s8;
	[dreg:$0xe] =	wrdreg s21  }
0x14: {  	s19 =	sadd.s32 $0x300, s12;
	s7 =	sshll.u32 s15, $0x4;
	[dreg:$0xf] =	wrdreg s9  }
0x15: {  	s11 =	sshll.u32 s11, $0x4;
	[dreg:$0x11] =	wrdreg s26;
	s14 =	sadd.s32 $0x480, s13  }
0x16: {  	s15 =	smin.u32 s5, $0x18120;
	[dreg:$0x14] =	wrdreg s0;
	s21 =	smin.u32 s5, $0x18020  }
0x17: {  	s9 =	sshll.u32 s25, $0x4;
	s25 =	smin.u32 s5, $0x17FA0;
	[dreg:$0x9] =	wrdreg s16  }
0x18: {  	s13 =	smin.u32 s5, $0x17F20;
	[dreg:$0xc] =	wrdreg s8;
	s20 =	ssub.s32 s19, s4  }
0x19: {  	s7 =	sadd.s32 s1, s7;
	s12 =	sadd.s32 s1, s11;
	s11 =	ssub.s32 s14, s4  }
0x1a: {  	s16 =	sadd.s32 $0x500, s15;
	s10 =	sshll.u32 s19, $0x4;
	[dreg:$0xd] =	wrdreg s20  }
0x1b: {  	s19 =	smin.u32 s5, $0x180A0;
	s8 =	sshll.u32 s23, $0x4;
	[dreg:$0x10] =	wrdreg s7  }
0x1c: {  	s22 =	sadd.s32 $0x600, s21;
	s24 =	sadd.s32 s1, s9;
	[dreg:$0x12] =	wrdreg s12  }
0x1d: {  	s26 =	sadd.s32 $0x680, s25;
	[dreg:$0x13] =	wrdreg s11;
	s17 =	ssub.s32 s16, s4  }
0x1e: {  	s18 =	sadd.s32 s1, s10;
	s20 =	sadd.s32 $0x580, s19;
	[dreg:$0x1a] =	wrdreg s24  }
0x1f: {  	s8 =	sadd.s32 s1, s8;
	s23 =	ssub.s32 s22, s4;
	[dreg:$0x15] =	wrdreg s17  }
0x20: {  	s9 =	ssub.s32 s26, s4;
	s7 =	sshll.u32 s14, $0x4;
	[dreg:$0x16] =	wrdreg s18  }
0x21: {  	s14 =	sadd.s32 $0x700, s13;
	s11 =	sshll.u32 s16, $0x4;
	[dreg:$0x18] =	wrdreg s8  }
0x22: {  	s19 =	smin.u32 s5, $0x17E20;
	s24 =	sshrl.u32 s6, $0x1;
	[dreg:$0x19] =	wrdreg s23  }
0x23: {  	s13 =	smin.u32 s5, $0x17D20;
	s10 =	ssub.s32 s20, s4;
	[dreg:$0x1b] =	wrdreg s9  }
0x24: {  	s7 =	sadd.s32 s1, s7;
	s15 =	ssub.s32 s14, s4;
	s16 =	sadd.s32 s1, s11  }
0x25: {  	s17 =	smin.u32 s5, $0x17EA0;
	s0 =	sshll.u32 s20, $0x4;
	[dreg:$0x17] =	wrdreg s10  }
0x26: {  	s20 =	sadd.s32 $0x800, s19;
	s23 =	smin.u32 s5, $0x17DA0;
	[dreg:$0x1c] =	wrdreg s7  }
0x27: {  	s8 =	sshll.u32 s26, $0x4;
	s26 =	sadd.s32 $0x900, s13;
	[dreg:$0x1d] =	wrdreg s15  }
0x28: {  	s9 =	sshll.u32 s14, $0x4;
	s12 =	ssub.s32 s6, s24;
	[dreg:$0x1e] =	wrdreg s16  }
0x29: {  	s18 =	sadd.s32 $0x780, s17;
	s0 =	sadd.s32 s1, s0;
	s21 =	ssub.s32 s20, s4  }
0x2a: {  	s10 =	sshll.u32 s22, $0x4;
	s25 =	sadd.s32 $0x880, s23;
	s8 =	sadd.s32 s1, s8  }
0x2b: {  	s13 =	ssub.s32 s26, s4;
	s14 =	sadd.s32 s1, s9;
	[smem:$0x7F4] =	sst s0  }
0x2c: {  	s15 =	smin.u32 s5, $0x17CA0;
	s23 =	smin.u32 s5, $0x17BA0;
	[smem:$0x7F5] =	sst s21  }
0x2d: {  	s24 =	sshll.u32 s20, $0x4;
	s26 =	sshll.u32 s26, $0x4;
	[smem:$0x7F8] =	sst s8  }
0x2e: {  	s11 =	ssub.s32 s18, s4;
	s22 =	sadd.s32 s1, s10;
	[smem:$0x7F9] =	sst s13  }
0x2f: {  	s10 =	ssub.s32 s25, s4;
	[smem:$0x7FA] =	sst s14;
	s16 =	sadd.s32 $0x980, s15  }
0x30: {  	s7 =	sshll.u32 s18, $0x4;
	s18 =	smin.u32 s5, $0x17C20;
	s9 =	sadd.s32 $0xA80, s23  }
0x31: {  	s28 =	sadd.s32 s1, s24;
	s0 =	sshll.u32 s25, $0x4;
	s25 =	smin.u32 s5, $0x17B20  }
0x32: {  	s5 =	smin.u32 s5, $0x17AA0;
	s20 =	sadd.s32 s1, s26;
	[dreg:$0x1f] =	wrdreg s11  }
0x33: {  	s15 =	smax.u32 s12, $0x1;
	s26 =	simm.s32 $0x80;
	[smem:$0x7F6] =	sst s22  }
0x34: {  	s8 =	simm.s32 $0xC80;
	s12 =	simm.s32 $0x1;
	[smem:$0x7F7] =	sst s10  }
0x35: {  	s17 =	ssub.s32 s16, s4;
	s7 =	sadd.s32 s1, s7;
	s19 =	sadd.s32 $0xA00, s18  }
0x36: {  	s23 =	ssub.s32 s9, s4;
	s21 =	sadd.s32 s1, s0;
	s0 =	sadd.s32 $0xB00, s25  }
0x37: {  	s5 =	sadd.s32 $0xB80, s5;
	s6 =	sshll.u32 s16, $0x4;
	s11 =	sshll.u32 s9, $0x4  }
0x38: {  	s25 =	simm.s32 $0x8C80;
	s16 =	simm.s32 $0x14C80;
	p1 =	sne.s32 s15, $0x1  }
0x39: {  	s30 =	sadd.s32 $0xFFFFFFFF, s15;
	s15 =	simm.s32 $0x2;
	[smem:$0x7FB] =	sst s17  }
0x3a: {  	s9 =	simm.s32 $0x4;
	[smem:$0x7FC] =	sst s7;
	s22 =	ssub.s32 s19, s4  }
0x3b: {  	s24 =	ssub.s32 s0, s4;
	s17 =	ssub.s32 s5, s4;
	s10 =	sshll.u32 s19, $0x4  }
0x3c: {  	s18 =	sadd.s32 s1, s6;
	s0 =	sshll.u32 s0, $0x4;
	s5 =	sshll.u32 s5, $0x4  }
.Ltmp0:
0x3d: {  	s4 =	sshll.u32 s4, $0x4;
	s19 =	simm.s32 $0x10C80;
	(pc) =	sbr.rel @!p1 .LBB2_1-.Ltmp0, $4  }
0x3e: {  	s7 =	simm.s32 $0x5;
	[smem:$0x7FD] =	sst s22;
	s14 =	sadd.s32 s1, s10  }
0x3f: {  	s10 =	sadd.s32 s1, s11;
	s11 =	sadd.s32 s1, s0;
	s6 =	sadd.s32 s1, s5  }
0x40: {  	s13 =	sadd.s32 s4, s1;
	s22 =	simm.s32 $0xCC80;
	s5 =	simm.s32 $0x6  }
0x41: {  	s0 =	rddreg [dreg:$0x4];
	s4 =	sadd.s32 $0xC000, s13;
	s13 =	simm.s32 $0x3  }
0x42: {  	[tilespmem:s2], [sflag:$0x7] =	stream.linear.gather [hbm4b:s0+s2], $0xC80, $0x38;
	[tilespmem:$0x18C80] =	vst v63  }
0x43: {  	_ =	swait.ge [sflag:s31], $0xC80  }
0x44: {  	[sflag:s31] =	ssyncset.done $0x0  }
0x45: {  	s0 =	rddreg [dreg:$0x5];
	[sflag:s31] =	ssyncadd.s32 $0xFFFFF380  }
0x46: {  	[tilespmem:s8], [sflag:$0x1] =	stream.indirect.gather [hbm4b:s3+s26], $0x80, s0, s26, $0xb8;
	[tilespmem:$0x18C80] =	vst v63  }
0x47: {  	s1 =	rddreg [dreg:$0x6]  }
0x48: {  	[tilespmem:s29], [sflag:$0x2] =	stream.indirect.gather [hbm4b:s3+s26], $0x80, s1, s26, $0xb8;
	[tilespmem:$0x18C80] =	vst v63  }
0x49: {  	s0 =	rddreg [dreg:$0x7]  }
0x4a: {  	[tilespmem:s25], [sflag:$0x3] =	stream.indirect.gather [hbm4b:s3+s26], $0x80, s0, s26, $0xb8;
	[tilespmem:$0x18C80] =	vst v63  }
0x4b: {  	s1 =	rddreg [dreg:$0x8]  }
0x4c: {  	[tilespmem:s22], [sflag:$0x4] =	stream.indirect.gather [hbm4b:s3+s26], $0x80, s1, s26, $0xb8;
	[tilespmem:$0x18C80] =	vst v63  }
0x4d: {  	s0 =	rddreg [dreg:$0x9]  }
0x4e: {  	[tilespmem:s19], [sflag:$0x5] =	stream.indirect.gather [hbm4b:s3+s26], $0x80, s0, s26, $0xb8;
	[tilespmem:$0x18C80] =	vst v63  }
0x4f: {  	_ =	swait.ge [sflag:s12], $0x4000  }
0x50: {  	[sflag:s12] =	ssyncset.done $0x0  }
0x51: {  	s0 =	rddreg [dreg:$0xa];
	[sflag:s12] =	ssyncadd.s32 $0xFFFFC000  }
0x52: {  	[hbm4b:s0+s2] =	stream.linear.scatter [tilespmem:s8], [sflag:$0x1], $0x4000, $0x38;
	[tilespmem:$0x18C80] =	vst v63  }
0x53: {  	s1 =	rddreg [dreg:$0xb]  }
0x54: {  	[tilespmem:s16], [sflag:$0x6] =	stream.indirect.gather [hbm4b:s3+s26], $0x80, s1, s26, $0xb8;
	[tilespmem:$0x18C80] =	vst v63  }
0x55: {  	_ =	swait.ge [sflag:s15], $0x4000  }
0x56: {  	[sflag:s15] =	ssyncset.done $0x0  }
0x57: {  	s1 =	rddreg [dreg:$0xc];
	[sflag:s15] =	ssyncadd.s32 $0xFFFFC000  }
0x58: {  	[hbm4b:s1+s2] =	stream.linear.scatter [tilespmem:s29], [sflag:$0x2], $0x4000, $0x38;
	[tilespmem:$0x18C80] =	vst v63  }
0x59: {  	_ =	swait.ge [sflag:s12], $0x4000  }
0x5a: {  	[sflag:s12] =	ssyncset.done $0x0  }
0x5b: {  	s1 =	rddreg [dreg:$0xd];
	[sflag:s12] =	ssyncadd.s32 $0xFFFFC000  }
0x5c: {  	[tilespmem:s8], [sflag:$0x1] =	stream.indirect.gather [hbm4b:s3+s26], $0x80, s1, s26, $0xb8;
	[tilespmem:$0x18C80] =	vst v63  }
0x5d: {  	_ =	swait.ge [sflag:s13], $0x4000  }
0x5e: {  	[sflag:s13] =	ssyncset.done $0x0  }
0x5f: {  	s1 =	rddreg [dreg:$0xe];
	[sflag:s13] =	ssyncadd.s32 $0xFFFFC000  }
0x60: {  	[hbm4b:s1+s2] =	stream.linear.scatter [tilespmem:s25], [sflag:$0x3], $0x4000, $0x38;
	[tilespmem:$0x18C80] =	vst v63  }
0x61: {  	_ =	swait.ge [sflag:s15], $0x4000  }
0x62: {  	[sflag:s15] =	ssyncset.done $0x0  }
0x63: {  	s1 =	rddreg [dreg:$0xf];
	[sflag:s15] =	ssyncadd.s32 $0xFFFFC000  }
0x64: {  	[tilespmem:s29], [sflag:$0x2] =	stream.indirect.gather [hbm4b:s3+s26], $0x80, s1, s26, $0xb8;
	[tilespmem:$0x18C80] =	vst v63  }
0x65: {  	_ =	swait.ge [sflag:s9], $0x4000  }
0x66: {  	[sflag:s9] =	ssyncset.done $0x0  }
0x67: {  	s1 =	rddreg [dreg:$0x10];
	[sflag:s9] =	ssyncadd.s32 $0xFFFFC000  }
0x68: {  	[hbm4b:s1+s2] =	stream.linear.scatter [tilespmem:s22], [sflag:$0x4], $0x4000, $0x38;
	[tilespmem:$0x18C80] =	vst v63  }
0x69: {  	_ =	swait.ge [sflag:s13], $0x4000  }
0x6a: {  	[sflag:s13] =	ssyncset.done $0x0  }
0x6b: {  	s1 =	rddreg [dreg:$0x11];
	[sflag:s13] =	ssyncadd.s32 $0xFFFFC000  }
0x6c: {  	[tilespmem:s25], [sflag:$0x3] =	stream.indirect.gather [hbm4b:s3+s26], $0x80, s1, s26, $0xb8;
	[tilespmem:$0x18C80] =	vst v63  }
0x6d: {  	_ =	swait.ge [sflag:s7], $0x4000  }
0x6e: {  	[sflag:s7] =	ssyncset.done $0x0  }
0x6f: {  	s1 =	rddreg [dreg:$0x12];
	[sflag:s7] =	ssyncadd.s32 $0xFFFFC000  }
0x70: {  	[hbm4b:s1+s2] =	stream.linear.scatter [tilespmem:s19], [sflag:$0x5], $0x4000, $0x38;
	[tilespmem:$0x18C80] =	vst v63  }
0x71: {  	_ =	swait.ge [sflag:s9], $0x4000  }
0x72: {  	[sflag:s9] =	ssyncset.done $0x0  }
0x73: {  	s1 =	rddreg [dreg:$0x13];
	[sflag:s9] =	ssyncadd.s32 $0xFFFFC000  }
0x74: {  	[tilespmem:s22], [sflag:$0x4] =	stream.indirect.gather [hbm4b:s3+s26], $0x80, s1, s26, $0xb8;
	[tilespmem:$0x18C80] =	vst v63  }
0x75: {  	_ =	swait.ge [sflag:s5], $0x4000  }
0x76: {  	[sflag:s5] =	ssyncset.done $0x0  }
0x77: {  	s1 =	rddreg [dreg:$0x14];
	[sflag:s5] =	ssyncadd.s32 $0xFFFFC000  }
0x78: {  	[hbm4b:s1+s2] =	stream.linear.scatter [tilespmem:s16], [sflag:$0x6], $0x4000, $0x38;
	[tilespmem:$0x18C80] =	vst v63  }
0x79: {  	_ =	swait.ge [sflag:s7], $0x4000  }
0x7a: {  	[sflag:s7] =	ssyncset.done $0x0  }
0x7b: {  	s1 =	rddreg [dreg:$0x15];
	[sflag:s7] =	ssyncadd.s32 $0xFFFFC000  }
0x7c: {  	[tilespmem:s19], [sflag:$0x5] =	stream.indirect.gather [hbm4b:s3+s26], $0x80, s1, s26, $0xb8;
	[tilespmem:$0x18C80] =	vst v63  }
0x7d: {  	_ =	swait.ge [sflag:s12], $0x4000  }
0x7e: {  	[sflag:s12] =	ssyncset.done $0x0  }
0x7f: {  	s1 =	rddreg [dreg:$0x16];
	[sflag:s12] =	ssyncadd.s32 $0xFFFFC000  }
0x80: {  	[hbm4b:s1+s2] =	stream.linear.scatter [tilespmem:s8], [sflag:$0x1], $0x4000, $0x38;
	[tilespmem:$0x18C80] =	vst v63  }
0x81: {  	_ =	swait.ge [sflag:s5], $0x4000  }
0x82: {  	[sflag:s5] =	ssyncset.done $0x0  }
0x83: {  	s1 =	rddreg [dreg:$0x17];
	[sflag:s5] =	ssyncadd.s32 $0xFFFFC000  }
0x84: {  	[tilespmem:s16], [sflag:$0x6] =	stream.indirect.gather [hbm4b:s3+s26], $0x80, s1, s26, $0xb8;
	[tilespmem:$0x18C80] =	vst v63  }
0x85: {  	_ =	swait.ge [sflag:s15], $0x4000  }
0x86: {  	[sflag:s15] =	ssyncset.done $0x0  }
0x87: {  	s1 =	rddreg [dreg:$0x18];
	[sflag:s15] =	ssyncadd.s32 $0xFFFFC000  }
0x88: {  	[hbm4b:s1+s2] =	stream.linear.scatter [tilespmem:s29], [sflag:$0x2], $0x4000, $0x38;
	[tilespmem:$0x18C80] =	vst v63  }
0x89: {  	_ =	swait.ge [sflag:s12], $0x4000  }
0x8a: {  	[sflag:s12] =	ssyncset.done $0x0  }
0x8b: {  	s1 =	rddreg [dreg:$0x19];
	[sflag:s12] =	ssyncadd.s32 $0xFFFFC000  }
0x8c: {  	[tilespmem:s8], [sflag:$0x1] =	stream.indirect.gather [hbm4b:s3+s26], $0x80, s1, s26, $0xb8;
	[tilespmem:$0x18C80] =	vst v63  }
0x8d: {  	_ =	swait.ge [sflag:s13], $0x4000  }
0x8e: {  	[sflag:s13] =	ssyncset.done $0x0  }
0x8f: {  	s1 =	rddreg [dreg:$0x1a];
	[sflag:s13] =	ssyncadd.s32 $0xFFFFC000  }
0x90: {  	[hbm4b:s1+s2] =	stream.linear.scatter [tilespmem:s25], [sflag:$0x3], $0x4000, $0x38;
	[tilespmem:$0x18C80] =	vst v63  }
0x91: {  	_ =	swait.ge [sflag:s15], $0x4000  }
0x92: {  	[sflag:s15] =	ssyncset.done $0x0  }
0x93: {  	s1 =	rddreg [dreg:$0x1b];
	[sflag:s15] =	ssyncadd.s32 $0xFFFFC000  }
0x94: {  	[tilespmem:s29], [sflag:$0x2] =	stream.indirect.gather [hbm4b:s3+s26], $0x80, s1, s26, $0xb8;
	[tilespmem:$0x18C80] =	vst v63  }
0x95: {  	_ =	swait.ge [sflag:s9], $0x4000  }
0x96: {  	[sflag:s9] =	ssyncset.done $0x0  }
0x97: {  	s1 =	rddreg [dreg:$0x1c];
	[sflag:s9] =	ssyncadd.s32 $0xFFFFC000  }
0x98: {  	[hbm4b:s1+s2] =	stream.linear.scatter [tilespmem:s22], [sflag:$0x4], $0x4000, $0x38;
	[tilespmem:$0x18C80] =	vst v63  }
0x99: {  	_ =	swait.ge [sflag:s13], $0x4000  }
0x9a: {  	[sflag:s13] =	ssyncset.done $0x0  }
0x9b: {  	s1 =	rddreg [dreg:$0x1d];
	[sflag:s13] =	ssyncadd.s32 $0xFFFFC000  }
0x9c: {  	[tilespmem:s25], [sflag:$0x3] =	stream.indirect.gather [hbm4b:s3+s26], $0x80, s1, s26, $0xb8;
	[tilespmem:$0x18C80] =	vst v63  }
0x9d: {  	_ =	swait.ge [sflag:s7], $0x4000  }
0x9e: {  	[sflag:s7] =	ssyncset.done $0x0  }
0x9f: {  	s1 =	rddreg [dreg:$0x1e];
	[sflag:s7] =	ssyncadd.s32 $0xFFFFC000  }
0xa0: {  	[hbm4b:s1+s2] =	stream.linear.scatter [tilespmem:s19], [sflag:$0x5], $0x4000, $0x38;
	[tilespmem:$0x18C80] =	vst v63  }
0xa1: {  	_ =	swait.ge [sflag:s9], $0x4000  }
0xa2: {  	[sflag:s9] =	ssyncset.done $0x0  }
0xa3: {  	s1 =	rddreg [dreg:$0x1f];
	[sflag:s9] =	ssyncadd.s32 $0xFFFFC000  }
0xa4: {  	[tilespmem:s22], [sflag:$0x4] =	stream.indirect.gather [hbm4b:s3+s26], $0x80, s1, s26, $0xb8;
	[tilespmem:$0x18C80] =	vst v63  }
0xa5: {  	_ =	swait.ge [sflag:s5], $0x4000  }
0xa6: {  	s1 =	sld [smem:$0x7F4]  }
0xa7: {  	[sflag:s5] =	ssyncset.done $0x0  }
0xa8: {  	[sflag:s5] =	ssyncadd.s32 $0xFFFFC000  }
0xa9: {  	[hbm4b:s1+s2] =	stream.linear.scatter [tilespmem:s16], [sflag:$0x6], $0x4000, $0x38;
	[tilespmem:$0x18C80] =	vst v63  }
0xaa: {  	_ =	swait.ge [sflag:s7], $0x4000  }
0xab: {  	s1 =	sld [smem:$0x7F5]  }
0xac: {  	[sflag:s7] =	ssyncset.done $0x0  }
0xad: {  	[sflag:s7] =	ssyncadd.s32 $0xFFFFC000  }
0xae: {  	[tilespmem:s19], [sflag:$0x5] =	stream.indirect.gather [hbm4b:s3+s26], $0x80, s1, s26, $0xb8;
	[tilespmem:$0x18C80] =	vst v63  }
0xaf: {  	_ =	swait.ge [sflag:s12], $0x4000  }
0xb0: {  	s1 =	sld [smem:$0x7F6]  }
0xb1: {  	[sflag:s12] =	ssyncset.done $0x0  }
0xb2: {  	[sflag:s12] =	ssyncadd.s32 $0xFFFFC000  }
0xb3: {  	[hbm4b:s1+s2] =	stream.linear.scatter [tilespmem:s8], [sflag:$0x1], $0x4000, $0x38;
	[tilespmem:$0x18C80] =	vst v63  }
0xb4: {  	_ =	swait.ge [sflag:s5], $0x4000  }
0xb5: {  	s1 =	sld [smem:$0x7F7]  }
0xb6: {  	[sflag:s5] =	ssyncset.done $0x0  }
0xb7: {  	[sflag:s5] =	ssyncadd.s32 $0xFFFFC000  }
0xb8: {  	[tilespmem:s16], [sflag:$0x6] =	stream.indirect.gather [hbm4b:s3+s26], $0x80, s1, s26, $0xb8;
	[tilespmem:$0x18C80] =	vst v63  }
0xb9: {  	_ =	swait.ge [sflag:s15], $0x4000  }
0xba: {  	s1 =	sld [smem:$0x7F8]  }
0xbb: {  	[sflag:s15] =	ssyncset.done $0x0  }
0xbc: {  	[sflag:s15] =	ssyncadd.s32 $0xFFFFC000  }
0xbd: {  	[hbm4b:s1+s2] =	stream.linear.scatter [tilespmem:s29], [sflag:$0x2], $0x4000, $0x38;
	[tilespmem:$0x18C80] =	vst v63  }
0xbe: {  	_ =	swait.ge [sflag:s12], $0x4000  }
0xbf: {  	s1 =	sld [smem:$0x7F9]  }
0xc0: {  	[sflag:s12] =	ssyncset.done $0x0  }
0xc1: {  	[sflag:s12] =	ssyncadd.s32 $0xFFFFC000  }
0xc2: {  	[tilespmem:s8], [sflag:$0x1] =	stream.indirect.gather [hbm4b:s3+s26], $0x80, s1, s26, $0xb8;
	[tilespmem:$0x18C80] =	vst v63  }
0xc3: {  	_ =	swait.ge [sflag:s13], $0x4000  }
0xc4: {  	s1 =	sld [smem:$0x7FA]  }
0xc5: {  	[sflag:s13] =	ssyncset.done $0x0  }
0xc6: {  	[sflag:s13] =	ssyncadd.s32 $0xFFFFC000  }
0xc7: {  	[hbm4b:s1+s2] =	stream.linear.scatter [tilespmem:s25], [sflag:$0x3], $0x4000, $0x38;
	[tilespmem:$0x18C80] =	vst v63  }
0xc8: {  	_ =	swait.ge [sflag:s15], $0x4000  }
0xc9: {  	s1 =	sld [smem:$0x7FB]  }
0xca: {  	[sflag:s15] =	ssyncset.done $0x0  }
0xcb: {  	[sflag:s15] =	ssyncadd.s32 $0xFFFFC000  }
0xcc: {  	[tilespmem:s29], [sflag:$0x2] =	stream.indirect.gather [hbm4b:s3+s26], $0x80, s1, s26, $0xb8;
	[tilespmem:$0x18C80] =	vst v63  }
0xcd: {  	_ =	swait.ge [sflag:s9], $0x4000  }
0xce: {  	s1 =	sld [smem:$0x7FC]  }
0xcf: {  	[sflag:s9] =	ssyncset.done $0x0  }
0xd0: {  	[sflag:s9] =	ssyncadd.s32 $0xFFFFC000  }
0xd1: {  	[hbm4b:s1+s2] =	stream.linear.scatter [tilespmem:s22], [sflag:$0x4], $0x4000, $0x38;
	[tilespmem:$0x18C80] =	vst v63  }
0xd2: {  	_ =	swait.ge [sflag:s13], $0x4000  }
0xd3: {  	s1 =	sld [smem:$0x7FD]  }
0xd4: {  	[sflag:s13] =	ssyncset.done $0x0  }
0xd5: {  	[sflag:s13] =	ssyncadd.s32 $0xFFFFC000  }
0xd6: {  	[tilespmem:s25], [sflag:$0x3] =	stream.indirect.gather [hbm4b:s3+s26], $0x80, s1, s26, $0xb8;
	[tilespmem:$0x18C80] =	vst v63  }
0xd7: {  	_ =	swait.ge [sflag:s7], $0x4000  }
0xd8: {  	[sflag:s7] =	ssyncset.done $0x0  }
0xd9: {  	[sflag:s7] =	ssyncadd.s32 $0xFFFFC000  }
0xda: {  	[hbm4b:s28+s2] =	stream.linear.scatter [tilespmem:s19], [sflag:$0x5], $0x4000, $0x38;
	[tilespmem:$0x18C80] =	vst v63  }
0xdb: {  	_ =	swait.ge [sflag:s9], $0x4000  }
0xdc: {  	[sflag:s9] =	ssyncset.done $0x0  }
0xdd: {  	[sflag:s9] =	ssyncadd.s32 $0xFFFFC000  }
0xde: {  	[tilespmem:s22], [sflag:$0x4] =	stream.indirect.gather [hbm4b:s3+s26], $0x80, s23, s26, $0xb8;
	[tilespmem:$0x18C80] =	vst v63  }
0xdf: {  	_ =	swait.ge [sflag:s5], $0x4000  }
0xe0: {  	[sflag:s5] =	ssyncset.done $0x0  }
0xe1: {  	[sflag:s5] =	ssyncadd.s32 $0xFFFFC000  }
0xe2: {  	[hbm4b:s21+s2] =	stream.linear.scatter [tilespmem:s16], [sflag:$0x6], $0x4000, $0x38;
	[tilespmem:$0x18C80] =	vst v63  }
0xe3: {  	_ =	swait.ge [sflag:s7], $0x4000  }
0xe4: {  	[sflag:s7] =	ssyncset.done $0x0  }
0xe5: {  	[sflag:s7] =	ssyncadd.s32 $0xFFFFC000  }
0xe6: {  	[tilespmem:s19], [sflag:$0x5] =	stream.indirect.gather [hbm4b:s3+s26], $0x80, s24, s26, $0xb8;
	[tilespmem:$0x18C80] =	vst v63  }
0xe7: {  	_ =	swait.ge [sflag:s12], $0x4000  }
0xe8: {  	[sflag:s12] =	ssyncset.done $0x0  }
0xe9: {  	[sflag:s12] =	ssyncadd.s32 $0xFFFFC000  }
0xea: {  	[hbm4b:s20+s2] =	stream.linear.scatter [tilespmem:s8], [sflag:$0x1], $0x4000, $0x38;
	[tilespmem:$0x18C80] =	vst v63  }
0xeb: {  	_ =	swait.ge [sflag:s5], $0x4000  }
0xec: {  	[sflag:s5] =	ssyncset.done $0x0  }
0xed: {  	[sflag:s5] =	ssyncadd.s32 $0xFFFFC000  }
0xee: {  	[tilespmem:s16], [sflag:$0x6] =	stream.indirect.gather [hbm4b:s3+s26], $0x80, s17, s26, $0xb8;
	[tilespmem:$0x18C80] =	vst v63  }
0xef: {  	_ =	swait.ge [sflag:s15], $0x4000  }
0xf0: {  	[sflag:s15] =	ssyncset.done $0x0  }
0xf1: {  	[sflag:s15] =	ssyncadd.s32 $0xFFFFC000  }
0xf2: {  	[hbm4b:s18+s2] =	stream.linear.scatter [tilespmem:s29], [sflag:$0x2], $0x4000, $0x38;
	[tilespmem:$0x18C80] =	vst v63  }
0xf3: {  	_ =	swait.ge [sflag:s12], $0x4000  }
0xf4: {  	[sflag:s12] =	ssyncset.done $0x0  }
0xf5: {  	s1 =	simm.s32 $0xC00;
	[sflag:s12] =	ssyncadd.s32 $0xFFFFC000  }
0xf6: {  	[tilespmem:s8], [sflag:$0x1] =	stream.indirect.gather [hbm4b:s3+s26], $0x80, s1, s26, $0xb8;
	[tilespmem:$0x18C80] =	vst v63  }
0xf7: {  	_ =	swait.ge [sflag:s13], $0x4000  }
0xf8: {  	[sflag:s13] =	ssyncset.done $0x0  }
0xf9: {  	[sflag:s13] =	ssyncadd.s32 $0xFFFFC000  }
0xfa: {  	[hbm4b:s14+s2] =	stream.linear.scatter [tilespmem:s25], [sflag:$0x3], $0x4000, $0x38;
	[tilespmem:$0x18C80] =	vst v63  }
0xfb: {  	_ =	swait.ge [sflag:s9], $0x4000  }
0xfc: {  	[sflag:s9] =	ssyncset.done $0x0  }
0xfd: {  	[sflag:s9] =	ssyncadd.s32 $0xFFFFC000  }
0xfe: {  	[hbm4b:s10+s2] =	stream.linear.scatter [tilespmem:s22], [sflag:$0x4], $0x4000, $0x38;
	[tilespmem:$0x18C80] =	vst v63  }
0xff: {  	_ =	swait.ge [sflag:s7], $0x4000  }
0x100: {  	[sflag:s7] =	ssyncset.done $0x0  }
0x101: {  	[sflag:s7] =	ssyncadd.s32 $0xFFFFC000  }
0x102: {  	[hbm4b:s11+s2] =	stream.linear.scatter [tilespmem:s19], [sflag:$0x5], $0x4000, $0x38;
	[tilespmem:$0x18C80] =	vst v63  }
0x103: {  	_ =	swait.ge [sflag:s5], $0x4000  }
0x104: {  	[sflag:s5] =	ssyncset.done $0x0  }
0x105: {  	[sflag:s5] =	ssyncadd.s32 $0xFFFFC000  }
0x106: {  	[hbm4b:s6+s2] =	stream.linear.scatter [tilespmem:s16], [sflag:$0x6], $0x4000, $0x38;
	[tilespmem:$0x18C80] =	vst v63  }
0x107: {  	_ =	swait.ge [sflag:s12], $0x4000  }
0x108: {  	[sflag:s12] =	ssyncset.done $0x0  }
0x109: {  	[sflag:s12] =	ssyncadd.s32 $0xFFFFC000  }
0x10a: {  	[hbm4b:s4+s2] =	stream.linear.scatter [tilespmem:s8], [sflag:$0x1], $0x4000, $0x38;
	[tilespmem:$0x18C80] =	vst v63  }
0x10b: {  	_ =	swait.ge [sflag:s12], $0x4000  }
0x10c: {  	[sflag:s12] =	ssyncset.done $0x0  }
0x10d: {  	[sflag:s12] =	ssyncadd.s32 $0xFFFFC000  }
0x10e: {  	_ =	swait.ge [sflag:s15], $0x4000  }
0x10f: {  	[sflag:s15] =	ssyncset.done $0x0  }
0x110: {  	[sflag:s15] =	ssyncadd.s32 $0xFFFFC000  }
0x111: {  	_ =	swait.ge [sflag:s13], $0x4000  }
0x112: {  	[sflag:s13] =	ssyncset.done $0x0  }
0x113: {  	[sflag:s13] =	ssyncadd.s32 $0xFFFFC000  }
0x114: {  	_ =	swait.ge [sflag:s9], $0x4000  }
0x115: {  	[sflag:s9] =	ssyncset.done $0x0  }
0x116: {  	p1 =	sne.s32 s30, $0x1;
	[sflag:s9] =	ssyncadd.s32 $0xFFFFC000  }
.Ltmp1:
0x117: {  	_ =	swait.ge [sflag:s7], $0x4000;
	(pc) =	sbr.rel @!p1 .LBB2_3-.Ltmp1, $4  }
0x118: {  	[sflag:s7] =	ssyncset.done $0x0  }
0x119: {  	[sflag:s7] =	ssyncadd.s32 $0xFFFFC000  }
0x11a: {  	p0 =	por $0x1, $0x1;
	_ =	swait.ge [sflag:s5], $0x4000  }
0x11b: {  	s1 =	sadd.s32 $0xFFFFFFFF, s30;
	s0 =	rddreg [dreg:$0x4];
	[sflag:s5] =	ssyncset.done $0x0  }
.LBB2_4:
0x11c: {  	[sflag:s5] =	ssyncadd.s32 $0xFFFFC000  }
0x11d: {  	[tilespmem:s2], [sflag:$0x7] =	stream.linear.gather [hbm4b:s0+s2], $0xC80, $0x38;
	[tilespmem:$0x18C80] =	vst v63  }
0x11e: {  	_ =	swait.ge [sflag:s31], $0xC80  }
0x11f: {  	[sflag:s31] =	ssyncset.done $0x0  }
0x120: {  	s0 =	rddreg [dreg:$0x5];
	[sflag:s31] =	ssyncadd.s32 $0xFFFFF380  }
0x121: {  	[tilespmem:s8], [sflag:$0x1] =	stream.indirect.gather [hbm4b:s3+s26], $0x80, s0, s26, $0xb8;
	[tilespmem:$0x18C80] =	vst v63  }
0x122: {  	s30 =	rddreg [dreg:$0x6]  }
0x123: {  	[tilespmem:s29], [sflag:$0x2] =	stream.indirect.gather [hbm4b:s3+s26], $0x80, s30, s26, $0xb8;
	[tilespmem:$0x18C80] =	vst v63  }
0x124: {  	s0 =	rddreg [dreg:$0x7]  }
0x125: {  	[tilespmem:s25], [sflag:$0x3] =	stream.indirect.gather [hbm4b:s3+s26], $0x80, s0, s26, $0xb8;
	[tilespmem:$0x18C80] =	vst v63  }
0x126: {  	s30 =	rddreg [dreg:$0x8]  }
0x127: {  	[tilespmem:s22], [sflag:$0x4] =	stream.indirect.gather [hbm4b:s3+s26], $0x80, s30, s26, $0xb8;
	[tilespmem:$0x18C80] =	vst v63  }
0x128: {  	s0 =	rddreg [dreg:$0x9]  }
0x129: {  	[tilespmem:s19], [sflag:$0x5] =	stream.indirect.gather [hbm4b:s3+s26], $0x80, s0, s26, $0xb8;
	[tilespmem:$0x18C80] =	vst v63  }
0x12a: {  	_ =	swait.ge [sflag:s12], $0x4000  }
0x12b: {  	[sflag:s12] =	ssyncset.done $0x0  }
0x12c: {  	s0 =	rddreg [dreg:$0xa];
	[sflag:s12] =	ssyncadd.s32 $0xFFFFC000  }
0x12d: {  	[hbm4b:s0+s2] =	stream.linear.scatter [tilespmem:s8], [sflag:$0x1], $0x4000, $0x38;
	[tilespmem:$0x18C80] =	vst v63  }
0x12e: {  	s30 =	rddreg [dreg:$0xb]  }
0x12f: {  	[tilespmem:s16], [sflag:$0x6] =	stream.indirect.gather [hbm4b:s3+s26], $0x80, s30, s26, $0xb8;
	[tilespmem:$0x18C80] =	vst v63  }
0x130: {  	_ =	swait.ge [sflag:s15], $0x4000  }
0x131: {  	[sflag:s15] =	ssyncset.done $0x0  }
0x132: {  	s30 =	rddreg [dreg:$0xc];
	[sflag:s15] =	ssyncadd.s32 $0xFFFFC000  }
0x133: {  	[hbm4b:s30+s2] =	stream.linear.scatter [tilespmem:s29], [sflag:$0x2], $0x4000, $0x38;
	[tilespmem:$0x18C80] =	vst v63  }
0x134: {  	_ =	swait.ge [sflag:s12], $0x4000  }
0x135: {  	[sflag:s12] =	ssyncset.done $0x0  }
0x136: {  	s30 =	rddreg [dreg:$0xd];
	[sflag:s12] =	ssyncadd.s32 $0xFFFFC000  }
0x137: {  	[tilespmem:s8], [sflag:$0x1] =	stream.indirect.gather [hbm4b:s3+s26], $0x80, s30, s26, $0xb8;
	[tilespmem:$0x18C80] =	vst v63  }
0x138: {  	_ =	swait.ge [sflag:s13], $0x4000  }
0x139: {  	[sflag:s13] =	ssyncset.done $0x0  }
0x13a: {  	s30 =	rddreg [dreg:$0xe];
	[sflag:s13] =	ssyncadd.s32 $0xFFFFC000  }
0x13b: {  	[hbm4b:s30+s2] =	stream.linear.scatter [tilespmem:s25], [sflag:$0x3], $0x4000, $0x38;
	[tilespmem:$0x18C80] =	vst v63  }
0x13c: {  	_ =	swait.ge [sflag:s15], $0x4000  }
0x13d: {  	[sflag:s15] =	ssyncset.done $0x0  }
0x13e: {  	s30 =	rddreg [dreg:$0xf];
	[sflag:s15] =	ssyncadd.s32 $0xFFFFC000  }
0x13f: {  	[tilespmem:s29], [sflag:$0x2] =	stream.indirect.gather [hbm4b:s3+s26], $0x80, s30, s26, $0xb8;
	[tilespmem:$0x18C80] =	vst v63  }
0x140: {  	_ =	swait.ge [sflag:s9], $0x4000  }
0x141: {  	[sflag:s9] =	ssyncset.done $0x0  }
0x142: {  	s30 =	rddreg [dreg:$0x10];
	[sflag:s9] =	ssyncadd.s32 $0xFFFFC000  }
0x143: {  	[hbm4b:s30+s2] =	stream.linear.scatter [tilespmem:s22], [sflag:$0x4], $0x4000, $0x38;
	[tilespmem:$0x18C80] =	vst v63  }
0x144: {  	_ =	swait.ge [sflag:s13], $0x4000  }
0x145: {  	[sflag:s13] =	ssyncset.done $0x0  }
0x146: {  	s30 =	rddreg [dreg:$0x11];
	[sflag:s13] =	ssyncadd.s32 $0xFFFFC000  }
0x147: {  	[tilespmem:s25], [sflag:$0x3] =	stream.indirect.gather [hbm4b:s3+s26], $0x80, s30, s26, $0xb8;
	[tilespmem:$0x18C80] =	vst v63  }
0x148: {  	_ =	swait.ge [sflag:s7], $0x4000  }
0x149: {  	[sflag:s7] =	ssyncset.done $0x0  }
0x14a: {  	s30 =	rddreg [dreg:$0x12];
	[sflag:s7] =	ssyncadd.s32 $0xFFFFC000  }
0x14b: {  	[hbm4b:s30+s2] =	stream.linear.scatter [tilespmem:s19], [sflag:$0x5], $0x4000, $0x38;
	[tilespmem:$0x18C80] =	vst v63  }
0x14c: {  	_ =	swait.ge [sflag:s9], $0x4000  }
0x14d: {  	[sflag:s9] =	ssyncset.done $0x0  }
0x14e: {  	s30 =	rddreg [dreg:$0x13];
	[sflag:s9] =	ssyncadd.s32 $0xFFFFC000  }
0x14f: {  	[tilespmem:s22], [sflag:$0x4] =	stream.indirect.gather [hbm4b:s3+s26], $0x80, s30, s26, $0xb8;
	[tilespmem:$0x18C80] =	vst v63  }
0x150: {  	_ =	swait.ge [sflag:s5], $0x4000  }
0x151: {  	[sflag:s5] =	ssyncset.done $0x0  }
0x152: {  	s30 =	rddreg [dreg:$0x14];
	[sflag:s5] =	ssyncadd.s32 $0xFFFFC000  }
0x153: {  	[hbm4b:s30+s2] =	stream.linear.scatter [tilespmem:s16], [sflag:$0x6], $0x4000, $0x38;
	[tilespmem:$0x18C80] =	vst v63  }
0x154: {  	_ =	swait.ge [sflag:s7], $0x4000  }
0x155: {  	[sflag:s7] =	ssyncset.done $0x0  }
0x156: {  	s30 =	rddreg [dreg:$0x15];
	[sflag:s7] =	ssyncadd.s32 $0xFFFFC000  }
0x157: {  	[tilespmem:s19], [sflag:$0x5] =	stream.indirect.gather [hbm4b:s3+s26], $0x80, s30, s26, $0xb8;
	[tilespmem:$0x18C80] =	vst v63  }
0x158: {  	_ =	swait.ge [sflag:s12], $0x4000  }
0x159: {  	[sflag:s12] =	ssyncset.done $0x0  }
0x15a: {  	s30 =	rddreg [dreg:$0x16];
	[sflag:s12] =	ssyncadd.s32 $0xFFFFC000  }
0x15b: {  	[hbm4b:s30+s2] =	stream.linear.scatter [tilespmem:s8], [sflag:$0x1], $0x4000, $0x38;
	[tilespmem:$0x18C80] =	vst v63  }
0x15c: {  	_ =	swait.ge [sflag:s5], $0x4000  }
0x15d: {  	[sflag:s5] =	ssyncset.done $0x0  }
0x15e: {  	s30 =	rddreg [dreg:$0x17];
	[sflag:s5] =	ssyncadd.s32 $0xFFFFC000  }
0x15f: {  	[tilespmem:s16], [sflag:$0x6] =	stream.indirect.gather [hbm4b:s3+s26], $0x80, s30, s26, $0xb8;
	[tilespmem:$0x18C80] =	vst v63  }
0x160: {  	_ =	swait.ge [sflag:s15], $0x4000  }
0x161: {  	[sflag:s15] =	ssyncset.done $0x0  }
0x162: {  	s30 =	rddreg [dreg:$0x18];
	[sflag:s15] =	ssyncadd.s32 $0xFFFFC000  }
0x163: {  	[hbm4b:s30+s2] =	stream.linear.scatter [tilespmem:s29], [sflag:$0x2], $0x4000, $0x38;
	[tilespmem:$0x18C80] =	vst v63  }
0x164: {  	_ =	swait.ge [sflag:s12], $0x4000  }
0x165: {  	[sflag:s12] =	ssyncset.done $0x0  }
0x166: {  	s30 =	rddreg [dreg:$0x19];
	[sflag:s12] =	ssyncadd.s32 $0xFFFFC000  }
0x167: {  	[tilespmem:s8], [sflag:$0x1] =	stream.indirect.gather [hbm4b:s3+s26], $0x80, s30, s26, $0xb8;
	[tilespmem:$0x18C80] =	vst v63  }
0x168: {  	_ =	swait.ge [sflag:s13], $0x4000  }
0x169: {  	[sflag:s13] =	ssyncset.done $0x0  }
0x16a: {  	s30 =	rddreg [dreg:$0x1a];
	[sflag:s13] =	ssyncadd.s32 $0xFFFFC000  }
0x16b: {  	[hbm4b:s30+s2] =	stream.linear.scatter [tilespmem:s25], [sflag:$0x3], $0x4000, $0x38;
	[tilespmem:$0x18C80] =	vst v63  }
0x16c: {  	_ =	swait.ge [sflag:s15], $0x4000  }
0x16d: {  	[sflag:s15] =	ssyncset.done $0x0  }
0x16e: {  	s30 =	rddreg [dreg:$0x1b];
	[sflag:s15] =	ssyncadd.s32 $0xFFFFC000  }
0x16f: {  	[tilespmem:s29], [sflag:$0x2] =	stream.indirect.gather [hbm4b:s3+s26], $0x80, s30, s26, $0xb8;
	[tilespmem:$0x18C80] =	vst v63  }
0x170: {  	_ =	swait.ge [sflag:s9], $0x4000  }
0x171: {  	[sflag:s9] =	ssyncset.done $0x0  }
0x172: {  	s30 =	rddreg [dreg:$0x1c];
	[sflag:s9] =	ssyncadd.s32 $0xFFFFC000  }
0x173: {  	[hbm4b:s30+s2] =	stream.linear.scatter [tilespmem:s22], [sflag:$0x4], $0x4000, $0x38;
	[tilespmem:$0x18C80] =	vst v63  }
0x174: {  	_ =	swait.ge [sflag:s13], $0x4000  }
0x175: {  	[sflag:s13] =	ssyncset.done $0x0  }
0x176: {  	s30 =	rddreg [dreg:$0x1d];
	[sflag:s13] =	ssyncadd.s32 $0xFFFFC000  }
0x177: {  	[tilespmem:s25], [sflag:$0x3] =	stream.indirect.gather [hbm4b:s3+s26], $0x80, s30, s26, $0xb8;
	[tilespmem:$0x18C80] =	vst v63  }
0x178: {  	_ =	swait.ge [sflag:s7], $0x4000  }
0x179: {  	[sflag:s7] =	ssyncset.done $0x0  }
0x17a: {  	s30 =	rddreg [dreg:$0x1e];
	[sflag:s7] =	ssyncadd.s32 $0xFFFFC000  }
0x17b: {  	[hbm4b:s30+s2] =	stream.linear.scatter [tilespmem:s19], [sflag:$0x5], $0x4000, $0x38;
	[tilespmem:$0x18C80] =	vst v63  }
0x17c: {  	_ =	swait.ge [sflag:s9], $0x4000  }
0x17d: {  	[sflag:s9] =	ssyncset.done $0x0  }
0x17e: {  	s30 =	rddreg [dreg:$0x1f];
	[sflag:s9] =	ssyncadd.s32 $0xFFFFC000  }
0x17f: {  	[tilespmem:s22], [sflag:$0x4] =	stream.indirect.gather [hbm4b:s3+s26], $0x80, s30, s26, $0xb8;
	[tilespmem:$0x18C80] =	vst v63  }
0x180: {  	_ =	swait.ge [sflag:s5], $0x4000  }
0x181: {  	s30 =	sld [smem:$0x7F4]  }
0x182: {  	[sflag:s5] =	ssyncset.done $0x0  }
0x183: {  	[sflag:s5] =	ssyncadd.s32 $0xFFFFC000  }
0x184: {  	[hbm4b:s30+s2] =	stream.linear.scatter [tilespmem:s16], [sflag:$0x6], $0x4000, $0x38;
	[tilespmem:$0x18C80] =	vst v63  }
0x185: {  	_ =	swait.ge [sflag:s7], $0x4000  }
0x186: {  	s30 =	sld [smem:$0x7F5]  }
0x187: {  	[sflag:s7] =	ssyncset.done $0x0  }
0x188: {  	[sflag:s7] =	ssyncadd.s32 $0xFFFFC000  }
0x189: {  	[tilespmem:s19], [sflag:$0x5] =	stream.indirect.gather [hbm4b:s3+s26], $0x80, s30, s26, $0xb8;
	[tilespmem:$0x18C80] =	vst v63  }
0x18a: {  	_ =	swait.ge [sflag:s12], $0x4000  }
0x18b: {  	s30 =	sld [smem:$0x7F6]  }
0x18c: {  	[sflag:s12] =	ssyncset.done $0x0  }
0x18d: {  	[sflag:s12] =	ssyncadd.s32 $0xFFFFC000  }
0x18e: {  	[hbm4b:s30+s2] =	stream.linear.scatter [tilespmem:s8], [sflag:$0x1], $0x4000, $0x38;
	[tilespmem:$0x18C80] =	vst v63  }
0x18f: {  	_ =	swait.ge [sflag:s5], $0x4000  }
0x190: {  	s30 =	sld [smem:$0x7F7]  }
0x191: {  	[sflag:s5] =	ssyncset.done $0x0  }
0x192: {  	[sflag:s5] =	ssyncadd.s32 $0xFFFFC000  }
0x193: {  	[tilespmem:s16], [sflag:$0x6] =	stream.indirect.gather [hbm4b:s3+s26], $0x80, s30, s26, $0xb8;
	[tilespmem:$0x18C80] =	vst v63  }
0x194: {  	_ =	swait.ge [sflag:s15], $0x4000  }
0x195: {  	s30 =	sld [smem:$0x7F8]  }
0x196: {  	[sflag:s15] =	ssyncset.done $0x0  }
0x197: {  	[sflag:s15] =	ssyncadd.s32 $0xFFFFC000  }
0x198: {  	[hbm4b:s30+s2] =	stream.linear.scatter [tilespmem:s29], [sflag:$0x2], $0x4000, $0x38;
	[tilespmem:$0x18C80] =	vst v63  }
0x199: {  	_ =	swait.ge [sflag:s12], $0x4000  }
0x19a: {  	s30 =	sld [smem:$0x7F9]  }
0x19b: {  	[sflag:s12] =	ssyncset.done $0x0  }
0x19c: {  	[sflag:s12] =	ssyncadd.s32 $0xFFFFC000  }
0x19d: {  	[tilespmem:s8], [sflag:$0x1] =	stream.indirect.gather [hbm4b:s3+s26], $0x80, s30, s26, $0xb8;
	[tilespmem:$0x18C80] =	vst v63  }
0x19e: {  	_ =	swait.ge [sflag:s13], $0x4000  }
0x19f: {  	s30 =	sld [smem:$0x7FA]  }
0x1a0: {  	[sflag:s13] =	ssyncset.done $0x0  }
0x1a1: {  	[sflag:s13] =	ssyncadd.s32 $0xFFFFC000  }
0x1a2: {  	[hbm4b:s30+s2] =	stream.linear.scatter [tilespmem:s25], [sflag:$0x3], $0x4000, $0x38;
	[tilespmem:$0x18C80] =	vst v63  }
0x1a3: {  	_ =	swait.ge [sflag:s15], $0x4000  }
0x1a4: {  	s30 =	sld [smem:$0x7FB]  }
0x1a5: {  	[sflag:s15] =	ssyncset.done $0x0  }
0x1a6: {  	[sflag:s15] =	ssyncadd.s32 $0xFFFFC000  }
0x1a7: {  	[tilespmem:s29], [sflag:$0x2] =	stream.indirect.gather [hbm4b:s3+s26], $0x80, s30, s26, $0xb8;
	[tilespmem:$0x18C80] =	vst v63  }
0x1a8: {  	_ =	swait.ge [sflag:s9], $0x4000  }
0x1a9: {  	s30 =	sld [smem:$0x7FC]  }
0x1aa: {  	[sflag:s9] =	ssyncset.done $0x0  }
0x1ab: {  	[sflag:s9] =	ssyncadd.s32 $0xFFFFC000  }
0x1ac: {  	[hbm4b:s30+s2] =	stream.linear.scatter [tilespmem:s22], [sflag:$0x4], $0x4000, $0x38;
	[tilespmem:$0x18C80] =	vst v63  }
0x1ad: {  	_ =	swait.ge [sflag:s13], $0x4000  }
0x1ae: {  	s30 =	sld [smem:$0x7FD]  }
0x1af: {  	[sflag:s13] =	ssyncset.done $0x0  }
0x1b0: {  	[sflag:s13] =	ssyncadd.s32 $0xFFFFC000  }
0x1b1: {  	[tilespmem:s25], [sflag:$0x3] =	stream.indirect.gather [hbm4b:s3+s26], $0x80, s30, s26, $0xb8;
	[tilespmem:$0x18C80] =	vst v63  }
0x1b2: {  	_ =	swait.ge [sflag:s7], $0x4000  }
0x1b3: {  	[sflag:s7] =	ssyncset.done $0x0  }
0x1b4: {  	[sflag:s7] =	ssyncadd.s32 $0xFFFFC000  }
0x1b5: {  	[hbm4b:s28+s2] =	stream.linear.scatter [tilespmem:s19], [sflag:$0x5], $0x4000, $0x38;
	[tilespmem:$0x18C80] =	vst v63  }
0x1b6: {  	_ =	swait.ge [sflag:s9], $0x4000  }
0x1b7: {  	[sflag:s9] =	ssyncset.done $0x0  }
0x1b8: {  	[sflag:s9] =	ssyncadd.s32 $0xFFFFC000  }
0x1b9: {  	[tilespmem:s22], [sflag:$0x4] =	stream.indirect.gather [hbm4b:s3+s26], $0x80, s23, s26, $0xb8;
	[tilespmem:$0x18C80] =	vst v63  }
0x1ba: {  	_ =	swait.ge [sflag:s5], $0x4000  }
0x1bb: {  	[sflag:s5] =	ssyncset.done $0x0  }
0x1bc: {  	[sflag:s5] =	ssyncadd.s32 $0xFFFFC000  }
0x1bd: {  	[hbm4b:s21+s2] =	stream.linear.scatter [tilespmem:s16], [sflag:$0x6], $0x4000, $0x38;
	[tilespmem:$0x18C80] =	vst v63  }
0x1be: {  	_ =	swait.ge [sflag:s7], $0x4000  }
0x1bf: {  	[sflag:s7] =	ssyncset.done $0x0  }
0x1c0: {  	[sflag:s7] =	ssyncadd.s32 $0xFFFFC000  }
0x1c1: {  	[tilespmem:s19], [sflag:$0x5] =	stream.indirect.gather [hbm4b:s3+s26], $0x80, s24, s26, $0xb8;
	[tilespmem:$0x18C80] =	vst v63  }
0x1c2: {  	_ =	swait.ge [sflag:s12], $0x4000  }
0x1c3: {  	[sflag:s12] =	ssyncset.done $0x0  }
0x1c4: {  	[sflag:s12] =	ssyncadd.s32 $0xFFFFC000  }
0x1c5: {  	[hbm4b:s20+s2] =	stream.linear.scatter [tilespmem:s8], [sflag:$0x1], $0x4000, $0x38;
	[tilespmem:$0x18C80] =	vst v63  }
0x1c6: {  	_ =	swait.ge [sflag:s5], $0x4000  }
0x1c7: {  	[sflag:s5] =	ssyncset.done $0x0  }
0x1c8: {  	[sflag:s5] =	ssyncadd.s32 $0xFFFFC000  }
0x1c9: {  	[tilespmem:s16], [sflag:$0x6] =	stream.indirect.gather [hbm4b:s3+s26], $0x80, s17, s26, $0xb8;
	[tilespmem:$0x18C80] =	vst v63  }
0x1ca: {  	_ =	swait.ge [sflag:s15], $0x4000  }
0x1cb: {  	[sflag:s15] =	ssyncset.done $0x0  }
0x1cc: {  	[sflag:s15] =	ssyncadd.s32 $0xFFFFC000  }
0x1cd: {  	[hbm4b:s18+s2] =	stream.linear.scatter [tilespmem:s29], [sflag:$0x2], $0x4000, $0x38;
	[tilespmem:$0x18C80] =	vst v63  }
0x1ce: {  	_ =	swait.ge [sflag:s12], $0x4000  }
0x1cf: {  	[sflag:s12] =	ssyncset.done $0x0  }
0x1d0: {  	s30 =	simm.s32 $0xC00;
	[sflag:s12] =	ssyncadd.s32 $0xFFFFC000  }
0x1d1: {  	[tilespmem:s8], [sflag:$0x1] =	stream.indirect.gather [hbm4b:s3+s26], $0x80, s30, s26, $0xb8;
	[tilespmem:$0x18C80] =	vst v63  }
0x1d2: {  	_ =	swait.ge [sflag:s13], $0x4000  }
0x1d3: {  	[sflag:s13] =	ssyncset.done $0x0  }
0x1d4: {  	[sflag:s13] =	ssyncadd.s32 $0xFFFFC000  }
0x1d5: {  	[hbm4b:s14+s2] =	stream.linear.scatter [tilespmem:s25], [sflag:$0x3], $0x4000, $0x38;
	[tilespmem:$0x18C80] =	vst v63  }
0x1d6: {  	_ =	swait.ge [sflag:s9], $0x4000  }
0x1d7: {  	[sflag:s9] =	ssyncset.done $0x0  }
0x1d8: {  	[sflag:s9] =	ssyncadd.s32 $0xFFFFC000  }
0x1d9: {  	[hbm4b:s10+s2] =	stream.linear.scatter [tilespmem:s22], [sflag:$0x4], $0x4000, $0x38;
	[tilespmem:$0x18C80] =	vst v63  }
0x1da: {  	_ =	swait.ge [sflag:s7], $0x4000  }
0x1db: {  	[sflag:s7] =	ssyncset.done $0x0  }
0x1dc: {  	[sflag:s7] =	ssyncadd.s32 $0xFFFFC000  }
0x1dd: {  	[hbm4b:s11+s2] =	stream.linear.scatter [tilespmem:s19], [sflag:$0x5], $0x4000, $0x38;
	[tilespmem:$0x18C80] =	vst v63  }
0x1de: {  	_ =	swait.ge [sflag:s5], $0x4000  }
0x1df: {  	[sflag:s5] =	ssyncset.done $0x0  }
0x1e0: {  	[sflag:s5] =	ssyncadd.s32 $0xFFFFC000  }
0x1e1: {  	[hbm4b:s6+s2] =	stream.linear.scatter [tilespmem:s16], [sflag:$0x6], $0x4000, $0x38;
	[tilespmem:$0x18C80] =	vst v63  }
0x1e2: {  	_ =	swait.ge [sflag:s12], $0x4000  }
0x1e3: {  	[sflag:s12] =	ssyncset.done $0x0  }
0x1e4: {  	[sflag:s12] =	ssyncadd.s32 $0xFFFFC000  }
0x1e5: {  	[hbm4b:s4+s2] =	stream.linear.scatter [tilespmem:s8], [sflag:$0x1], $0x4000, $0x38;
	[tilespmem:$0x18C80] =	vst v63  }
0x1e6: {  	_ =	swait.ge [sflag:s12], $0x4000  }
0x1e7: {  	[sflag:s12] =	ssyncset.done $0x0  }
0x1e8: {  	[sflag:s12] =	ssyncadd.s32 $0xFFFFC000  }
0x1e9: {  	_ =	swait.ge [sflag:s15], $0x4000  }
0x1ea: {  	[sflag:s15] =	ssyncset.done $0x0  }
0x1eb: {  	[sflag:s15] =	ssyncadd.s32 $0xFFFFC000  }
0x1ec: {  	_ =	swait.ge [sflag:s13], $0x4000  }
0x1ed: {  	[sflag:s13] =	ssyncset.done $0x0  }
0x1ee: {  	[sflag:s13] =	ssyncadd.s32 $0xFFFFC000  }
0x1ef: {  	_ =	swait.ge [sflag:s9], $0x4000  }
0x1f0: {  	[sflag:s9] =	ssyncset.done $0x0  }
0x1f1: {  	p1 =	sne.s32 s1, $0x1;
	[sflag:s9] =	ssyncadd.s32 $0xFFFFC000  }
.Ltmp2:
0x1f2: {  	_ =	swait.ge [sflag:s7], $0x4000;
	(pc) =	sbr.rel @p1 .LBB2_4-.Ltmp2, $4  }
0x1f3: {  	[sflag:s7] =	ssyncset.done $0x0  }
0x1f4: {  	[sflag:s7] =	ssyncadd.s32 $0xFFFFC000  }
0x1f5: {  	_ =	swait.ge [sflag:s5], $0x4000  }
0x1f6: {  	s1 =	sadd.s32 $0xFFFFFFFF, s1;
	s0 =	rddreg [dreg:$0x4];
	[sflag:s5] =	ssyncset.done $0x0  }
0x1f7: {  	s30 =	simm.s32 $0xC00  }
.LBB2_6:
0x1f8: {  	[sflag:s5] =	ssyncadd.s32 @p0 $0xFFFFC000  }
0x1f9: {  	[tilespmem:s2], [sflag:$0x7] =	stream.linear.gather [hbm4b:s0+s2], $0xC80, $0x38;
	[tilespmem:$0x18C80] =	vst v63  }
0x1fa: {  	_ =	swait.ge [sflag:s31], $0xC80  }
0x1fb: {  	[sflag:s31] =	ssyncset.done $0x0  }
0x1fc: {  	s0 =	rddreg [dreg:$0x5];
	[sflag:s31] =	ssyncadd.s32 $0xFFFFF380  }
0x1fd: {  	[tilespmem:s8], [sflag:$0x1] =	stream.indirect.gather [hbm4b:s3+s26], $0x80, s0, s26, $0xb8;
	[tilespmem:$0x18C80] =	vst v63  }
0x1fe: {  	s1 =	rddreg [dreg:$0x6]  }
0x1ff: {  	[tilespmem:s29], [sflag:$0x2] =	stream.indirect.gather [hbm4b:s3+s26], $0x80, s1, s26, $0xb8;
	[tilespmem:$0x18C80] =	vst v63  }
0x200: {  	s31 =	rddreg [dreg:$0x7]  }
0x201: {  	[tilespmem:s25], [sflag:$0x3] =	stream.indirect.gather [hbm4b:s3+s26], $0x80, s31, s26, $0xb8;
	[tilespmem:$0x18C80] =	vst v63  }
0x202: {  	s1 =	rddreg [dreg:$0x8]  }
0x203: {  	[tilespmem:s22], [sflag:$0x4] =	stream.indirect.gather [hbm4b:s3+s26], $0x80, s1, s26, $0xb8;
	[tilespmem:$0x18C80] =	vst v63  }
0x204: {  	s31 =	rddreg [dreg:$0x9]  }
0x205: {  	[tilespmem:s19], [sflag:$0x5] =	stream.indirect.gather [hbm4b:s3+s26], $0x80, s31, s26, $0xb8;
	[tilespmem:$0x18C80] =	vst v63  }
0x206: {  	_ =	swait.ge [sflag:s12], $0x4000  }
0x207: {  	[sflag:s12] =	ssyncset.done $0x0  }
0x208: {  	s1 =	rddreg [dreg:$0xa];
	[sflag:s12] =	ssyncadd.s32 $0xFFFFC000  }
0x209: {  	[hbm4b:s1+s2] =	stream.linear.scatter [tilespmem:s8], [sflag:$0x1], $0x4000, $0x38;
	[tilespmem:$0x18C80] =	vst v63  }
0x20a: {  	s31 =	rddreg [dreg:$0xb]  }
0x20b: {  	[tilespmem:s16], [sflag:$0x6] =	stream.indirect.gather [hbm4b:s3+s26], $0x80, s31, s26, $0xb8;
	[tilespmem:$0x18C80] =	vst v63  }
0x20c: {  	_ =	swait.ge [sflag:s15], $0x4000  }
0x20d: {  	[sflag:s15] =	ssyncset.done $0x0  }
0x20e: {  	s31 =	rddreg [dreg:$0xc];
	[sflag:s15] =	ssyncadd.s32 $0xFFFFC000  }
0x20f: {  	[hbm4b:s31+s2] =	stream.linear.scatter [tilespmem:s29], [sflag:$0x2], $0x4000, $0x38;
	[tilespmem:$0x18C80] =	vst v63  }
0x210: {  	_ =	swait.ge [sflag:s12], $0x4000  }
0x211: {  	[sflag:s12] =	ssyncset.done $0x0  }
0x212: {  	s1 =	rddreg [dreg:$0xd];
	[sflag:s12] =	ssyncadd.s32 $0xFFFFC000  }
0x213: {  	[tilespmem:s8], [sflag:$0x1] =	stream.indirect.gather [hbm4b:s3+s26], $0x80, s1, s26, $0xb8;
	[tilespmem:$0x18C80] =	vst v63  }
0x214: {  	_ =	swait.ge [sflag:s13], $0x4000  }
0x215: {  	[sflag:s13] =	ssyncset.done $0x0  }
0x216: {  	s31 =	rddreg [dreg:$0xe];
	[sflag:s13] =	ssyncadd.s32 $0xFFFFC000  }
0x217: {  	[hbm4b:s31+s2] =	stream.linear.scatter [tilespmem:s25], [sflag:$0x3], $0x4000, $0x38;
	[tilespmem:$0x18C80] =	vst v63  }
0x218: {  	_ =	swait.ge [sflag:s15], $0x4000  }
0x219: {  	[sflag:s15] =	ssyncset.done $0x0  }
0x21a: {  	s1 =	rddreg [dreg:$0xf];
	[sflag:s15] =	ssyncadd.s32 $0xFFFFC000  }
0x21b: {  	[tilespmem:s29], [sflag:$0x2] =	stream.indirect.gather [hbm4b:s3+s26], $0x80, s1, s26, $0xb8;
	[tilespmem:$0x18C80] =	vst v63  }
0x21c: {  	_ =	swait.ge [sflag:s9], $0x4000  }
0x21d: {  	[sflag:s9] =	ssyncset.done $0x0  }
0x21e: {  	s31 =	rddreg [dreg:$0x10];
	[sflag:s9] =	ssyncadd.s32 $0xFFFFC000  }
0x21f: {  	[hbm4b:s31+s2] =	stream.linear.scatter [tilespmem:s22], [sflag:$0x4], $0x4000, $0x38;
	[tilespmem:$0x18C80] =	vst v63  }
0x220: {  	_ =	swait.ge [sflag:s13], $0x4000  }
0x221: {  	[sflag:s13] =	ssyncset.done $0x0  }
0x222: {  	s1 =	rddreg [dreg:$0x11];
	[sflag:s13] =	ssyncadd.s32 $0xFFFFC000  }
0x223: {  	[tilespmem:s25], [sflag:$0x3] =	stream.indirect.gather [hbm4b:s3+s26], $0x80, s1, s26, $0xb8;
	[tilespmem:$0x18C80] =	vst v63  }
0x224: {  	_ =	swait.ge [sflag:s7], $0x4000  }
0x225: {  	[sflag:s7] =	ssyncset.done $0x0  }
0x226: {  	s31 =	rddreg [dreg:$0x12];
	[sflag:s7] =	ssyncadd.s32 $0xFFFFC000  }
0x227: {  	[hbm4b:s31+s2] =	stream.linear.scatter [tilespmem:s19], [sflag:$0x5], $0x4000, $0x38;
	[tilespmem:$0x18C80] =	vst v63  }
0x228: {  	_ =	swait.ge [sflag:s9], $0x4000  }
0x229: {  	[sflag:s9] =	ssyncset.done $0x0  }
0x22a: {  	s1 =	rddreg [dreg:$0x13];
	[sflag:s9] =	ssyncadd.s32 $0xFFFFC000  }
0x22b: {  	[tilespmem:s22], [sflag:$0x4] =	stream.indirect.gather [hbm4b:s3+s26], $0x80, s1, s26, $0xb8;
	[tilespmem:$0x18C80] =	vst v63  }
0x22c: {  	_ =	swait.ge [sflag:s5], $0x4000  }
0x22d: {  	[sflag:s5] =	ssyncset.done $0x0  }
0x22e: {  	s31 =	rddreg [dreg:$0x14];
	[sflag:s5] =	ssyncadd.s32 $0xFFFFC000  }
0x22f: {  	[hbm4b:s31+s2] =	stream.linear.scatter [tilespmem:s16], [sflag:$0x6], $0x4000, $0x38;
	[tilespmem:$0x18C80] =	vst v63  }
0x230: {  	_ =	swait.ge [sflag:s7], $0x4000  }
0x231: {  	[sflag:s7] =	ssyncset.done $0x0  }
0x232: {  	s1 =	rddreg [dreg:$0x15];
	[sflag:s7] =	ssyncadd.s32 $0xFFFFC000  }
0x233: {  	[tilespmem:s19], [sflag:$0x5] =	stream.indirect.gather [hbm4b:s3+s26], $0x80, s1, s26, $0xb8;
	[tilespmem:$0x18C80] =	vst v63  }
0x234: {  	_ =	swait.ge [sflag:s12], $0x4000  }
0x235: {  	[sflag:s12] =	ssyncset.done $0x0  }
0x236: {  	s31 =	rddreg [dreg:$0x16];
	[sflag:s12] =	ssyncadd.s32 $0xFFFFC000  }
0x237: {  	[hbm4b:s31+s2] =	stream.linear.scatter [tilespmem:s8], [sflag:$0x1], $0x4000, $0x38;
	[tilespmem:$0x18C80] =	vst v63  }
0x238: {  	_ =	swait.ge [sflag:s5], $0x4000  }
0x239: {  	[sflag:s5] =	ssyncset.done $0x0  }
0x23a: {  	s1 =	rddreg [dreg:$0x17];
	[sflag:s5] =	ssyncadd.s32 $0xFFFFC000  }
0x23b: {  	[tilespmem:s16], [sflag:$0x6] =	stream.indirect.gather [hbm4b:s3+s26], $0x80, s1, s26, $0xb8;
	[tilespmem:$0x18C80] =	vst v63  }
0x23c: {  	_ =	swait.ge [sflag:s15], $0x4000  }
0x23d: {  	[sflag:s15] =	ssyncset.done $0x0  }
0x23e: {  	s31 =	rddreg [dreg:$0x18];
	[sflag:s15] =	ssyncadd.s32 $0xFFFFC000  }
0x23f: {  	[hbm4b:s31+s2] =	stream.linear.scatter [tilespmem:s29], [sflag:$0x2], $0x4000, $0x38;
	[tilespmem:$0x18C80] =	vst v63  }
0x240: {  	_ =	swait.ge [sflag:s12], $0x4000  }
0x241: {  	[sflag:s12] =	ssyncset.done $0x0  }
0x242: {  	s1 =	rddreg [dreg:$0x19];
	[sflag:s12] =	ssyncadd.s32 $0xFFFFC000  }
0x243: {  	[tilespmem:s8], [sflag:$0x1] =	stream.indirect.gather [hbm4b:s3+s26], $0x80, s1, s26, $0xb8;
	[tilespmem:$0x18C80] =	vst v63  }
0x244: {  	_ =	swait.ge [sflag:s13], $0x4000  }
0x245: {  	[sflag:s13] =	ssyncset.done $0x0  }
0x246: {  	s31 =	rddreg [dreg:$0x1a];
	[sflag:s13] =	ssyncadd.s32 $0xFFFFC000  }
0x247: {  	[hbm4b:s31+s2] =	stream.linear.scatter [tilespmem:s25], [sflag:$0x3], $0x4000, $0x38;
	[tilespmem:$0x18C80] =	vst v63  }
0x248: {  	_ =	swait.ge [sflag:s15], $0x4000  }
0x249: {  	[sflag:s15] =	ssyncset.done $0x0  }
0x24a: {  	s1 =	rddreg [dreg:$0x1b];
	[sflag:s15] =	ssyncadd.s32 $0xFFFFC000  }
0x24b: {  	[tilespmem:s29], [sflag:$0x2] =	stream.indirect.gather [hbm4b:s3+s26], $0x80, s1, s26, $0xb8;
	[tilespmem:$0x18C80] =	vst v63  }
0x24c: {  	_ =	swait.ge [sflag:s9], $0x4000  }
0x24d: {  	[sflag:s9] =	ssyncset.done $0x0  }
0x24e: {  	s31 =	rddreg [dreg:$0x1c];
	[sflag:s9] =	ssyncadd.s32 $0xFFFFC000  }
0x24f: {  	[hbm4b:s31+s2] =	stream.linear.scatter [tilespmem:s22], [sflag:$0x4], $0x4000, $0x38;
	[tilespmem:$0x18C80] =	vst v63  }
0x250: {  	_ =	swait.ge [sflag:s13], $0x4000  }
0x251: {  	[sflag:s13] =	ssyncset.done $0x0  }
0x252: {  	s1 =	rddreg [dreg:$0x1d];
	[sflag:s13] =	ssyncadd.s32 $0xFFFFC000  }
0x253: {  	[tilespmem:s25], [sflag:$0x3] =	stream.indirect.gather [hbm4b:s3+s26], $0x80, s1, s26, $0xb8;
	[tilespmem:$0x18C80] =	vst v63  }
0x254: {  	_ =	swait.ge [sflag:s7], $0x4000  }
0x255: {  	[sflag:s7] =	ssyncset.done $0x0  }
0x256: {  	s31 =	rddreg [dreg:$0x1e];
	[sflag:s7] =	ssyncadd.s32 $0xFFFFC000  }
0x257: {  	[hbm4b:s31+s2] =	stream.linear.scatter [tilespmem:s19], [sflag:$0x5], $0x4000, $0x38;
	[tilespmem:$0x18C80] =	vst v63  }
0x258: {  	_ =	swait.ge [sflag:s9], $0x4000  }
0x259: {  	[sflag:s9] =	ssyncset.done $0x0  }
0x25a: {  	s1 =	rddreg [dreg:$0x1f];
	[sflag:s9] =	ssyncadd.s32 $0xFFFFC000  }
0x25b: {  	[tilespmem:s22], [sflag:$0x4] =	stream.indirect.gather [hbm4b:s3+s26], $0x80, s1, s26, $0xb8;
	[tilespmem:$0x18C80] =	vst v63  }
0x25c: {  	_ =	swait.ge [sflag:s5], $0x4000  }
0x25d: {  	s31 =	sld [smem:$0x7F4]  }
0x25e: {  	[sflag:s5] =	ssyncset.done $0x0  }
0x25f: {  	[sflag:s5] =	ssyncadd.s32 $0xFFFFC000  }
0x260: {  	[hbm4b:s31+s2] =	stream.linear.scatter [tilespmem:s16], [sflag:$0x6], $0x4000, $0x38;
	[tilespmem:$0x18C80] =	vst v63  }
0x261: {  	_ =	swait.ge [sflag:s7], $0x4000  }
0x262: {  	s1 =	sld [smem:$0x7F5]  }
0x263: {  	[sflag:s7] =	ssyncset.done $0x0  }
0x264: {  	[sflag:s7] =	ssyncadd.s32 $0xFFFFC000  }
0x265: {  	[tilespmem:s19], [sflag:$0x5] =	stream.indirect.gather [hbm4b:s3+s26], $0x80, s1, s26, $0xb8;
	[tilespmem:$0x18C80] =	vst v63  }
0x266: {  	_ =	swait.ge [sflag:s12], $0x4000  }
0x267: {  	s31 =	sld [smem:$0x7F6]  }
0x268: {  	[sflag:s12] =	ssyncset.done $0x0  }
0x269: {  	[sflag:s12] =	ssyncadd.s32 $0xFFFFC000  }
0x26a: {  	[hbm4b:s31+s2] =	stream.linear.scatter [tilespmem:s8], [sflag:$0x1], $0x4000, $0x38;
	[tilespmem:$0x18C80] =	vst v63  }
0x26b: {  	_ =	swait.ge [sflag:s5], $0x4000  }
0x26c: {  	s1 =	sld [smem:$0x7F7]  }
0x26d: {  	[sflag:s5] =	ssyncset.done $0x0  }
0x26e: {  	[sflag:s5] =	ssyncadd.s32 $0xFFFFC000  }
0x26f: {  	[tilespmem:s16], [sflag:$0x6] =	stream.indirect.gather [hbm4b:s3+s26], $0x80, s1, s26, $0xb8;
	[tilespmem:$0x18C80] =	vst v63  }
0x270: {  	_ =	swait.ge [sflag:s15], $0x4000  }
0x271: {  	s31 =	sld [smem:$0x7F8]  }
0x272: {  	[sflag:s15] =	ssyncset.done $0x0  }
0x273: {  	[sflag:s15] =	ssyncadd.s32 $0xFFFFC000  }
0x274: {  	[hbm4b:s31+s2] =	stream.linear.scatter [tilespmem:s29], [sflag:$0x2], $0x4000, $0x38;
	[tilespmem:$0x18C80] =	vst v63  }
0x275: {  	_ =	swait.ge [sflag:s12], $0x4000  }
0x276: {  	s1 =	sld [smem:$0x7F9]  }
0x277: {  	[sflag:s12] =	ssyncset.done $0x0  }
0x278: {  	[sflag:s12] =	ssyncadd.s32 $0xFFFFC000  }
0x279: {  	[tilespmem:s8], [sflag:$0x1] =	stream.indirect.gather [hbm4b:s3+s26], $0x80, s1, s26, $0xb8;
	[tilespmem:$0x18C80] =	vst v63  }
0x27a: {  	_ =	swait.ge [sflag:s13], $0x4000  }
0x27b: {  	s31 =	sld [smem:$0x7FA]  }
0x27c: {  	[sflag:s13] =	ssyncset.done $0x0  }
0x27d: {  	[sflag:s13] =	ssyncadd.s32 $0xFFFFC000  }
0x27e: {  	[hbm4b:s31+s2] =	stream.linear.scatter [tilespmem:s25], [sflag:$0x3], $0x4000, $0x38;
	[tilespmem:$0x18C80] =	vst v63  }
0x27f: {  	_ =	swait.ge [sflag:s15], $0x4000  }
0x280: {  	s1 =	sld [smem:$0x7FB]  }
0x281: {  	[sflag:s15] =	ssyncset.done $0x0  }
0x282: {  	[sflag:s15] =	ssyncadd.s32 $0xFFFFC000  }
0x283: {  	[tilespmem:s29], [sflag:$0x2] =	stream.indirect.gather [hbm4b:s3+s26], $0x80, s1, s26, $0xb8;
	[tilespmem:$0x18C80] =	vst v63  }
0x284: {  	_ =	swait.ge [sflag:s9], $0x4000  }
0x285: {  	s31 =	sld [smem:$0x7FC]  }
0x286: {  	[sflag:s9] =	ssyncset.done $0x0  }
0x287: {  	[sflag:s9] =	ssyncadd.s32 $0xFFFFC000  }
0x288: {  	[hbm4b:s31+s2] =	stream.linear.scatter [tilespmem:s22], [sflag:$0x4], $0x4000, $0x38;
	[tilespmem:$0x18C80] =	vst v63  }
0x289: {  	_ =	swait.ge [sflag:s13], $0x4000  }
0x28a: {  	s1 =	sld [smem:$0x7FD]  }
0x28b: {  	[sflag:s13] =	ssyncset.done $0x0  }
0x28c: {  	[sflag:s13] =	ssyncadd.s32 $0xFFFFC000  }
0x28d: {  	[tilespmem:s25], [sflag:$0x3] =	stream.indirect.gather [hbm4b:s3+s26], $0x80, s1, s26, $0xb8;
	[tilespmem:$0x18C80] =	vst v63  }
0x28e: {  	_ =	swait.ge [sflag:s7], $0x4000  }
0x28f: {  	[sflag:s7] =	ssyncset.done $0x0  }
0x290: {  	[sflag:s7] =	ssyncadd.s32 $0xFFFFC000  }
0x291: {  	[hbm4b:s28+s2] =	stream.linear.scatter [tilespmem:s19], [sflag:$0x5], $0x4000, $0x38;
	[tilespmem:$0x18C80] =	vst v63  }
0x292: {  	_ =	swait.ge [sflag:s9], $0x4000  }
0x293: {  	[sflag:s9] =	ssyncset.done $0x0  }
0x294: {  	[sflag:s9] =	ssyncadd.s32 $0xFFFFC000  }
0x295: {  	[tilespmem:s22], [sflag:$0x4] =	stream.indirect.gather [hbm4b:s3+s26], $0x80, s23, s26, $0xb8;
	[tilespmem:$0x18C80] =	vst v63  }
0x296: {  	_ =	swait.ge [sflag:s5], $0x4000  }
0x297: {  	[sflag:s5] =	ssyncset.done $0x0  }
0x298: {  	[sflag:s5] =	ssyncadd.s32 $0xFFFFC000  }
0x299: {  	[hbm4b:s21+s2] =	stream.linear.scatter [tilespmem:s16], [sflag:$0x6], $0x4000, $0x38;
	[tilespmem:$0x18C80] =	vst v63  }
0x29a: {  	_ =	swait.ge [sflag:s7], $0x4000  }
0x29b: {  	[sflag:s7] =	ssyncset.done $0x0  }
0x29c: {  	[sflag:s7] =	ssyncadd.s32 $0xFFFFC000  }
0x29d: {  	[tilespmem:s19], [sflag:$0x5] =	stream.indirect.gather [hbm4b:s3+s26], $0x80, s24, s26, $0xb8;
	[tilespmem:$0x18C80] =	vst v63  }
0x29e: {  	_ =	swait.ge [sflag:s12], $0x4000  }
0x29f: {  	[sflag:s12] =	ssyncset.done $0x0  }
0x2a0: {  	[sflag:s12] =	ssyncadd.s32 $0xFFFFC000  }
0x2a1: {  	[hbm4b:s20+s2] =	stream.linear.scatter [tilespmem:s8], [sflag:$0x1], $0x4000, $0x38;
	[tilespmem:$0x18C80] =	vst v63  }
0x2a2: {  	_ =	swait.ge [sflag:s5], $0x4000  }
0x2a3: {  	[sflag:s5] =	ssyncset.done $0x0  }
0x2a4: {  	[sflag:s5] =	ssyncadd.s32 $0xFFFFC000  }
0x2a5: {  	[tilespmem:s16], [sflag:$0x6] =	stream.indirect.gather [hbm4b:s3+s26], $0x80, s17, s26, $0xb8;
	[tilespmem:$0x18C80] =	vst v63  }
0x2a6: {  	_ =	swait.ge [sflag:s15], $0x4000  }
0x2a7: {  	[sflag:s15] =	ssyncset.done $0x0  }
0x2a8: {  	[sflag:s15] =	ssyncadd.s32 $0xFFFFC000  }
0x2a9: {  	[hbm4b:s18+s2] =	stream.linear.scatter [tilespmem:s29], [sflag:$0x2], $0x4000, $0x38;
	[tilespmem:$0x18C80] =	vst v63  }
0x2aa: {  	_ =	swait.ge [sflag:s12], $0x4000  }
0x2ab: {  	[sflag:s12] =	ssyncset.done $0x0  }
0x2ac: {  	[sflag:s12] =	ssyncadd.s32 $0xFFFFC000  }
0x2ad: {  	[tilespmem:s8], [sflag:$0x1] =	stream.indirect.gather [hbm4b:s3+s26], $0x80, s30, s26, $0xb8;
	[tilespmem:$0x18C80] =	vst v63  }
0x2ae: {  	_ =	swait.ge [sflag:s13], $0x4000  }
0x2af: {  	[sflag:s13] =	ssyncset.done $0x0  }
0x2b0: {  	[sflag:s13] =	ssyncadd.s32 $0xFFFFC000  }
0x2b1: {  	[hbm4b:s14+s2] =	stream.linear.scatter [tilespmem:s25], [sflag:$0x3], $0x4000, $0x38;
	[tilespmem:$0x18C80] =	vst v63  }
0x2b2: {  	_ =	swait.ge [sflag:s9], $0x4000  }
0x2b3: {  	[sflag:s9] =	ssyncset.done $0x0  }
0x2b4: {  	[sflag:s9] =	ssyncadd.s32 $0xFFFFC000  }
0x2b5: {  	[hbm4b:s10+s2] =	stream.linear.scatter [tilespmem:s22], [sflag:$0x4], $0x4000, $0x38;
	[tilespmem:$0x18C80] =	vst v63  }
0x2b6: {  	_ =	swait.ge [sflag:s7], $0x4000  }
0x2b7: {  	[sflag:s7] =	ssyncset.done $0x0  }
0x2b8: {  	[sflag:s7] =	ssyncadd.s32 $0xFFFFC000  }
0x2b9: {  	[hbm4b:s11+s2] =	stream.linear.scatter [tilespmem:s19], [sflag:$0x5], $0x4000, $0x38;
	[tilespmem:$0x18C80] =	vst v63  }
0x2ba: {  	_ =	swait.ge [sflag:s5], $0x4000  }
0x2bb: {  	[sflag:s5] =	ssyncset.done $0x0  }
0x2bc: {  	[sflag:s5] =	ssyncadd.s32 $0xFFFFC000  }
0x2bd: {  	[hbm4b:s6+s2] =	stream.linear.scatter [tilespmem:s16], [sflag:$0x6], $0x4000, $0x38;
	[tilespmem:$0x18C80] =	vst v63  }
0x2be: {  	_ =	swait.ge [sflag:s12], $0x4000  }
0x2bf: {  	[sflag:s12] =	ssyncset.done $0x0  }
0x2c0: {  	[sflag:s12] =	ssyncadd.s32 $0xFFFFC000  }
0x2c1: {  	[hbm4b:s4+s2] =	stream.linear.scatter [tilespmem:s8], [sflag:$0x1], $0x4000, $0x38;
	[tilespmem:$0x18C80] =	vst v63  }
0x2c2: {  	_ =	swait.ge [sflag:s12], $0x4000  }
0x2c3: {  	[sflag:s12] =	ssyncset.done $0x0  }
0x2c4: {  	[sflag:s12] =	ssyncadd.s32 $0xFFFFC000  }
0x2c5: {  	_ =	swait.ge [sflag:s15], $0x4000  }
0x2c6: {  	[sflag:s15] =	ssyncset.done $0x0  }
0x2c7: {  	[sflag:s15] =	ssyncadd.s32 $0xFFFFC000  }
0x2c8: {  	_ =	swait.ge [sflag:s13], $0x4000  }
0x2c9: {  	[sflag:s13] =	ssyncset.done $0x0  }
0x2ca: {  	[sflag:s13] =	ssyncadd.s32 $0xFFFFC000  }
0x2cb: {  	_ =	swait.ge [sflag:s9], $0x4000  }
0x2cc: {  	[sflag:s9] =	ssyncset.done $0x0  }
0x2cd: {  	[sflag:s9] =	ssyncadd.s32 $0xFFFFC000  }
0x2ce: {  	_ =	swait.ge [sflag:s7], $0x4000  }
0x2cf: {  	[sflag:s7] =	ssyncset.done $0x0  }
0x2d0: {  	[sflag:s7] =	ssyncadd.s32 $0xFFFFC000  }
0x2d1: {  	_ =	swait.ge [sflag:s5], $0x4000  }
0x2d2: {  	[sflag:s5] =	ssyncset.done $0x0  }
0x2d3: {  	[sflag:s5] =	ssyncadd.s32 $0xFFFFC000  }
0x2d4: {  	_ =	sfence.sel $0x180000  }
0x2d5: {  	[bflag:$0x0] =	sbarrier.arrive $0xFFFF  }
0x2d6: {  	_ =	strace $0x90000047  }
0x2d7: {  	s31 =	stileid.u32;
	[bflag:$0x2] =	sbarrier.arrive $0xFFFF  }
0x2d8: {  	p0 =	sne.s32 s31, $0x0;
	s0 =	rddreg [dreg:$0x3]  }
0x2d9: {  	s0 =	sadd.s32 @!p0 $0x100000, s0  }
0x2da: {  	[sflag:s0] =	ssyncadd.tile.s32 @!p0 $0x1;
	_ =	shalt  }
.LBB2_1:
.Ltmp3:
0x2db: {  	(pc) =	sbr.rel .LBB2_6-.Ltmp3, $2  }
0x2dc: {  	_ =	sdelay $0x2  }
0x2dd: {  	s30 =	simm.s32 $0xC00  }
.LBB2_3:
.Ltmp4:
0x2de: {  	(pc) =	sbr.rel .LBB2_6-.Ltmp4, $2  }
0x2df: {  	_ =	sdelay $0x2  }
0x2e0: {  	s30 =	simm.s32 $0xC00  }
.Lfunc_end2:
_tile_overlayer_lowered:
.L_overlay_start_2:
0x2e1: {  	(tag) =	ssettag $0x2  }
0x2e2: {  	s0 =	rddreg [dreg:$0x0];
	s2 =	stileid.u32  }
0x2e3: {  	s1 =	rddreg [dreg:$0x1];
	p0 =	sne.s32 s2, $0x0  }
0x2e4: {  	s3 =	rddreg [dreg:$0x2];
	[bflag:$0x3] =	sbarrier.arrive $0xFFFF;
	s2 =	simm.s32 @!p0 $0x1C07  }
0x2e5: {  	[timem:s3], [sflag:s2] =	dma.local @!p0 [hbm:s0], s1  }
0x2e6: {  	s0 =	simm.s32 @!p0 $0x7  }
0x2e7: {  	_ =	swait.ge @!p0 [sflag:s0], s1  }
0x2e8: {  	s1 =	ssub.s32 @!p0 $0x0, s1;
	[sflag:s0] =	ssyncset.done @!p0 $0x0  }
0x2e9: {  	[sflag:s0] =	ssyncadd.s32 @!p0 s1  }
0x2ea: {  	[bflag:$0x3] =	sbarrier.arrive $0xFFFF  }
0x2eb: {  	_ =	shalt  }

</sc_bundles>
